<compile_context>
chip_gen: v7x
topology: tpu7x:2x2x1
jax: 0.10.2.dev20260603
libtpu: 0.0.44.dev20260713+nightly
codegen_flags: <defaults>
</compile_context>

<pallas_src>
import functools

import jax
import jax.numpy as jnp
from jax import lax
from jax.experimental import pallas as pl
from jax.experimental.pallas import tpu as pltpu
from jax.experimental.pallas import tpu_sc as plsc

BATCH = 16384
D = 16
ROWS_PER_BLK = 128 // D
NC = 2
NS = 16
NW = NC * NS
BPW = BATCH // NW
CHUNK = 256
NCH = BPW // CHUNK


def _body(user_hbm, item_i_hbm, item_j_hbm, utab_hbm, itab_hbm, out_hbm,
          uidx, iidx, jidx, ublk, iblk, jblk, urows, irows, jrows,
          pos_v, neg_v, sem):
    wid = lax.axis_index("s") * NC + lax.axis_index("c")
    base = wid * BPW

    pltpu.sync_copy(user_hbm.at[pl.ds(base, BPW)], uidx)
    pltpu.sync_copy(item_i_hbm.at[pl.ds(base, BPW)], iidx)
    pltpu.sync_copy(item_j_hbm.at[pl.ds(base, BPW)], jidx)

    for src, dst in ((uidx, ublk), (iidx, iblk), (jidx, jblk)):
        for k in range(BPW // 16):
            dst[pl.ds(k * 16, 16)] = lax.shift_right_logical(
                src[pl.ds(k * 16, 16)], 3)

    tabs = ((utab_hbm, uidx, ublk, urows), (itab_hbm, iidx, iblk, irows),
            (itab_hbm, jidx, jblk, jrows))
    lane16 = lax.iota(jnp.int32, 16)

    for ch in range(NCH):
        off = ch * CHUNK
        copies = [
            pltpu.async_copy(tab.at[blk.at[pl.ds(off, CHUNK)]], rows, sem)
            for tab, _, blk, rows in tabs
        ]
        for c in copies:
            c.wait()

        @plsc.parallel_loop(off, off + CHUNK, step=16, carry=jnp.int32(0))
        def _group(r0, carry):
            rowv = lane16 + (r0 - off)
            uv = uidx[pl.ds(r0, 16)]
            iv = iidx[pl.ds(r0, 16)]
            jv = jidx[pl.ds(r0, 16)]
            lu = (uv & 7) * D
            li = (iv & 7) * D
            lj = (jv & 7) * D
            accp = jnp.zeros((16,), jnp.float32)
            accn = jnp.zeros((16,), jnp.float32)
            for d in range(D):
                cu = plsc.load_gather(urows, [rowv, lu + d])
                ci = plsc.load_gather(irows, [rowv, li + d])
                cj = plsc.load_gather(jrows, [rowv, lj + d])
                accp = accp + cu * ci
                accn = accn + cu * cj
            pos_v[pl.ds(r0, 16)] = accp
            neg_v[pl.ds(r0, 16)] = accn
            return carry

    pltpu.sync_copy(pos_v, out_hbm.at[pl.ds(base, BPW)])
    pltpu.sync_copy(neg_v, out_hbm.at[pl.ds(BATCH + base, BPW)])


def kernel(user, item_i, item_j, user_table, item_table):
    user = user.astype(jnp.int32)
    item_i = item_i.astype(jnp.int32)
    item_j = item_j.astype(jnp.int32)
    utab = user_table.reshape(-1, 128)
    itab = item_table.reshape(-1, 128)
    mesh = plsc.VectorSubcoreMesh(core_axis_name="c", subcore_axis_name="s")
    run = functools.partial(
        pl.kernel,
        mesh=mesh,
        compiler_params=pltpu.CompilerParams(needs_layout_passes=False),
        out_type=jax.ShapeDtypeStruct((2 * BATCH,), jnp.float32),
        scratch_types=[
            pltpu.VMEM((BPW,), jnp.int32),
            pltpu.VMEM((BPW,), jnp.int32),
            pltpu.VMEM((BPW,), jnp.int32),
            pltpu.VMEM((BPW,), jnp.int32),
            pltpu.VMEM((BPW,), jnp.int32),
            pltpu.VMEM((BPW,), jnp.int32),
            pltpu.VMEM((CHUNK, 128), jnp.float32),
            pltpu.VMEM((CHUNK, 128), jnp.float32),
            pltpu.VMEM((CHUNK, 128), jnp.float32),
            pltpu.VMEM((BPW,), jnp.float32),
            pltpu.VMEM((BPW,), jnp.float32),
            pltpu.SemaphoreType.DMA,
        ],
    )(_body)
    return run(user, item_i, item_j, utab, itab)

# --- scband reference (transcript-rebuilt; emitter-appended) ---
"""Pipeline reference for scband-bpr-88201448391479 (READ-ONLY COPY).

The authoritative reference and input builder live on the scoring server;
editing this copy changes nothing except your own understanding.
"""

import jax, jax.numpy as jnp
import numpy as np

VOCAB = 1000000
EMBED_DIM = 16
BATCH = 16384

def setup_inputs(seed: int = 0) -> dict:
    key = jax.random.key(seed)
    k1, k2, k3, k4, k5 = jax.random.split(key, 5)
    user = jax.random.randint(k1, (BATCH,), 0, VOCAB, dtype=jnp.int64 if jax.config.jax_enable_x64 else jnp.int32)
    item_i = jax.random.randint(k2, (BATCH,), 0, VOCAB, dtype=user.dtype)
    item_j = jax.random.randint(k3, (BATCH,), 0, VOCAB, dtype=user.dtype)
    # learned parameters: both tables sized by user_sparse_feat['feat_num'] per original code
    user_table = jax.random.normal(k4, (VOCAB, EMBED_DIM), dtype=jnp.float32) * 0.05
    item_table = jax.random.normal(k5, (VOCAB, EMBED_DIM), dtype=jnp.float32) * 0.05
    return {"user": user, "item_i": item_i, "item_j": item_j,
            "user_table": user_table, "item_table": item_table}

def reference(user, item_i, item_j, user_table, item_table):
    # embedding lookups (gather)
    user_embed = jnp.take(user_table, user, axis=0)      # [B, d]
    item_i_embed = jnp.take(item_table, item_i, axis=0)  # [B, d]
    item_j_embed = jnp.take(item_table, item_j, axis=0)  # [B, d]
    pos_scores = jnp.sum(user_embed * item_i_embed, axis=-1)  # [B]
    neg_scores = jnp.sum(user_embed * item_j_embed, axis=-1)  # [B]
    # (BPR loss added via add_loss in original; forward output is the logits)
    logits = jnp.concatenate([pos_scores, neg_scores], axis=-1)  # [2B]
    return logits

if __name__ == "__main__":
    import jax
    _d = setup_inputs()
    print(jax.jit(kernel)(*tuple(_d.values())))

</pallas_src>

<mosaic_0001>
#map = affine_map<(d0, d1) -> (0)>
#map1 = affine_map<(d0, d1) -> (0, 0)>
module attributes {stable_mosaic.version = 14 : i64} {
  func.func @_body(%arg0: i32, %arg1: i32, %arg2: memref<16384xi32, #tpu.memory_space<hbm>>, %arg3: memref<16384xi32, #tpu.memory_space<hbm>>, %arg4: memref<16384xi32, #tpu.memory_space<hbm>>, %arg5: memref<125000x128xf32, #tpu.memory_space<hbm>>, %arg6: memref<125000x128xf32, #tpu.memory_space<hbm>>, %arg7: memref<32768xf32, #tpu.memory_space<hbm>>, %arg8: memref<512xi32, #tpu.memory_space<vmem>>, %arg9: memref<512xi32, #tpu.memory_space<vmem>>, %arg10: memref<512xi32, #tpu.memory_space<vmem>>, %arg11: memref<512xi32, #tpu.memory_space<vmem>>, %arg12: memref<512xi32, #tpu.memory_space<vmem>>, %arg13: memref<512xi32, #tpu.memory_space<vmem>>, %arg14: memref<256x128xf32, #tpu.memory_space<vmem>>, %arg15: memref<256x128xf32, #tpu.memory_space<vmem>>, %arg16: memref<256x128xf32, #tpu.memory_space<vmem>>, %arg17: memref<512xf32, #tpu.memory_space<vmem>>, %arg18: memref<512xf32, #tpu.memory_space<vmem>>, %arg19: memref<!tpu.dma_semaphore, #tpu.memory_space<semaphore_mem>>) attributes {dimension_semantics = [#tpu.dimension_semantics<core_parallel>, #tpu.dimension_semantics<subcore_parallel>], iteration_bounds = array<i64: 2, 16>, scalar_prefetch = 0 : i64, scratch_operands = 12 : i64, tpu.core_type = #tpu.core_type<sc_vector_subcore>, window_params = [{transform_indices = #map}, {transform_indices = #map}, {transform_indices = #map}, {transform_indices = #map1}, {transform_indices = #map1}, {transform_indices = #map}]} {
    %mul3A = arith.constant 2 : i32
    %mul3A_0 = arith.muli %arg1, %mul3A : i32
    %add3A = arith.addi %mul3A_0, %arg0 : i32
    %mul3A_1 = arith.constant 512 : i32
    %mul3A_2 = arith.muli %add3A, %mul3A_1 : i32
    "tpu.region"() ({
      %run_scoped3A = tpu.sem_alloc : memref<!tpu.dma_semaphore, #tpu.memory_space<semaphore_mem>>
      %dma_start3A_741 = tpu.memref_slice %arg2[%mul3A_2] : memref<16384xi32, #tpu.memory_space<hbm>> -> memref<512xi32, #tpu.memory_space<hbm>>
      %dma_start3A_742 = tpu.memref_slice %arg2[%mul3A_2] : memref<16384xi32, #tpu.memory_space<hbm>> -> memref<512xi32, #tpu.memory_space<hbm>>
      tpu.enqueue_dma source(%dma_start3A_742 : memref<512xi32, #tpu.memory_space<hbm>>) target(%arg8 : memref<512xi32, #tpu.memory_space<vmem>>) target_semaphore(%run_scoped3A : memref<!tpu.dma_semaphore, #tpu.memory_space<semaphore_mem>>)
      %dma_wait3A_743 = tpu.memref_slice %arg2[%mul3A_2] : memref<16384xi32, #tpu.memory_space<hbm>> -> memref<512xi32, #tpu.memory_space<hbm>>
      %dma_wait3A_744 = tpu.memref_slice %arg2[%mul3A_2] : memref<16384xi32, #tpu.memory_space<hbm>> -> memref<512xi32, #tpu.memory_space<hbm>>
      tpu.wait_dma2 semaphore(%run_scoped3A : memref<!tpu.dma_semaphore, #tpu.memory_space<semaphore_mem>>) src(%dma_wait3A_744 : memref<512xi32, #tpu.memory_space<hbm>>) dst(%arg8 : memref<512xi32, #tpu.memory_space<vmem>>)
      tpu.yield
    }) : () -> ()
    "tpu.region"() ({
      %run_scoped3A = tpu.sem_alloc : memref<!tpu.dma_semaphore, #tpu.memory_space<semaphore_mem>>
      %dma_start3A_741 = tpu.memref_slice %arg3[%mul3A_2] : memref<16384xi32, #tpu.memory_space<hbm>> -> memref<512xi32, #tpu.memory_space<hbm>>
      %dma_start3A_742 = tpu.memref_slice %arg3[%mul3A_2] : memref<16384xi32, #tpu.memory_space<hbm>> -> memref<512xi32, #tpu.memory_space<hbm>>
      tpu.enqueue_dma source(%dma_start3A_742 : memref<512xi32, #tpu.memory_space<hbm>>) target(%arg9 : memref<512xi32, #tpu.memory_space<vmem>>) target_semaphore(%run_scoped3A : memref<!tpu.dma_semaphore, #tpu.memory_space<semaphore_mem>>)
      %dma_wait3A_743 = tpu.memref_slice %arg3[%mul3A_2] : memref<16384xi32, #tpu.memory_space<hbm>> -> memref<512xi32, #tpu.memory_space<hbm>>
      %dma_wait3A_744 = tpu.memref_slice %arg3[%mul3A_2] : memref<16384xi32, #tpu.memory_space<hbm>> -> memref<512xi32, #tpu.memory_space<hbm>>
      tpu.wait_dma2 semaphore(%run_scoped3A : memref<!tpu.dma_semaphore, #tpu.memory_space<semaphore_mem>>) src(%dma_wait3A_744 : memref<512xi32, #tpu.memory_space<hbm>>) dst(%arg9 : memref<512xi32, #tpu.memory_space<vmem>>)
      tpu.yield
    }) : () -> ()
    "tpu.region"() ({
      %run_scoped3A = tpu.sem_alloc : memref<!tpu.dma_semaphore, #tpu.memory_space<semaphore_mem>>
      %dma_start3A_741 = tpu.memref_slice %arg4[%mul3A_2] : memref<16384xi32, #tpu.memory_space<hbm>> -> memref<512xi32, #tpu.memory_space<hbm>>
      %dma_start3A_742 = tpu.memref_slice %arg4[%mul3A_2] : memref<16384xi32, #tpu.memory_space<hbm>> -> memref<512xi32, #tpu.memory_space<hbm>>
      tpu.enqueue_dma source(%dma_start3A_742 : memref<512xi32, #tpu.memory_space<hbm>>) target(%arg10 : memref<512xi32, #tpu.memory_space<vmem>>) target_semaphore(%run_scoped3A : memref<!tpu.dma_semaphore, #tpu.memory_space<semaphore_mem>>)
      %dma_wait3A_743 = tpu.memref_slice %arg4[%mul3A_2] : memref<16384xi32, #tpu.memory_space<hbm>> -> memref<512xi32, #tpu.memory_space<hbm>>
      %dma_wait3A_744 = tpu.memref_slice %arg4[%mul3A_2] : memref<16384xi32, #tpu.memory_space<hbm>> -> memref<512xi32, #tpu.memory_space<hbm>>
      tpu.wait_dma2 semaphore(%run_scoped3A : memref<!tpu.dma_semaphore, #tpu.memory_space<semaphore_mem>>) src(%dma_wait3A_744 : memref<512xi32, #tpu.memory_space<hbm>>) dst(%arg10 : memref<512xi32, #tpu.memory_space<vmem>>)
      tpu.yield
    }) : () -> ()
    %get3A = arith.constant 0 : index
    %get3A_3 = tpu.vector_load %arg8[%get3A] {strides = array<i32>} : memref<512xi32, #tpu.memory_space<vmem>>, vector<16xi32>,
    %shift_right_logical3A = arith.constant 3 : i32
    %shift_right_logical3A_4 = vector.broadcast %shift_right_logical3A : i32 to vector<16xi32>
    %shift_right_logical3A_5 = arith.shrui %get3A_3, %shift_right_logical3A_4 : vector<16xi32>
    %swap3A = arith.constant 0 : index
    %swap3A_6 = tpu.vector_load %arg11[%swap3A] {strides = array<i32>} : memref<512xi32, #tpu.memory_space<vmem>>, vector<16xi32>,
    tpu.vector_store %arg11[%swap3A], %shift_right_logical3A_5 {strides = array<i32>} : memref<512xi32, #tpu.memory_space<vmem>>, vector<16xi32>,
    %get3A_7 = arith.constant 16 : index
    %get3A_8 = tpu.vector_load %arg8[%get3A_7] {strides = array<i32>} : memref<512xi32, #tpu.memory_space<vmem>>, vector<16xi32>,
    %shift_right_logical3A_9 = arith.constant 3 : i32
    %shift_right_logical3A_10 = vector.broadcast %shift_right_logical3A_9 : i32 to vector<16xi32>
    %shift_right_logical3A_11 = arith.shrui %get3A_8, %shift_right_logical3A_10 : vector<16xi32>
    %swap3A_12 = arith.constant 16 : index
    %swap3A_13 = tpu.vector_load %arg11[%swap3A_12] {strides = array<i32>} : memref<512xi32, #tpu.memory_space<vmem>>, vector<16xi32>,
    tpu.vector_store %arg11[%swap3A_12], %shift_right_logical3A_11 {strides = array<i32>} : memref<512xi32, #tpu.memory_space<vmem>>, vector<16xi32>,
    %get3A_14 = arith.constant 32 : index
    %get3A_15 = tpu.vector_load %arg8[%get3A_14] {strides = array<i32>} : memref<512xi32, #tpu.memory_space<vmem>>, vector<16xi32>,
    %shift_right_logical3A_16 = arith.constant 3 : i32
    %shift_right_logical3A_17 = vector.broadcast %shift_right_logical3A_16 : i32 to vector<16xi32>
    %shift_right_logical3A_18 = arith.shrui %get3A_15, %shift_right_logical3A_17 : vector<16xi32>
    %swap3A_19 = arith.constant 32 : index
    %swap3A_20 = tpu.vector_load %arg11[%swap3A_19] {strides = array<i32>} : memref<512xi32, #tpu.memory_space<vmem>>, vector<16xi32>,
    tpu.vector_store %arg11[%swap3A_19], %shift_right_logical3A_18 {strides = array<i32>} : memref<512xi32, #tpu.memory_space<vmem>>, vector<16xi32>,
    %get3A_21 = arith.constant 48 : index
    %get3A_22 = tpu.vector_load %arg8[%get3A_21] {strides = array<i32>} : memref<512xi32, #tpu.memory_space<vmem>>, vector<16xi32>,
    %shift_right_logical3A_23 = arith.constant 3 : i32
    %shift_right_logical3A_24 = vector.broadcast %shift_right_logical3A_23 : i32 to vector<16xi32>
    %shift_right_logical3A_25 = arith.shrui %get3A_22, %shift_right_logical3A_24 : vector<16xi32>
    %swap3A_26 = arith.constant 48 : index
    %swap3A_27 = tpu.vector_load %arg11[%swap3A_26] {strides = array<i32>} : memref<512xi32, #tpu.memory_space<vmem>>, vector<16xi32>,
    tpu.vector_store %arg11[%swap3A_26], %shift_right_logical3A_25 {strides = array<i32>} : memref<512xi32, #tpu.memory_space<vmem>>, vector<16xi32>,
    %get3A_28 = arith.constant 64 : index
    %get3A_29 = tpu.vector_load %arg8[%get3A_28] {strides = array<i32>} : memref<512xi32, #tpu.memory_space<vmem>>, vector<16xi32>,
    %shift_right_logical3A_30 = arith.constant 3 : i32
    %shift_right_logical3A_31 = vector.broadcast %shift_right_logical3A_30 : i32 to vector<16xi32>
    %shift_right_logical3A_32 = arith.shrui %get3A_29, %shift_right_logical3A_31 : vector<16xi32>
    %swap3A_33 = arith.constant 64 : index
    %swap3A_34 = tpu.vector_load %arg11[%swap3A_33] {strides = array<i32>} : memref<512xi32, #tpu.memory_space<vmem>>, vector<16xi32>,
    tpu.vector_store %arg11[%swap3A_33], %shift_right_logical3A_32 {strides = array<i32>} : memref<512xi32, #tpu.memory_space<vmem>>, vector<16xi32>,
    %get3A_35 = arith.constant 80 : index
    %get3A_36 = tpu.vector_load %arg8[%get3A_35] {strides = array<i32>} : memref<512xi32, #tpu.memory_space<vmem>>, vector<16xi32>,
    %shift_right_logical3A_37 = arith.constant 3 : i32
    %shift_right_logical3A_38 = vector.broadcast %shift_right_logical3A_37 : i32 to vector<16xi32>
    %shift_right_logical3A_39 = arith.shrui %get3A_36, %shift_right_logical3A_38 : vector<16xi32>
    %swap3A_40 = arith.constant 80 : index
    %swap3A_41 = tpu.vector_load %arg11[%swap3A_40] {strides = array<i32>} : memref<512xi32, #tpu.memory_space<vmem>>, vector<16xi32>,
    tpu.vector_store %arg11[%swap3A_40], %shift_right_logical3A_39 {strides = array<i32>} : memref<512xi32, #tpu.memory_space<vmem>>, vector<16xi32>,
    %get3A_42 = arith.constant 96 : index
    %get3A_43 = tpu.vector_load %arg8[%get3A_42] {strides = array<i32>} : memref<512xi32, #tpu.memory_space<vmem>>, vector<16xi32>,
    %shift_right_logical3A_44 = arith.constant 3 : i32
    %shift_right_logical3A_45 = vector.broadcast %shift_right_logical3A_44 : i32 to vector<16xi32>
    %shift_right_logical3A_46 = arith.shrui %get3A_43, %shift_right_logical3A_45 : vector<16xi32>
    %swap3A_47 = arith.constant 96 : index
    %swap3A_48 = tpu.vector_load %arg11[%swap3A_47] {strides = array<i32>} : memref<512xi32, #tpu.memory_space<vmem>>, vector<16xi32>,
    tpu.vector_store %arg11[%swap3A_47], %shift_right_logical3A_46 {strides = array<i32>} : memref<512xi32, #tpu.memory_space<vmem>>, vector<16xi32>,
    %get3A_49 = arith.constant 112 : index
    %get3A_50 = tpu.vector_load %arg8[%get3A_49] {strides = array<i32>} : memref<512xi32, #tpu.memory_space<vmem>>, vector<16xi32>,
    %shift_right_logical3A_51 = arith.constant 3 : i32
    %shift_right_logical3A_52 = vector.broadcast %shift_right_logical3A_51 : i32 to vector<16xi32>
    %shift_right_logical3A_53 = arith.shrui %get3A_50, %shift_right_logical3A_52 : vector<16xi32>
    %swap3A_54 = arith.constant 112 : index
    %swap3A_55 = tpu.vector_load %arg11[%swap3A_54] {strides = array<i32>} : memref<512xi32, #tpu.memory_space<vmem>>, vector<16xi32>,
    tpu.vector_store %arg11[%swap3A_54], %shift_right_logical3A_53 {strides = array<i32>} : memref<512xi32, #tpu.memory_space<vmem>>, vector<16xi32>,
    %get3A_56 = arith.constant 128 : index
    %get3A_57 = tpu.vector_load %arg8[%get3A_56] {strides = array<i32>} : memref<512xi32, #tpu.memory_space<vmem>>, vector<16xi32>,
    %shift_right_logical3A_58 = arith.constant 3 : i32
    %shift_right_logical3A_59 = vector.broadcast %shift_right_logical3A_58 : i32 to vector<16xi32>
    %shift_right_logical3A_60 = arith.shrui %get3A_57, %shift_right_logical3A_59 : vector<16xi32>
    %swap3A_61 = arith.constant 128 : index
    %swap3A_62 = tpu.vector_load %arg11[%swap3A_61] {strides = array<i32>} : memref<512xi32, #tpu.memory_space<vmem>>, vector<16xi32>,
    tpu.vector_store %arg11[%swap3A_61], %shift_right_logical3A_60 {strides = array<i32>} : memref<512xi32, #tpu.memory_space<vmem>>, vector<16xi32>,
    %get3A_63 = arith.constant 144 : index
    %get3A_64 = tpu.vector_load %arg8[%get3A_63] {strides = array<i32>} : memref<512xi32, #tpu.memory_space<vmem>>, vector<16xi32>,
    %shift_right_logical3A_65 = arith.constant 3 : i32
    %shift_right_logical3A_66 = vector.broadcast %shift_right_logical3A_65 : i32 to vector<16xi32>
    %shift_right_logical3A_67 = arith.shrui %get3A_64, %shift_right_logical3A_66 : vector<16xi32>
    %swap3A_68 = arith.constant 144 : index
    %swap3A_69 = tpu.vector_load %arg11[%swap3A_68] {strides = array<i32>} : memref<512xi32, #tpu.memory_space<vmem>>, vector<16xi32>,
    tpu.vector_store %arg11[%swap3A_68], %shift_right_logical3A_67 {strides = array<i32>} : memref<512xi32, #tpu.memory_space<vmem>>, vector<16xi32>,
    %get3A_70 = arith.constant 160 : index
    %get3A_71 = tpu.vector_load %arg8[%get3A_70] {strides = array<i32>} : memref<512xi32, #tpu.memory_space<vmem>>, vector<16xi32>,
    %shift_right_logical3A_72 = arith.constant 3 : i32
    %shift_right_logical3A_73 = vector.broadcast %shift_right_logical3A_72 : i32 to vector<16xi32>
    %shift_right_logical3A_74 = arith.shrui %get3A_71, %shift_right_logical3A_73 : vector<16xi32>
    %swap3A_75 = arith.constant 160 : index
    %swap3A_76 = tpu.vector_load %arg11[%swap3A_75] {strides = array<i32>} : memref<512xi32, #tpu.memory_space<vmem>>, vector<16xi32>,
    tpu.vector_store %arg11[%swap3A_75], %shift_right_logical3A_74 {strides = array<i32>} : memref<512xi32, #tpu.memory_space<vmem>>, vector<16xi32>,
    %get3A_77 = arith.constant 176 : index
    %get3A_78 = tpu.vector_load %arg8[%get3A_77] {strides = array<i32>} : memref<512xi32, #tpu.memory_space<vmem>>, vector<16xi32>,
    %shift_right_logical3A_79 = arith.constant 3 : i32
    %shift_right_logical3A_80 = vector.broadcast %shift_right_logical3A_79 : i32 to vector<16xi32>
    %shift_right_logical3A_81 = arith.shrui %get3A_78, %shift_right_logical3A_80 : vector<16xi32>
    %swap3A_82 = arith.constant 176 : index
    %swap3A_83 = tpu.vector_load %arg11[%swap3A_82] {strides = array<i32>} : memref<512xi32, #tpu.memory_space<vmem>>, vector<16xi32>,
    tpu.vector_store %arg11[%swap3A_82], %shift_right_logical3A_81 {strides = array<i32>} : memref<512xi32, #tpu.memory_space<vmem>>, vector<16xi32>,
    %get3A_84 = arith.constant 192 : index
    %get3A_85 = tpu.vector_load %arg8[%get3A_84] {strides = array<i32>} : memref<512xi32, #tpu.memory_space<vmem>>, vector<16xi32>,
    %shift_right_logical3A_86 = arith.constant 3 : i32
    %shift_right_logical3A_87 = vector.broadcast %shift_right_logical3A_86 : i32 to vector<16xi32>
    %shift_right_logical3A_88 = arith.shrui %get3A_85, %shift_right_logical3A_87 : vector<16xi32>
    %swap3A_89 = arith.constant 192 : index
    %swap3A_90 = tpu.vector_load %arg11[%swap3A_89] {strides = array<i32>} : memref<512xi32, #tpu.memory_space<vmem>>, vector<16xi32>,
    tpu.vector_store %arg11[%swap3A_89], %shift_right_logical3A_88 {strides = array<i32>} : memref<512xi32, #tpu.memory_space<vmem>>, vector<16xi32>,
    %get3A_91 = arith.constant 208 : index
    %get3A_92 = tpu.vector_load %arg8[%get3A_91] {strides = array<i32>} : memref<512xi32, #tpu.memory_space<vmem>>, vector<16xi32>,
    %shift_right_logical3A_93 = arith.constant 3 : i32
    %shift_right_logical3A_94 = vector.broadcast %shift_right_logical3A_93 : i32 to vector<16xi32>
    %shift_right_logical3A_95 = arith.shrui %get3A_92, %shift_right_logical3A_94 : vector<16xi32>
    %swap3A_96 = arith.constant 208 : index
    %swap3A_97 = tpu.vector_load %arg11[%swap3A_96] {strides = array<i32>} : memref<512xi32, #tpu.memory_space<vmem>>, vector<16xi32>,
    tpu.vector_store %arg11[%swap3A_96], %shift_right_logical3A_95 {strides = array<i32>} : memref<512xi32, #tpu.memory_space<vmem>>, vector<16xi32>,
    %get3A_98 = arith.constant 224 : index
    %get3A_99 = tpu.vector_load %arg8[%get3A_98] {strides = array<i32>} : memref<512xi32, #tpu.memory_space<vmem>>, vector<16xi32>,
    %shift_right_logical3A_100 = arith.constant 3 : i32
    %shift_right_logical3A_101 = vector.broadcast %shift_right_logical3A_100 : i32 to vector<16xi32>
    %shift_right_logical3A_102 = arith.shrui %get3A_99, %shift_right_logical3A_101 : vector<16xi32>
    %swap3A_103 = arith.constant 224 : index
    %swap3A_104 = tpu.vector_load %arg11[%swap3A_103] {strides = array<i32>} : memref<512xi32, #tpu.memory_space<vmem>>, vector<16xi32>,
    tpu.vector_store %arg11[%swap3A_103], %shift_right_logical3A_102 {strides = array<i32>} : memref<512xi32, #tpu.memory_space<vmem>>, vector<16xi32>,
    %get3A_105 = arith.constant 240 : index
    %get3A_106 = tpu.vector_load %arg8[%get3A_105] {strides = array<i32>} : memref<512xi32, #tpu.memory_space<vmem>>, vector<16xi32>,
    %shift_right_logical3A_107 = arith.constant 3 : i32
    %shift_right_logical3A_108 = vector.broadcast %shift_right_logical3A_107 : i32 to vector<16xi32>
    %shift_right_logical3A_109 = arith.shrui %get3A_106, %shift_right_logical3A_108 : vector<16xi32>
    %swap3A_110 = arith.constant 240 : index
    %swap3A_111 = tpu.vector_load %arg11[%swap3A_110] {strides = array<i32>} : memref<512xi32, #tpu.memory_space<vmem>>, vector<16xi32>,
    tpu.vector_store %arg11[%swap3A_110], %shift_right_logical3A_109 {strides = array<i32>} : memref<512xi32, #tpu.memory_space<vmem>>, vector<16xi32>,
    %get3A_112 = arith.constant 256 : index
    %get3A_113 = tpu.vector_load %arg8[%get3A_112] {strides = array<i32>} : memref<512xi32, #tpu.memory_space<vmem>>, vector<16xi32>,
    %shift_right_logical3A_114 = arith.constant 3 : i32
    %shift_right_logical3A_115 = vector.broadcast %shift_right_logical3A_114 : i32 to vector<16xi32>
    %shift_right_logical3A_116 = arith.shrui %get3A_113, %shift_right_logical3A_115 : vector<16xi32>
    %swap3A_117 = arith.constant 256 : index
    %swap3A_118 = tpu.vector_load %arg11[%swap3A_117] {strides = array<i32>} : memref<512xi32, #tpu.memory_space<vmem>>, vector<16xi32>,
    tpu.vector_store %arg11[%swap3A_117], %shift_right_logical3A_116 {strides = array<i32>} : memref<512xi32, #tpu.memory_space<vmem>>, vector<16xi32>,
    %get3A_119 = arith.constant 272 : index
    %get3A_120 = tpu.vector_load %arg8[%get3A_119] {strides = array<i32>} : memref<512xi32, #tpu.memory_space<vmem>>, vector<16xi32>,
    %shift_right_logical3A_121 = arith.constant 3 : i32
    %shift_right_logical3A_122 = vector.broadcast %shift_right_logical3A_121 : i32 to vector<16xi32>
    %shift_right_logical3A_123 = arith.shrui %get3A_120, %shift_right_logical3A_122 : vector<16xi32>
    %swap3A_124 = arith.constant 272 : index
    %swap3A_125 = tpu.vector_load %arg11[%swap3A_124] {strides = array<i32>} : memref<512xi32, #tpu.memory_space<vmem>>, vector<16xi32>,
    tpu.vector_store %arg11[%swap3A_124], %shift_right_logical3A_123 {strides = array<i32>} : memref<512xi32, #tpu.memory_space<vmem>>, vector<16xi32>,
    %get3A_126 = arith.constant 288 : index
    %get3A_127 = tpu.vector_load %arg8[%get3A_126] {strides = array<i32>} : memref<512xi32, #tpu.memory_space<vmem>>, vector<16xi32>,
    %shift_right_logical3A_128 = arith.constant 3 : i32
    %shift_right_logical3A_129 = vector.broadcast %shift_right_logical3A_128 : i32 to vector<16xi32>
    %shift_right_logical3A_130 = arith.shrui %get3A_127, %shift_right_logical3A_129 : vector<16xi32>
    %swap3A_131 = arith.constant 288 : index
    %swap3A_132 = tpu.vector_load %arg11[%swap3A_131] {strides = array<i32>} : memref<512xi32, #tpu.memory_space<vmem>>, vector<16xi32>,
    tpu.vector_store %arg11[%swap3A_131], %shift_right_logical3A_130 {strides = array<i32>} : memref<512xi32, #tpu.memory_space<vmem>>, vector<16xi32>,
    %get3A_133 = arith.constant 304 : index
    %get3A_134 = tpu.vector_load %arg8[%get3A_133] {strides = array<i32>} : memref<512xi32, #tpu.memory_space<vmem>>, vector<16xi32>,
    %shift_right_logical3A_135 = arith.constant 3 : i32
    %shift_right_logical3A_136 = vector.broadcast %shift_right_logical3A_135 : i32 to vector<16xi32>
    %shift_right_logical3A_137 = arith.shrui %get3A_134, %shift_right_logical3A_136 : vector<16xi32>
    %swap3A_138 = arith.constant 304 : index
    %swap3A_139 = tpu.vector_load %arg11[%swap3A_138] {strides = array<i32>} : memref<512xi32, #tpu.memory_space<vmem>>, vector<16xi32>,
    tpu.vector_store %arg11[%swap3A_138], %shift_right_logical3A_137 {strides = array<i32>} : memref<512xi32, #tpu.memory_space<vmem>>, vector<16xi32>,
    %get3A_140 = arith.constant 320 : index
    %get3A_141 = tpu.vector_load %arg8[%get3A_140] {strides = array<i32>} : memref<512xi32, #tpu.memory_space<vmem>>, vector<16xi32>,
    %shift_right_logical3A_142 = arith.constant 3 : i32
    %shift_right_logical3A_143 = vector.broadcast %shift_right_logical3A_142 : i32 to vector<16xi32>
    %shift_right_logical3A_144 = arith.shrui %get3A_141, %shift_right_logical3A_143 : vector<16xi32>
    %swap3A_145 = arith.constant 320 : index
    %swap3A_146 = tpu.vector_load %arg11[%swap3A_145] {strides = array<i32>} : memref<512xi32, #tpu.memory_space<vmem>>, vector<16xi32>,
    tpu.vector_store %arg11[%swap3A_145], %shift_right_logical3A_144 {strides = array<i32>} : memref<512xi32, #tpu.memory_space<vmem>>, vector<16xi32>,
    %get3A_147 = arith.constant 336 : index
    %get3A_148 = tpu.vector_load %arg8[%get3A_147] {strides = array<i32>} : memref<512xi32, #tpu.memory_space<vmem>>, vector<16xi32>,
    %shift_right_logical3A_149 = arith.constant 3 : i32
    %shift_right_logical3A_150 = vector.broadcast %shift_right_logical3A_149 : i32 to vector<16xi32>
    %shift_right_logical3A_151 = arith.shrui %get3A_148, %shift_right_logical3A_150 : vector<16xi32>
    %swap3A_152 = arith.constant 336 : index
    %swap3A_153 = tpu.vector_load %arg11[%swap3A_152] {strides = array<i32>} : memref<512xi32, #tpu.memory_space<vmem>>, vector<16xi32>,
    tpu.vector_store %arg11[%swap3A_152], %shift_right_logical3A_151 {strides = array<i32>} : memref<512xi32, #tpu.memory_space<vmem>>, vector<16xi32>,
    %get3A_154 = arith.constant 352 : index
    %get3A_155 = tpu.vector_load %arg8[%get3A_154] {strides = array<i32>} : memref<512xi32, #tpu.memory_space<vmem>>, vector<16xi32>,
    %shift_right_logical3A_156 = arith.constant 3 : i32
    %shift_right_logical3A_157 = vector.broadcast %shift_right_logical3A_156 : i32 to vector<16xi32>
    %shift_right_logical3A_158 = arith.shrui %get3A_155, %shift_right_logical3A_157 : vector<16xi32>
    %swap3A_159 = arith.constant 352 : index
    %swap3A_160 = tpu.vector_load %arg11[%swap3A_159] {strides = array<i32>} : memref<512xi32, #tpu.memory_space<vmem>>, vector<16xi32>,
    tpu.vector_store %arg11[%swap3A_159], %shift_right_logical3A_158 {strides = array<i32>} : memref<512xi32, #tpu.memory_space<vmem>>, vector<16xi32>,
    %get3A_161 = arith.constant 368 : index
    %get3A_162 = tpu.vector_load %arg8[%get3A_161] {strides = array<i32>} : memref<512xi32, #tpu.memory_space<vmem>>, vector<16xi32>,
    %shift_right_logical3A_163 = arith.constant 3 : i32
    %shift_right_logical3A_164 = vector.broadcast %shift_right_logical3A_163 : i32 to vector<16xi32>
    %shift_right_logical3A_165 = arith.shrui %get3A_162, %shift_right_logical3A_164 : vector<16xi32>
    %swap3A_166 = arith.constant 368 : index
    %swap3A_167 = tpu.vector_load %arg11[%swap3A_166] {strides = array<i32>} : memref<512xi32, #tpu.memory_space<vmem>>, vector<16xi32>,
    tpu.vector_store %arg11[%swap3A_166], %shift_right_logical3A_165 {strides = array<i32>} : memref<512xi32, #tpu.memory_space<vmem>>, vector<16xi32>,
    %get3A_168 = arith.constant 384 : index
    %get3A_169 = tpu.vector_load %arg8[%get3A_168] {strides = array<i32>} : memref<512xi32, #tpu.memory_space<vmem>>, vector<16xi32>,
    %shift_right_logical3A_170 = arith.constant 3 : i32
    %shift_right_logical3A_171 = vector.broadcast %shift_right_logical3A_170 : i32 to vector<16xi32>
    %shift_right_logical3A_172 = arith.shrui %get3A_169, %shift_right_logical3A_171 : vector<16xi32>
    %swap3A_173 = arith.constant 384 : index
    %swap3A_174 = tpu.vector_load %arg11[%swap3A_173] {strides = array<i32>} : memref<512xi32, #tpu.memory_space<vmem>>, vector<16xi32>,
    tpu.vector_store %arg11[%swap3A_173], %shift_right_logical3A_172 {strides = array<i32>} : memref<512xi32, #tpu.memory_space<vmem>>, vector<16xi32>,
    %get3A_175 = arith.constant 400 : index
    %get3A_176 = tpu.vector_load %arg8[%get3A_175] {strides = array<i32>} : memref<512xi32, #tpu.memory_space<vmem>>, vector<16xi32>,
    %shift_right_logical3A_177 = arith.constant 3 : i32
    %shift_right_logical3A_178 = vector.broadcast %shift_right_logical3A_177 : i32 to vector<16xi32>
    %shift_right_logical3A_179 = arith.shrui %get3A_176, %shift_right_logical3A_178 : vector<16xi32>
    %swap3A_180 = arith.constant 400 : index
    %swap3A_181 = tpu.vector_load %arg11[%swap3A_180] {strides = array<i32>} : memref<512xi32, #tpu.memory_space<vmem>>, vector<16xi32>,
    tpu.vector_store %arg11[%swap3A_180], %shift_right_logical3A_179 {strides = array<i32>} : memref<512xi32, #tpu.memory_space<vmem>>, vector<16xi32>,
    %get3A_182 = arith.constant 416 : index
    %get3A_183 = tpu.vector_load %arg8[%get3A_182] {strides = array<i32>} : memref<512xi32, #tpu.memory_space<vmem>>, vector<16xi32>,
    %shift_right_logical3A_184 = arith.constant 3 : i32
    %shift_right_logical3A_185 = vector.broadcast %shift_right_logical3A_184 : i32 to vector<16xi32>
    %shift_right_logical3A_186 = arith.shrui %get3A_183, %shift_right_logical3A_185 : vector<16xi32>
    %swap3A_187 = arith.constant 416 : index
    %swap3A_188 = tpu.vector_load %arg11[%swap3A_187] {strides = array<i32>} : memref<512xi32, #tpu.memory_space<vmem>>, vector<16xi32>,
    tpu.vector_store %arg11[%swap3A_187], %shift_right_logical3A_186 {strides = array<i32>} : memref<512xi32, #tpu.memory_space<vmem>>, vector<16xi32>,
    %get3A_189 = arith.constant 432 : index
    %get3A_190 = tpu.vector_load %arg8[%get3A_189] {strides = array<i32>} : memref<512xi32, #tpu.memory_space<vmem>>, vector<16xi32>,
    %shift_right_logical3A_191 = arith.constant 3 : i32
    %shift_right_logical3A_192 = vector.broadcast %shift_right_logical3A_191 : i32 to vector<16xi32>
    %shift_right_logical3A_193 = arith.shrui %get3A_190, %shift_right_logical3A_192 : vector<16xi32>
    %swap3A_194 = arith.constant 432 : index
    %swap3A_195 = tpu.vector_load %arg11[%swap3A_194] {strides = array<i32>} : memref<512xi32, #tpu.memory_space<vmem>>, vector<16xi32>,
    tpu.vector_store %arg11[%swap3A_194], %shift_right_logical3A_193 {strides = array<i32>} : memref<512xi32, #tpu.memory_space<vmem>>, vector<16xi32>,
    %get3A_196 = arith.constant 448 : index
    %get3A_197 = tpu.vector_load %arg8[%get3A_196] {strides = array<i32>} : memref<512xi32, #tpu.memory_space<vmem>>, vector<16xi32>,
    %shift_right_logical3A_198 = arith.constant 3 : i32
    %shift_right_logical3A_199 = vector.broadcast %shift_right_logical3A_198 : i32 to vector<16xi32>
    %shift_right_logical3A_200 = arith.shrui %get3A_197, %shift_right_logical3A_199 : vector<16xi32>
    %swap3A_201 = arith.constant 448 : index
    %swap3A_202 = tpu.vector_load %arg11[%swap3A_201] {strides = array<i32>} : memref<512xi32, #tpu.memory_space<vmem>>, vector<16xi32>,
    tpu.vector_store %arg11[%swap3A_201], %shift_right_logical3A_200 {strides = array<i32>} : memref<512xi32, #tpu.memory_space<vmem>>, vector<16xi32>,
    %get3A_203 = arith.constant 464 : index
    %get3A_204 = tpu.vector_load %arg8[%get3A_203] {strides = array<i32>} : memref<512xi32, #tpu.memory_space<vmem>>, vector<16xi32>,
    %shift_right_logical3A_205 = arith.constant 3 : i32
    %shift_right_logical3A_206 = vector.broadcast %shift_right_logical3A_205 : i32 to vector<16xi32>
    %shift_right_logical3A_207 = arith.shrui %get3A_204, %shift_right_logical3A_206 : vector<16xi32>
    %swap3A_208 = arith.constant 464 : index
    %swap3A_209 = tpu.vector_load %arg11[%swap3A_208] {strides = array<i32>} : memref<512xi32, #tpu.memory_space<vmem>>, vector<16xi32>,
    tpu.vector_store %arg11[%swap3A_208], %shift_right_logical3A_207 {strides = array<i32>} : memref<512xi32, #tpu.memory_space<vmem>>, vector<16xi32>,
    %get3A_210 = arith.constant 480 : index
    %get3A_211 = tpu.vector_load %arg8[%get3A_210] {strides = array<i32>} : memref<512xi32, #tpu.memory_space<vmem>>, vector<16xi32>,
    %shift_right_logical3A_212 = arith.constant 3 : i32
    %shift_right_logical3A_213 = vector.broadcast %shift_right_logical3A_212 : i32 to vector<16xi32>
    %shift_right_logical3A_214 = arith.shrui %get3A_211, %shift_right_logical3A_213 : vector<16xi32>
    %swap3A_215 = arith.constant 480 : index
    %swap3A_216 = tpu.vector_load %arg11[%swap3A_215] {strides = array<i32>} : memref<512xi32, #tpu.memory_space<vmem>>, vector<16xi32>,
    tpu.vector_store %arg11[%swap3A_215], %shift_right_logical3A_214 {strides = array<i32>} : memref<512xi32, #tpu.memory_space<vmem>>, vector<16xi32>,
    %get3A_217 = arith.constant 496 : index
    %get3A_218 = tpu.vector_load %arg8[%get3A_217] {strides = array<i32>} : memref<512xi32, #tpu.memory_space<vmem>>, vector<16xi32>,
    %shift_right_logical3A_219 = arith.constant 3 : i32
    %shift_right_logical3A_220 = vector.broadcast %shift_right_logical3A_219 : i32 to vector<16xi32>
    %shift_right_logical3A_221 = arith.shrui %get3A_218, %shift_right_logical3A_220 : vector<16xi32>
    %swap3A_222 = arith.constant 496 : index
    %swap3A_223 = tpu.vector_load %arg11[%swap3A_222] {strides = array<i32>} : memref<512xi32, #tpu.memory_space<vmem>>, vector<16xi32>,
    tpu.vector_store %arg11[%swap3A_222], %shift_right_logical3A_221 {strides = array<i32>} : memref<512xi32, #tpu.memory_space<vmem>>, vector<16xi32>,
    %get3A_224 = arith.constant 0 : index
    %get3A_225 = tpu.vector_load %arg9[%get3A_224] {strides = array<i32>} : memref<512xi32, #tpu.memory_space<vmem>>, vector<16xi32>,
    %shift_right_logical3A_226 = arith.constant 3 : i32
    %shift_right_logical3A_227 = vector.broadcast %shift_right_logical3A_226 : i32 to vector<16xi32>
    %shift_right_logical3A_228 = arith.shrui %get3A_225, %shift_right_logical3A_227 : vector<16xi32>
    %swap3A_229 = arith.constant 0 : index
    %swap3A_230 = tpu.vector_load %arg12[%swap3A_229] {strides = array<i32>} : memref<512xi32, #tpu.memory_space<vmem>>, vector<16xi32>,
    tpu.vector_store %arg12[%swap3A_229], %shift_right_logical3A_228 {strides = array<i32>} : memref<512xi32, #tpu.memory_space<vmem>>, vector<16xi32>,
    %get3A_231 = arith.constant 16 : index
    %get3A_232 = tpu.vector_load %arg9[%get3A_231] {strides = array<i32>} : memref<512xi32, #tpu.memory_space<vmem>>, vector<16xi32>,
    %shift_right_logical3A_233 = arith.constant 3 : i32
    %shift_right_logical3A_234 = vector.broadcast %shift_right_logical3A_233 : i32 to vector<16xi32>
    %shift_right_logical3A_235 = arith.shrui %get3A_232, %shift_right_logical3A_234 : vector<16xi32>
    %swap3A_236 = arith.constant 16 : index
    %swap3A_237 = tpu.vector_load %arg12[%swap3A_236] {strides = array<i32>} : memref<512xi32, #tpu.memory_space<vmem>>, vector<16xi32>,
    tpu.vector_store %arg12[%swap3A_236], %shift_right_logical3A_235 {strides = array<i32>} : memref<512xi32, #tpu.memory_space<vmem>>, vector<16xi32>,
    %get3A_238 = arith.constant 32 : index
    %get3A_239 = tpu.vector_load %arg9[%get3A_238] {strides = array<i32>} : memref<512xi32, #tpu.memory_space<vmem>>, vector<16xi32>,
    %shift_right_logical3A_240 = arith.constant 3 : i32
    %shift_right_logical3A_241 = vector.broadcast %shift_right_logical3A_240 : i32 to vector<16xi32>
    %shift_right_logical3A_242 = arith.shrui %get3A_239, %shift_right_logical3A_241 : vector<16xi32>
    %swap3A_243 = arith.constant 32 : index
    %swap3A_244 = tpu.vector_load %arg12[%swap3A_243] {strides = array<i32>} : memref<512xi32, #tpu.memory_space<vmem>>, vector<16xi32>,
    tpu.vector_store %arg12[%swap3A_243], %shift_right_logical3A_242 {strides = array<i32>} : memref<512xi32, #tpu.memory_space<vmem>>, vector<16xi32>,
    %get3A_245 = arith.constant 48 : index
    %get3A_246 = tpu.vector_load %arg9[%get3A_245] {strides = array<i32>} : memref<512xi32, #tpu.memory_space<vmem>>, vector<16xi32>,
    %shift_right_logical3A_247 = arith.constant 3 : i32
    %shift_right_logical3A_248 = vector.broadcast %shift_right_logical3A_247 : i32 to vector<16xi32>
    %shift_right_logical3A_249 = arith.shrui %get3A_246, %shift_right_logical3A_248 : vector<16xi32>
    %swap3A_250 = arith.constant 48 : index
    %swap3A_251 = tpu.vector_load %arg12[%swap3A_250] {strides = array<i32>} : memref<512xi32, #tpu.memory_space<vmem>>, vector<16xi32>,
    tpu.vector_store %arg12[%swap3A_250], %shift_right_logical3A_249 {strides = array<i32>} : memref<512xi32, #tpu.memory_space<vmem>>, vector<16xi32>,
    %get3A_252 = arith.constant 64 : index
    %get3A_253 = tpu.vector_load %arg9[%get3A_252] {strides = array<i32>} : memref<512xi32, #tpu.memory_space<vmem>>, vector<16xi32>,
    %shift_right_logical3A_254 = arith.constant 3 : i32
    %shift_right_logical3A_255 = vector.broadcast %shift_right_logical3A_254 : i32 to vector<16xi32>
    %shift_right_logical3A_256 = arith.shrui %get3A_253, %shift_right_logical3A_255 : vector<16xi32>
    %swap3A_257 = arith.constant 64 : index
    %swap3A_258 = tpu.vector_load %arg12[%swap3A_257] {strides = array<i32>} : memref<512xi32, #tpu.memory_space<vmem>>, vector<16xi32>,
    tpu.vector_store %arg12[%swap3A_257], %shift_right_logical3A_256 {strides = array<i32>} : memref<512xi32, #tpu.memory_space<vmem>>, vector<16xi32>,
    %get3A_259 = arith.constant 80 : index
    %get3A_260 = tpu.vector_load %arg9[%get3A_259] {strides = array<i32>} : memref<512xi32, #tpu.memory_space<vmem>>, vector<16xi32>,
    %shift_right_logical3A_261 = arith.constant 3 : i32
    %shift_right_logical3A_262 = vector.broadcast %shift_right_logical3A_261 : i32 to vector<16xi32>
    %shift_right_logical3A_263 = arith.shrui %get3A_260, %shift_right_logical3A_262 : vector<16xi32>
    %swap3A_264 = arith.constant 80 : index
    %swap3A_265 = tpu.vector_load %arg12[%swap3A_264] {strides = array<i32>} : memref<512xi32, #tpu.memory_space<vmem>>, vector<16xi32>,
    tpu.vector_store %arg12[%swap3A_264], %shift_right_logical3A_263 {strides = array<i32>} : memref<512xi32, #tpu.memory_space<vmem>>, vector<16xi32>,
    %get3A_266 = arith.constant 96 : index
    %get3A_267 = tpu.vector_load %arg9[%get3A_266] {strides = array<i32>} : memref<512xi32, #tpu.memory_space<vmem>>, vector<16xi32>,
    %shift_right_logical3A_268 = arith.constant 3 : i32
    %shift_right_logical3A_269 = vector.broadcast %shift_right_logical3A_268 : i32 to vector<16xi32>
    %shift_right_logical3A_270 = arith.shrui %get3A_267, %shift_right_logical3A_269 : vector<16xi32>
    %swap3A_271 = arith.constant 96 : index
    %swap3A_272 = tpu.vector_load %arg12[%swap3A_271] {strides = array<i32>} : memref<512xi32, #tpu.memory_space<vmem>>, vector<16xi32>,
    tpu.vector_store %arg12[%swap3A_271], %shift_right_logical3A_270 {strides = array<i32>} : memref<512xi32, #tpu.memory_space<vmem>>, vector<16xi32>,
    %get3A_273 = arith.constant 112 : index
    %get3A_274 = tpu.vector_load %arg9[%get3A_273] {strides = array<i32>} : memref<512xi32, #tpu.memory_space<vmem>>, vector<16xi32>,
    %shift_right_logical3A_275 = arith.constant 3 : i32
    %shift_right_logical3A_276 = vector.broadcast %shift_right_logical3A_275 : i32 to vector<16xi32>
    %shift_right_logical3A_277 = arith.shrui %get3A_274, %shift_right_logical3A_276 : vector<16xi32>
    %swap3A_278 = arith.constant 112 : index
    %swap3A_279 = tpu.vector_load %arg12[%swap3A_278] {strides = array<i32>} : memref<512xi32, #tpu.memory_space<vmem>>, vector<16xi32>,
    tpu.vector_store %arg12[%swap3A_278], %shift_right_logical3A_277 {strides = array<i32>} : memref<512xi32, #tpu.memory_space<vmem>>, vector<16xi32>,
    %get3A_280 = arith.constant 128 : index
    %get3A_281 = tpu.vector_load %arg9[%get3A_280] {strides = array<i32>} : memref<512xi32, #tpu.memory_space<vmem>>, vector<16xi32>,
    %shift_right_logical3A_282 = arith.constant 3 : i32
    %shift_right_logical3A_283 = vector.broadcast %shift_right_logical3A_282 : i32 to vector<16xi32>
    %shift_right_logical3A_284 = arith.shrui %get3A_281, %shift_right_logical3A_283 : vector<16xi32>
    %swap3A_285 = arith.constant 128 : index
    %swap3A_286 = tpu.vector_load %arg12[%swap3A_285] {strides = array<i32>} : memref<512xi32, #tpu.memory_space<vmem>>, vector<16xi32>,
    tpu.vector_store %arg12[%swap3A_285], %shift_right_logical3A_284 {strides = array<i32>} : memref<512xi32, #tpu.memory_space<vmem>>, vector<16xi32>,
    %get3A_287 = arith.constant 144 : index
    %get3A_288 = tpu.vector_load %arg9[%get3A_287] {strides = array<i32>} : memref<512xi32, #tpu.memory_space<vmem>>, vector<16xi32>,
    %shift_right_logical3A_289 = arith.constant 3 : i32
    %shift_right_logical3A_290 = vector.broadcast %shift_right_logical3A_289 : i32 to vector<16xi32>
    %shift_right_logical3A_291 = arith.shrui %get3A_288, %shift_right_logical3A_290 : vector<16xi32>
    %swap3A_292 = arith.constant 144 : index
    %swap3A_293 = tpu.vector_load %arg12[%swap3A_292] {strides = array<i32>} : memref<512xi32, #tpu.memory_space<vmem>>, vector<16xi32>,
    tpu.vector_store %arg12[%swap3A_292], %shift_right_logical3A_291 {strides = array<i32>} : memref<512xi32, #tpu.memory_space<vmem>>, vector<16xi32>,
    %get3A_294 = arith.constant 160 : index
    %get3A_295 = tpu.vector_load %arg9[%get3A_294] {strides = array<i32>} : memref<512xi32, #tpu.memory_space<vmem>>, vector<16xi32>,
    %shift_right_logical3A_296 = arith.constant 3 : i32
    %shift_right_logical3A_297 = vector.broadcast %shift_right_logical3A_296 : i32 to vector<16xi32>
    %shift_right_logical3A_298 = arith.shrui %get3A_295, %shift_right_logical3A_297 : vector<16xi32>
    %swap3A_299 = arith.constant 160 : index
    %swap3A_300 = tpu.vector_load %arg12[%swap3A_299] {strides = array<i32>} : memref<512xi32, #tpu.memory_space<vmem>>, vector<16xi32>,
    tpu.vector_store %arg12[%swap3A_299], %shift_right_logical3A_298 {strides = array<i32>} : memref<512xi32, #tpu.memory_space<vmem>>, vector<16xi32>,
    %get3A_301 = arith.constant 176 : index
    %get3A_302 = tpu.vector_load %arg9[%get3A_301] {strides = array<i32>} : memref<512xi32, #tpu.memory_space<vmem>>, vector<16xi32>,
    %shift_right_logical3A_303 = arith.constant 3 : i32
    %shift_right_logical3A_304 = vector.broadcast %shift_right_logical3A_303 : i32 to vector<16xi32>
    %shift_right_logical3A_305 = arith.shrui %get3A_302, %shift_right_logical3A_304 : vector<16xi32>
    %swap3A_306 = arith.constant 176 : index
    %swap3A_307 = tpu.vector_load %arg12[%swap3A_306] {strides = array<i32>} : memref<512xi32, #tpu.memory_space<vmem>>, vector<16xi32>,
    tpu.vector_store %arg12[%swap3A_306], %shift_right_logical3A_305 {strides = array<i32>} : memref<512xi32, #tpu.memory_space<vmem>>, vector<16xi32>,
    %get3A_308 = arith.constant 192 : index
    %get3A_309 = tpu.vector_load %arg9[%get3A_308] {strides = array<i32>} : memref<512xi32, #tpu.memory_space<vmem>>, vector<16xi32>,
    %shift_right_logical3A_310 = arith.constant 3 : i32
    %shift_right_logical3A_311 = vector.broadcast %shift_right_logical3A_310 : i32 to vector<16xi32>
    %shift_right_logical3A_312 = arith.shrui %get3A_309, %shift_right_logical3A_311 : vector<16xi32>
    %swap3A_313 = arith.constant 192 : index
    %swap3A_314 = tpu.vector_load %arg12[%swap3A_313] {strides = array<i32>} : memref<512xi32, #tpu.memory_space<vmem>>, vector<16xi32>,
    tpu.vector_store %arg12[%swap3A_313], %shift_right_logical3A_312 {strides = array<i32>} : memref<512xi32, #tpu.memory_space<vmem>>, vector<16xi32>,
    %get3A_315 = arith.constant 208 : index
    %get3A_316 = tpu.vector_load %arg9[%get3A_315] {strides = array<i32>} : memref<512xi32, #tpu.memory_space<vmem>>, vector<16xi32>,
    %shift_right_logical3A_317 = arith.constant 3 : i32
    %shift_right_logical3A_318 = vector.broadcast %shift_right_logical3A_317 : i32 to vector<16xi32>
    %shift_right_logical3A_319 = arith.shrui %get3A_316, %shift_right_logical3A_318 : vector<16xi32>
    %swap3A_320 = arith.constant 208 : index
    %swap3A_321 = tpu.vector_load %arg12[%swap3A_320] {strides = array<i32>} : memref<512xi32, #tpu.memory_space<vmem>>, vector<16xi32>,
    tpu.vector_store %arg12[%swap3A_320], %shift_right_logical3A_319 {strides = array<i32>} : memref<512xi32, #tpu.memory_space<vmem>>, vector<16xi32>,
    %get3A_322 = arith.constant 224 : index
    %get3A_323 = tpu.vector_load %arg9[%get3A_322] {strides = array<i32>} : memref<512xi32, #tpu.memory_space<vmem>>, vector<16xi32>,
    %shift_right_logical3A_324 = arith.constant 3 : i32
    %shift_right_logical3A_325 = vector.broadcast %shift_right_logical3A_324 : i32 to vector<16xi32>
    %shift_right_logical3A_326 = arith.shrui %get3A_323, %shift_right_logical3A_325 : vector<16xi32>
    %swap3A_327 = arith.constant 224 : index
    %swap3A_328 = tpu.vector_load %arg12[%swap3A_327] {strides = array<i32>} : memref<512xi32, #tpu.memory_space<vmem>>, vector<16xi32>,
    tpu.vector_store %arg12[%swap3A_327], %shift_right_logical3A_326 {strides = array<i32>} : memref<512xi32, #tpu.memory_space<vmem>>, vector<16xi32>,
    %get3A_329 = arith.constant 240 : index
    %get3A_330 = tpu.vector_load %arg9[%get3A_329] {strides = array<i32>} : memref<512xi32, #tpu.memory_space<vmem>>, vector<16xi32>,
    %shift_right_logical3A_331 = arith.constant 3 : i32
    %shift_right_logical3A_332 = vector.broadcast %shift_right_logical3A_331 : i32 to vector<16xi32>
    %shift_right_logical3A_333 = arith.shrui %get3A_330, %shift_right_logical3A_332 : vector<16xi32>
    %swap3A_334 = arith.constant 240 : index
    %swap3A_335 = tpu.vector_load %arg12[%swap3A_334] {strides = array<i32>} : memref<512xi32, #tpu.memory_space<vmem>>, vector<16xi32>,
    tpu.vector_store %arg12[%swap3A_334], %shift_right_logical3A_333 {strides = array<i32>} : memref<512xi32, #tpu.memory_space<vmem>>, vector<16xi32>,
    %get3A_336 = arith.constant 256 : index
    %get3A_337 = tpu.vector_load %arg9[%get3A_336] {strides = array<i32>} : memref<512xi32, #tpu.memory_space<vmem>>, vector<16xi32>,
    %shift_right_logical3A_338 = arith.constant 3 : i32
    %shift_right_logical3A_339 = vector.broadcast %shift_right_logical3A_338 : i32 to vector<16xi32>
    %shift_right_logical3A_340 = arith.shrui %get3A_337, %shift_right_logical3A_339 : vector<16xi32>
    %swap3A_341 = arith.constant 256 : index
    %swap3A_342 = tpu.vector_load %arg12[%swap3A_341] {strides = array<i32>} : memref<512xi32, #tpu.memory_space<vmem>>, vector<16xi32>,
    tpu.vector_store %arg12[%swap3A_341], %shift_right_logical3A_340 {strides = array<i32>} : memref<512xi32, #tpu.memory_space<vmem>>, vector<16xi32>,
    %get3A_343 = arith.constant 272 : index
    %get3A_344 = tpu.vector_load %arg9[%get3A_343] {strides = array<i32>} : memref<512xi32, #tpu.memory_space<vmem>>, vector<16xi32>,
    %shift_right_logical3A_345 = arith.constant 3 : i32
    %shift_right_logical3A_346 = vector.broadcast %shift_right_logical3A_345 : i32 to vector<16xi32>
    %shift_right_logical3A_347 = arith.shrui %get3A_344, %shift_right_logical3A_346 : vector<16xi32>
    %swap3A_348 = arith.constant 272 : index
    %swap3A_349 = tpu.vector_load %arg12[%swap3A_348] {strides = array<i32>} : memref<512xi32, #tpu.memory_space<vmem>>, vector<16xi32>,
    tpu.vector_store %arg12[%swap3A_348], %shift_right_logical3A_347 {strides = array<i32>} : memref<512xi32, #tpu.memory_space<vmem>>, vector<16xi32>,
    %get3A_350 = arith.constant 288 : index
    %get3A_351 = tpu.vector_load %arg9[%get3A_350] {strides = array<i32>} : memref<512xi32, #tpu.memory_space<vmem>>, vector<16xi32>,
    %shift_right_logical3A_352 = arith.constant 3 : i32
    %shift_right_logical3A_353 = vector.broadcast %shift_right_logical3A_352 : i32 to vector<16xi32>
    %shift_right_logical3A_354 = arith.shrui %get3A_351, %shift_right_logical3A_353 : vector<16xi32>
    %swap3A_355 = arith.constant 288 : index
    %swap3A_356 = tpu.vector_load %arg12[%swap3A_355] {strides = array<i32>} : memref<512xi32, #tpu.memory_space<vmem>>, vector<16xi32>,
    tpu.vector_store %arg12[%swap3A_355], %shift_right_logical3A_354 {strides = array<i32>} : memref<512xi32, #tpu.memory_space<vmem>>, vector<16xi32>,
    %get3A_357 = arith.constant 304 : index
    %get3A_358 = tpu.vector_load %arg9[%get3A_357] {strides = array<i32>} : memref<512xi32, #tpu.memory_space<vmem>>, vector<16xi32>,
    %shift_right_logical3A_359 = arith.constant 3 : i32
    %shift_right_logical3A_360 = vector.broadcast %shift_right_logical3A_359 : i32 to vector<16xi32>
    %shift_right_logical3A_361 = arith.shrui %get3A_358, %shift_right_logical3A_360 : vector<16xi32>
    %swap3A_362 = arith.constant 304 : index
    %swap3A_363 = tpu.vector_load %arg12[%swap3A_362] {strides = array<i32>} : memref<512xi32, #tpu.memory_space<vmem>>, vector<16xi32>,
    tpu.vector_store %arg12[%swap3A_362], %shift_right_logical3A_361 {strides = array<i32>} : memref<512xi32, #tpu.memory_space<vmem>>, vector<16xi32>,
    %get3A_364 = arith.constant 320 : index
    %get3A_365 = tpu.vector_load %arg9[%get3A_364] {strides = array<i32>} : memref<512xi32, #tpu.memory_space<vmem>>, vector<16xi32>,
    %shift_right_logical3A_366 = arith.constant 3 : i32
    %shift_right_logical3A_367 = vector.broadcast %shift_right_logical3A_366 : i32 to vector<16xi32>
    %shift_right_logical3A_368 = arith.shrui %get3A_365, %shift_right_logical3A_367 : vector<16xi32>
    %swap3A_369 = arith.constant 320 : index
    %swap3A_370 = tpu.vector_load %arg12[%swap3A_369] {strides = array<i32>} : memref<512xi32, #tpu.memory_space<vmem>>, vector<16xi32>,
    tpu.vector_store %arg12[%swap3A_369], %shift_right_logical3A_368 {strides = array<i32>} : memref<512xi32, #tpu.memory_space<vmem>>, vector<16xi32>,
    %get3A_371 = arith.constant 336 : index
    %get3A_372 = tpu.vector_load %arg9[%get3A_371] {strides = array<i32>} : memref<512xi32, #tpu.memory_space<vmem>>, vector<16xi32>,
    %shift_right_logical3A_373 = arith.constant 3 : i32
    %shift_right_logical3A_374 = vector.broadcast %shift_right_logical3A_373 : i32 to vector<16xi32>
    %shift_right_logical3A_375 = arith.shrui %get3A_372, %shift_right_logical3A_374 : vector<16xi32>
    %swap3A_376 = arith.constant 336 : index
    %swap3A_377 = tpu.vector_load %arg12[%swap3A_376] {strides = array<i32>} : memref<512xi32, #tpu.memory_space<vmem>>, vector<16xi32>,
    tpu.vector_store %arg12[%swap3A_376], %shift_right_logical3A_375 {strides = array<i32>} : memref<512xi32, #tpu.memory_space<vmem>>, vector<16xi32>,
    %get3A_378 = arith.constant 352 : index
    %get3A_379 = tpu.vector_load %arg9[%get3A_378] {strides = array<i32>} : memref<512xi32, #tpu.memory_space<vmem>>, vector<16xi32>,
    %shift_right_logical3A_380 = arith.constant 3 : i32
    %shift_right_logical3A_381 = vector.broadcast %shift_right_logical3A_380 : i32 to vector<16xi32>
    %shift_right_logical3A_382 = arith.shrui %get3A_379, %shift_right_logical3A_381 : vector<16xi32>
    %swap3A_383 = arith.constant 352 : index
    %swap3A_384 = tpu.vector_load %arg12[%swap3A_383] {strides = array<i32>} : memref<512xi32, #tpu.memory_space<vmem>>, vector<16xi32>,
    tpu.vector_store %arg12[%swap3A_383], %shift_right_logical3A_382 {strides = array<i32>} : memref<512xi32, #tpu.memory_space<vmem>>, vector<16xi32>,
    %get3A_385 = arith.constant 368 : index
    %get3A_386 = tpu.vector_load %arg9[%get3A_385] {strides = array<i32>} : memref<512xi32, #tpu.memory_space<vmem>>, vector<16xi32>,
    %shift_right_logical3A_387 = arith.constant 3 : i32
    %shift_right_logical3A_388 = vector.broadcast %shift_right_logical3A_387 : i32 to vector<16xi32>
    %shift_right_logical3A_389 = arith.shrui %get3A_386, %shift_right_logical3A_388 : vector<16xi32>
    %swap3A_390 = arith.constant 368 : index
    %swap3A_391 = tpu.vector_load %arg12[%swap3A_390] {strides = array<i32>} : memref<512xi32, #tpu.memory_space<vmem>>, vector<16xi32>,
    tpu.vector_store %arg12[%swap3A_390], %shift_right_logical3A_389 {strides = array<i32>} : memref<512xi32, #tpu.memory_space<vmem>>, vector<16xi32>,
    %get3A_392 = arith.constant 384 : index
    %get3A_393 = tpu.vector_load %arg9[%get3A_392] {strides = array<i32>} : memref<512xi32, #tpu.memory_space<vmem>>, vector<16xi32>,
    %shift_right_logical3A_394 = arith.constant 3 : i32
    %shift_right_logical3A_395 = vector.broadcast %shift_right_logical3A_394 : i32 to vector<16xi32>
    %shift_right_logical3A_396 = arith.shrui %get3A_393, %shift_right_logical3A_395 : vector<16xi32>
    %swap3A_397 = arith.constant 384 : index
    %swap3A_398 = tpu.vector_load %arg12[%swap3A_397] {strides = array<i32>} : memref<512xi32, #tpu.memory_space<vmem>>, vector<16xi32>,
    tpu.vector_store %arg12[%swap3A_397], %shift_right_logical3A_396 {strides = array<i32>} : memref<512xi32, #tpu.memory_space<vmem>>, vector<16xi32>,
    %get3A_399 = arith.constant 400 : index
    %get3A_400 = tpu.vector_load %arg9[%get3A_399] {strides = array<i32>} : memref<512xi32, #tpu.memory_space<vmem>>, vector<16xi32>,
    %shift_right_logical3A_401 = arith.constant 3 : i32
    %shift_right_logical3A_402 = vector.broadcast %shift_right_logical3A_401 : i32 to vector<16xi32>
    %shift_right_logical3A_403 = arith.shrui %get3A_400, %shift_right_logical3A_402 : vector<16xi32>
    %swap3A_404 = arith.constant 400 : index
    %swap3A_405 = tpu.vector_load %arg12[%swap3A_404] {strides = array<i32>} : memref<512xi32, #tpu.memory_space<vmem>>, vector<16xi32>,
    tpu.vector_store %arg12[%swap3A_404], %shift_right_logical3A_403 {strides = array<i32>} : memref<512xi32, #tpu.memory_space<vmem>>, vector<16xi32>,
    %get3A_406 = arith.constant 416 : index
    %get3A_407 = tpu.vector_load %arg9[%get3A_406] {strides = array<i32>} : memref<512xi32, #tpu.memory_space<vmem>>, vector<16xi32>,
    %shift_right_logical3A_408 = arith.constant 3 : i32
    %shift_right_logical3A_409 = vector.broadcast %shift_right_logical3A_408 : i32 to vector<16xi32>
    %shift_right_logical3A_410 = arith.shrui %get3A_407, %shift_right_logical3A_409 : vector<16xi32>
    %swap3A_411 = arith.constant 416 : index
    %swap3A_412 = tpu.vector_load %arg12[%swap3A_411] {strides = array<i32>} : memref<512xi32, #tpu.memory_space<vmem>>, vector<16xi32>,
    tpu.vector_store %arg12[%swap3A_411], %shift_right_logical3A_410 {strides = array<i32>} : memref<512xi32, #tpu.memory_space<vmem>>, vector<16xi32>,
    %get3A_413 = arith.constant 432 : index
    %get3A_414 = tpu.vector_load %arg9[%get3A_413] {strides = array<i32>} : memref<512xi32, #tpu.memory_space<vmem>>, vector<16xi32>,
    %shift_right_logical3A_415 = arith.constant 3 : i32
    %shift_right_logical3A_416 = vector.broadcast %shift_right_logical3A_415 : i32 to vector<16xi32>
    %shift_right_logical3A_417 = arith.shrui %get3A_414, %shift_right_logical3A_416 : vector<16xi32>
    %swap3A_418 = arith.constant 432 : index
    %swap3A_419 = tpu.vector_load %arg12[%swap3A_418] {strides = array<i32>} : memref<512xi32, #tpu.memory_space<vmem>>, vector<16xi32>,
    tpu.vector_store %arg12[%swap3A_418], %shift_right_logical3A_417 {strides = array<i32>} : memref<512xi32, #tpu.memory_space<vmem>>, vector<16xi32>,
    %get3A_420 = arith.constant 448 : index
    %get3A_421 = tpu.vector_load %arg9[%get3A_420] {strides = array<i32>} : memref<512xi32, #tpu.memory_space<vmem>>, vector<16xi32>,
    %shift_right_logical3A_422 = arith.constant 3 : i32
    %shift_right_logical3A_423 = vector.broadcast %shift_right_logical3A_422 : i32 to vector<16xi32>
    %shift_right_logical3A_424 = arith.shrui %get3A_421, %shift_right_logical3A_423 : vector<16xi32>
    %swap3A_425 = arith.constant 448 : index
    %swap3A_426 = tpu.vector_load %arg12[%swap3A_425] {strides = array<i32>} : memref<512xi32, #tpu.memory_space<vmem>>, vector<16xi32>,
    tpu.vector_store %arg12[%swap3A_425], %shift_right_logical3A_424 {strides = array<i32>} : memref<512xi32, #tpu.memory_space<vmem>>, vector<16xi32>,
    %get3A_427 = arith.constant 464 : index
    %get3A_428 = tpu.vector_load %arg9[%get3A_427] {strides = array<i32>} : memref<512xi32, #tpu.memory_space<vmem>>, vector<16xi32>,
    %shift_right_logical3A_429 = arith.constant 3 : i32
    %shift_right_logical3A_430 = vector.broadcast %shift_right_logical3A_429 : i32 to vector<16xi32>
    %shift_right_logical3A_431 = arith.shrui %get3A_428, %shift_right_logical3A_430 : vector<16xi32>
    %swap3A_432 = arith.constant 464 : index
    %swap3A_433 = tpu.vector_load %arg12[%swap3A_432] {strides = array<i32>} : memref<512xi32, #tpu.memory_space<vmem>>, vector<16xi32>,
    tpu.vector_store %arg12[%swap3A_432], %shift_right_logical3A_431 {strides = array<i32>} : memref<512xi32, #tpu.memory_space<vmem>>, vector<16xi32>,
    %get3A_434 = arith.constant 480 : index
    %get3A_435 = tpu.vector_load %arg9[%get3A_434] {strides = array<i32>} : memref<512xi32, #tpu.memory_space<vmem>>, vector<16xi32>,
    %shift_right_logical3A_436 = arith.constant 3 : i32
    %shift_right_logical3A_437 = vector.broadcast %shift_right_logical3A_436 : i32 to vector<16xi32>
    %shift_right_logical3A_438 = arith.shrui %get3A_435, %shift_right_logical3A_437 : vector<16xi32>
    %swap3A_439 = arith.constant 480 : index
    %swap3A_440 = tpu.vector_load %arg12[%swap3A_439] {strides = array<i32>} : memref<512xi32, #tpu.memory_space<vmem>>, vector<16xi32>,
    tpu.vector_store %arg12[%swap3A_439], %shift_right_logical3A_438 {strides = array<i32>} : memref<512xi32, #tpu.memory_space<vmem>>, vector<16xi32>,
    %get3A_441 = arith.constant 496 : index
    %get3A_442 = tpu.vector_load %arg9[%get3A_441] {strides = array<i32>} : memref<512xi32, #tpu.memory_space<vmem>>, vector<16xi32>,
    %shift_right_logical3A_443 = arith.constant 3 : i32
    %shift_right_logical3A_444 = vector.broadcast %shift_right_logical3A_443 : i32 to vector<16xi32>
    %shift_right_logical3A_445 = arith.shrui %get3A_442, %shift_right_logical3A_444 : vector<16xi32>
    %swap3A_446 = arith.constant 496 : index
    %swap3A_447 = tpu.vector_load %arg12[%swap3A_446] {strides = array<i32>} : memref<512xi32, #tpu.memory_space<vmem>>, vector<16xi32>,
    tpu.vector_store %arg12[%swap3A_446], %shift_right_logical3A_445 {strides = array<i32>} : memref<512xi32, #tpu.memory_space<vmem>>, vector<16xi32>,
    %get3A_448 = arith.constant 0 : index
    %get3A_449 = tpu.vector_load %arg10[%get3A_448] {strides = array<i32>} : memref<512xi32, #tpu.memory_space<vmem>>, vector<16xi32>,
    %shift_right_logical3A_450 = arith.constant 3 : i32
    %shift_right_logical3A_451 = vector.broadcast %shift_right_logical3A_450 : i32 to vector<16xi32>
    %shift_right_logical3A_452 = arith.shrui %get3A_449, %shift_right_logical3A_451 : vector<16xi32>
    %swap3A_453 = arith.constant 0 : index
    %swap3A_454 = tpu.vector_load %arg13[%swap3A_453] {strides = array<i32>} : memref<512xi32, #tpu.memory_space<vmem>>, vector<16xi32>,
    tpu.vector_store %arg13[%swap3A_453], %shift_right_logical3A_452 {strides = array<i32>} : memref<512xi32, #tpu.memory_space<vmem>>, vector<16xi32>,
    %get3A_455 = arith.constant 16 : index
    %get3A_456 = tpu.vector_load %arg10[%get3A_455] {strides = array<i32>} : memref<512xi32, #tpu.memory_space<vmem>>, vector<16xi32>,
    %shift_right_logical3A_457 = arith.constant 3 : i32
    %shift_right_logical3A_458 = vector.broadcast %shift_right_logical3A_457 : i32 to vector<16xi32>
    %shift_right_logical3A_459 = arith.shrui %get3A_456, %shift_right_logical3A_458 : vector<16xi32>
    %swap3A_460 = arith.constant 16 : index
    %swap3A_461 = tpu.vector_load %arg13[%swap3A_460] {strides = array<i32>} : memref<512xi32, #tpu.memory_space<vmem>>, vector<16xi32>,
    tpu.vector_store %arg13[%swap3A_460], %shift_right_logical3A_459 {strides = array<i32>} : memref<512xi32, #tpu.memory_space<vmem>>, vector<16xi32>,
    %get3A_462 = arith.constant 32 : index
    %get3A_463 = tpu.vector_load %arg10[%get3A_462] {strides = array<i32>} : memref<512xi32, #tpu.memory_space<vmem>>, vector<16xi32>,
    %shift_right_logical3A_464 = arith.constant 3 : i32
    %shift_right_logical3A_465 = vector.broadcast %shift_right_logical3A_464 : i32 to vector<16xi32>
    %shift_right_logical3A_466 = arith.shrui %get3A_463, %shift_right_logical3A_465 : vector<16xi32>
    %swap3A_467 = arith.constant 32 : index
    %swap3A_468 = tpu.vector_load %arg13[%swap3A_467] {strides = array<i32>} : memref<512xi32, #tpu.memory_space<vmem>>, vector<16xi32>,
    tpu.vector_store %arg13[%swap3A_467], %shift_right_logical3A_466 {strides = array<i32>} : memref<512xi32, #tpu.memory_space<vmem>>, vector<16xi32>,
    %get3A_469 = arith.constant 48 : index
    %get3A_470 = tpu.vector_load %arg10[%get3A_469] {strides = array<i32>} : memref<512xi32, #tpu.memory_space<vmem>>, vector<16xi32>,
    %shift_right_logical3A_471 = arith.constant 3 : i32
    %shift_right_logical3A_472 = vector.broadcast %shift_right_logical3A_471 : i32 to vector<16xi32>
    %shift_right_logical3A_473 = arith.shrui %get3A_470, %shift_right_logical3A_472 : vector<16xi32>
    %swap3A_474 = arith.constant 48 : index
    %swap3A_475 = tpu.vector_load %arg13[%swap3A_474] {strides = array<i32>} : memref<512xi32, #tpu.memory_space<vmem>>, vector<16xi32>,
    tpu.vector_store %arg13[%swap3A_474], %shift_right_logical3A_473 {strides = array<i32>} : memref<512xi32, #tpu.memory_space<vmem>>, vector<16xi32>,
    %get3A_476 = arith.constant 64 : index
    %get3A_477 = tpu.vector_load %arg10[%get3A_476] {strides = array<i32>} : memref<512xi32, #tpu.memory_space<vmem>>, vector<16xi32>,
    %shift_right_logical3A_478 = arith.constant 3 : i32
    %shift_right_logical3A_479 = vector.broadcast %shift_right_logical3A_478 : i32 to vector<16xi32>
    %shift_right_logical3A_480 = arith.shrui %get3A_477, %shift_right_logical3A_479 : vector<16xi32>
    %swap3A_481 = arith.constant 64 : index
    %swap3A_482 = tpu.vector_load %arg13[%swap3A_481] {strides = array<i32>} : memref<512xi32, #tpu.memory_space<vmem>>, vector<16xi32>,
    tpu.vector_store %arg13[%swap3A_481], %shift_right_logical3A_480 {strides = array<i32>} : memref<512xi32, #tpu.memory_space<vmem>>, vector<16xi32>,
    %get3A_483 = arith.constant 80 : index
    %get3A_484 = tpu.vector_load %arg10[%get3A_483] {strides = array<i32>} : memref<512xi32, #tpu.memory_space<vmem>>, vector<16xi32>,
    %shift_right_logical3A_485 = arith.constant 3 : i32
    %shift_right_logical3A_486 = vector.broadcast %shift_right_logical3A_485 : i32 to vector<16xi32>
    %shift_right_logical3A_487 = arith.shrui %get3A_484, %shift_right_logical3A_486 : vector<16xi32>
    %swap3A_488 = arith.constant 80 : index
    %swap3A_489 = tpu.vector_load %arg13[%swap3A_488] {strides = array<i32>} : memref<512xi32, #tpu.memory_space<vmem>>, vector<16xi32>,
    tpu.vector_store %arg13[%swap3A_488], %shift_right_logical3A_487 {strides = array<i32>} : memref<512xi32, #tpu.memory_space<vmem>>, vector<16xi32>,
    %get3A_490 = arith.constant 96 : index
    %get3A_491 = tpu.vector_load %arg10[%get3A_490] {strides = array<i32>} : memref<512xi32, #tpu.memory_space<vmem>>, vector<16xi32>,
    %shift_right_logical3A_492 = arith.constant 3 : i32
    %shift_right_logical3A_493 = vector.broadcast %shift_right_logical3A_492 : i32 to vector<16xi32>
    %shift_right_logical3A_494 = arith.shrui %get3A_491, %shift_right_logical3A_493 : vector<16xi32>
    %swap3A_495 = arith.constant 96 : index
    %swap3A_496 = tpu.vector_load %arg13[%swap3A_495] {strides = array<i32>} : memref<512xi32, #tpu.memory_space<vmem>>, vector<16xi32>,
    tpu.vector_store %arg13[%swap3A_495], %shift_right_logical3A_494 {strides = array<i32>} : memref<512xi32, #tpu.memory_space<vmem>>, vector<16xi32>,
    %get3A_497 = arith.constant 112 : index
    %get3A_498 = tpu.vector_load %arg10[%get3A_497] {strides = array<i32>} : memref<512xi32, #tpu.memory_space<vmem>>, vector<16xi32>,
    %shift_right_logical3A_499 = arith.constant 3 : i32
    %shift_right_logical3A_500 = vector.broadcast %shift_right_logical3A_499 : i32 to vector<16xi32>
    %shift_right_logical3A_501 = arith.shrui %get3A_498, %shift_right_logical3A_500 : vector<16xi32>
    %swap3A_502 = arith.constant 112 : index
    %swap3A_503 = tpu.vector_load %arg13[%swap3A_502] {strides = array<i32>} : memref<512xi32, #tpu.memory_space<vmem>>, vector<16xi32>,
    tpu.vector_store %arg13[%swap3A_502], %shift_right_logical3A_501 {strides = array<i32>} : memref<512xi32, #tpu.memory_space<vmem>>, vector<16xi32>,
    %get3A_504 = arith.constant 128 : index
    %get3A_505 = tpu.vector_load %arg10[%get3A_504] {strides = array<i32>} : memref<512xi32, #tpu.memory_space<vmem>>, vector<16xi32>,
    %shift_right_logical3A_506 = arith.constant 3 : i32
    %shift_right_logical3A_507 = vector.broadcast %shift_right_logical3A_506 : i32 to vector<16xi32>
    %shift_right_logical3A_508 = arith.shrui %get3A_505, %shift_right_logical3A_507 : vector<16xi32>
    %swap3A_509 = arith.constant 128 : index
    %swap3A_510 = tpu.vector_load %arg13[%swap3A_509] {strides = array<i32>} : memref<512xi32, #tpu.memory_space<vmem>>, vector<16xi32>,
    tpu.vector_store %arg13[%swap3A_509], %shift_right_logical3A_508 {strides = array<i32>} : memref<512xi32, #tpu.memory_space<vmem>>, vector<16xi32>,
    %get3A_511 = arith.constant 144 : index
    %get3A_512 = tpu.vector_load %arg10[%get3A_511] {strides = array<i32>} : memref<512xi32, #tpu.memory_space<vmem>>, vector<16xi32>,
    %shift_right_logical3A_513 = arith.constant 3 : i32
    %shift_right_logical3A_514 = vector.broadcast %shift_right_logical3A_513 : i32 to vector<16xi32>
    %shift_right_logical3A_515 = arith.shrui %get3A_512, %shift_right_logical3A_514 : vector<16xi32>
    %swap3A_516 = arith.constant 144 : index
    %swap3A_517 = tpu.vector_load %arg13[%swap3A_516] {strides = array<i32>} : memref<512xi32, #tpu.memory_space<vmem>>, vector<16xi32>,
    tpu.vector_store %arg13[%swap3A_516], %shift_right_logical3A_515 {strides = array<i32>} : memref<512xi32, #tpu.memory_space<vmem>>, vector<16xi32>,
    %get3A_518 = arith.constant 160 : index
    %get3A_519 = tpu.vector_load %arg10[%get3A_518] {strides = array<i32>} : memref<512xi32, #tpu.memory_space<vmem>>, vector<16xi32>,
    %shift_right_logical3A_520 = arith.constant 3 : i32
    %shift_right_logical3A_521 = vector.broadcast %shift_right_logical3A_520 : i32 to vector<16xi32>
    %shift_right_logical3A_522 = arith.shrui %get3A_519, %shift_right_logical3A_521 : vector<16xi32>
    %swap3A_523 = arith.constant 160 : index
    %swap3A_524 = tpu.vector_load %arg13[%swap3A_523] {strides = array<i32>} : memref<512xi32, #tpu.memory_space<vmem>>, vector<16xi32>,
    tpu.vector_store %arg13[%swap3A_523], %shift_right_logical3A_522 {strides = array<i32>} : memref<512xi32, #tpu.memory_space<vmem>>, vector<16xi32>,
    %get3A_525 = arith.constant 176 : index
    %get3A_526 = tpu.vector_load %arg10[%get3A_525] {strides = array<i32>} : memref<512xi32, #tpu.memory_space<vmem>>, vector<16xi32>,
    %shift_right_logical3A_527 = arith.constant 3 : i32
    %shift_right_logical3A_528 = vector.broadcast %shift_right_logical3A_527 : i32 to vector<16xi32>
    %shift_right_logical3A_529 = arith.shrui %get3A_526, %shift_right_logical3A_528 : vector<16xi32>
    %swap3A_530 = arith.constant 176 : index
    %swap3A_531 = tpu.vector_load %arg13[%swap3A_530] {strides = array<i32>} : memref<512xi32, #tpu.memory_space<vmem>>, vector<16xi32>,
    tpu.vector_store %arg13[%swap3A_530], %shift_right_logical3A_529 {strides = array<i32>} : memref<512xi32, #tpu.memory_space<vmem>>, vector<16xi32>,
    %get3A_532 = arith.constant 192 : index
    %get3A_533 = tpu.vector_load %arg10[%get3A_532] {strides = array<i32>} : memref<512xi32, #tpu.memory_space<vmem>>, vector<16xi32>,
    %shift_right_logical3A_534 = arith.constant 3 : i32
    %shift_right_logical3A_535 = vector.broadcast %shift_right_logical3A_534 : i32 to vector<16xi32>
    %shift_right_logical3A_536 = arith.shrui %get3A_533, %shift_right_logical3A_535 : vector<16xi32>
    %swap3A_537 = arith.constant 192 : index
    %swap3A_538 = tpu.vector_load %arg13[%swap3A_537] {strides = array<i32>} : memref<512xi32, #tpu.memory_space<vmem>>, vector<16xi32>,
    tpu.vector_store %arg13[%swap3A_537], %shift_right_logical3A_536 {strides = array<i32>} : memref<512xi32, #tpu.memory_space<vmem>>, vector<16xi32>,
    %get3A_539 = arith.constant 208 : index
    %get3A_540 = tpu.vector_load %arg10[%get3A_539] {strides = array<i32>} : memref<512xi32, #tpu.memory_space<vmem>>, vector<16xi32>,
    %shift_right_logical3A_541 = arith.constant 3 : i32
    %shift_right_logical3A_542 = vector.broadcast %shift_right_logical3A_541 : i32 to vector<16xi32>
    %shift_right_logical3A_543 = arith.shrui %get3A_540, %shift_right_logical3A_542 : vector<16xi32>
    %swap3A_544 = arith.constant 208 : index
    %swap3A_545 = tpu.vector_load %arg13[%swap3A_544] {strides = array<i32>} : memref<512xi32, #tpu.memory_space<vmem>>, vector<16xi32>,
    tpu.vector_store %arg13[%swap3A_544], %shift_right_logical3A_543 {strides = array<i32>} : memref<512xi32, #tpu.memory_space<vmem>>, vector<16xi32>,
    %get3A_546 = arith.constant 224 : index
    %get3A_547 = tpu.vector_load %arg10[%get3A_546] {strides = array<i32>} : memref<512xi32, #tpu.memory_space<vmem>>, vector<16xi32>,
    %shift_right_logical3A_548 = arith.constant 3 : i32
    %shift_right_logical3A_549 = vector.broadcast %shift_right_logical3A_548 : i32 to vector<16xi32>
    %shift_right_logical3A_550 = arith.shrui %get3A_547, %shift_right_logical3A_549 : vector<16xi32>
    %swap3A_551 = arith.constant 224 : index
    %swap3A_552 = tpu.vector_load %arg13[%swap3A_551] {strides = array<i32>} : memref<512xi32, #tpu.memory_space<vmem>>, vector<16xi32>,
    tpu.vector_store %arg13[%swap3A_551], %shift_right_logical3A_550 {strides = array<i32>} : memref<512xi32, #tpu.memory_space<vmem>>, vector<16xi32>,
    %get3A_553 = arith.constant 240 : index
    %get3A_554 = tpu.vector_load %arg10[%get3A_553] {strides = array<i32>} : memref<512xi32, #tpu.memory_space<vmem>>, vector<16xi32>,
    %shift_right_logical3A_555 = arith.constant 3 : i32
    %shift_right_logical3A_556 = vector.broadcast %shift_right_logical3A_555 : i32 to vector<16xi32>
    %shift_right_logical3A_557 = arith.shrui %get3A_554, %shift_right_logical3A_556 : vector<16xi32>
    %swap3A_558 = arith.constant 240 : index
    %swap3A_559 = tpu.vector_load %arg13[%swap3A_558] {strides = array<i32>} : memref<512xi32, #tpu.memory_space<vmem>>, vector<16xi32>,
    tpu.vector_store %arg13[%swap3A_558], %shift_right_logical3A_557 {strides = array<i32>} : memref<512xi32, #tpu.memory_space<vmem>>, vector<16xi32>,
    %get3A_560 = arith.constant 256 : index
    %get3A_561 = tpu.vector_load %arg10[%get3A_560] {strides = array<i32>} : memref<512xi32, #tpu.memory_space<vmem>>, vector<16xi32>,
    %shift_right_logical3A_562 = arith.constant 3 : i32
    %shift_right_logical3A_563 = vector.broadcast %shift_right_logical3A_562 : i32 to vector<16xi32>
    %shift_right_logical3A_564 = arith.shrui %get3A_561, %shift_right_logical3A_563 : vector<16xi32>
    %swap3A_565 = arith.constant 256 : index
    %swap3A_566 = tpu.vector_load %arg13[%swap3A_565] {strides = array<i32>} : memref<512xi32, #tpu.memory_space<vmem>>, vector<16xi32>,
    tpu.vector_store %arg13[%swap3A_565], %shift_right_logical3A_564 {strides = array<i32>} : memref<512xi32, #tpu.memory_space<vmem>>, vector<16xi32>,
    %get3A_567 = arith.constant 272 : index
    %get3A_568 = tpu.vector_load %arg10[%get3A_567] {strides = array<i32>} : memref<512xi32, #tpu.memory_space<vmem>>, vector<16xi32>,
    %shift_right_logical3A_569 = arith.constant 3 : i32
    %shift_right_logical3A_570 = vector.broadcast %shift_right_logical3A_569 : i32 to vector<16xi32>
    %shift_right_logical3A_571 = arith.shrui %get3A_568, %shift_right_logical3A_570 : vector<16xi32>
    %swap3A_572 = arith.constant 272 : index
    %swap3A_573 = tpu.vector_load %arg13[%swap3A_572] {strides = array<i32>} : memref<512xi32, #tpu.memory_space<vmem>>, vector<16xi32>,
    tpu.vector_store %arg13[%swap3A_572], %shift_right_logical3A_571 {strides = array<i32>} : memref<512xi32, #tpu.memory_space<vmem>>, vector<16xi32>,
    %get3A_574 = arith.constant 288 : index
    %get3A_575 = tpu.vector_load %arg10[%get3A_574] {strides = array<i32>} : memref<512xi32, #tpu.memory_space<vmem>>, vector<16xi32>,
    %shift_right_logical3A_576 = arith.constant 3 : i32
    %shift_right_logical3A_577 = vector.broadcast %shift_right_logical3A_576 : i32 to vector<16xi32>
    %shift_right_logical3A_578 = arith.shrui %get3A_575, %shift_right_logical3A_577 : vector<16xi32>
    %swap3A_579 = arith.constant 288 : index
    %swap3A_580 = tpu.vector_load %arg13[%swap3A_579] {strides = array<i32>} : memref<512xi32, #tpu.memory_space<vmem>>, vector<16xi32>,
    tpu.vector_store %arg13[%swap3A_579], %shift_right_logical3A_578 {strides = array<i32>} : memref<512xi32, #tpu.memory_space<vmem>>, vector<16xi32>,
    %get3A_581 = arith.constant 304 : index
    %get3A_582 = tpu.vector_load %arg10[%get3A_581] {strides = array<i32>} : memref<512xi32, #tpu.memory_space<vmem>>, vector<16xi32>,
    %shift_right_logical3A_583 = arith.constant 3 : i32
    %shift_right_logical3A_584 = vector.broadcast %shift_right_logical3A_583 : i32 to vector<16xi32>
    %shift_right_logical3A_585 = arith.shrui %get3A_582, %shift_right_logical3A_584 : vector<16xi32>
    %swap3A_586 = arith.constant 304 : index
    %swap3A_587 = tpu.vector_load %arg13[%swap3A_586] {strides = array<i32>} : memref<512xi32, #tpu.memory_space<vmem>>, vector<16xi32>,
    tpu.vector_store %arg13[%swap3A_586], %shift_right_logical3A_585 {strides = array<i32>} : memref<512xi32, #tpu.memory_space<vmem>>, vector<16xi32>,
    %get3A_588 = arith.constant 320 : index
    %get3A_589 = tpu.vector_load %arg10[%get3A_588] {strides = array<i32>} : memref<512xi32, #tpu.memory_space<vmem>>, vector<16xi32>,
    %shift_right_logical3A_590 = arith.constant 3 : i32
    %shift_right_logical3A_591 = vector.broadcast %shift_right_logical3A_590 : i32 to vector<16xi32>
    %shift_right_logical3A_592 = arith.shrui %get3A_589, %shift_right_logical3A_591 : vector<16xi32>
    %swap3A_593 = arith.constant 320 : index
    %swap3A_594 = tpu.vector_load %arg13[%swap3A_593] {strides = array<i32>} : memref<512xi32, #tpu.memory_space<vmem>>, vector<16xi32>,
    tpu.vector_store %arg13[%swap3A_593], %shift_right_logical3A_592 {strides = array<i32>} : memref<512xi32, #tpu.memory_space<vmem>>, vector<16xi32>,
    %get3A_595 = arith.constant 336 : index
    %get3A_596 = tpu.vector_load %arg10[%get3A_595] {strides = array<i32>} : memref<512xi32, #tpu.memory_space<vmem>>, vector<16xi32>,
    %shift_right_logical3A_597 = arith.constant 3 : i32
    %shift_right_logical3A_598 = vector.broadcast %shift_right_logical3A_597 : i32 to vector<16xi32>
    %shift_right_logical3A_599 = arith.shrui %get3A_596, %shift_right_logical3A_598 : vector<16xi32>
    %swap3A_600 = arith.constant 336 : index
    %swap3A_601 = tpu.vector_load %arg13[%swap3A_600] {strides = array<i32>} : memref<512xi32, #tpu.memory_space<vmem>>, vector<16xi32>,
    tpu.vector_store %arg13[%swap3A_600], %shift_right_logical3A_599 {strides = array<i32>} : memref<512xi32, #tpu.memory_space<vmem>>, vector<16xi32>,
    %get3A_602 = arith.constant 352 : index
    %get3A_603 = tpu.vector_load %arg10[%get3A_602] {strides = array<i32>} : memref<512xi32, #tpu.memory_space<vmem>>, vector<16xi32>,
    %shift_right_logical3A_604 = arith.constant 3 : i32
    %shift_right_logical3A_605 = vector.broadcast %shift_right_logical3A_604 : i32 to vector<16xi32>
    %shift_right_logical3A_606 = arith.shrui %get3A_603, %shift_right_logical3A_605 : vector<16xi32>
    %swap3A_607 = arith.constant 352 : index
    %swap3A_608 = tpu.vector_load %arg13[%swap3A_607] {strides = array<i32>} : memref<512xi32, #tpu.memory_space<vmem>>, vector<16xi32>,
    tpu.vector_store %arg13[%swap3A_607], %shift_right_logical3A_606 {strides = array<i32>} : memref<512xi32, #tpu.memory_space<vmem>>, vector<16xi32>,
    %get3A_609 = arith.constant 368 : index
    %get3A_610 = tpu.vector_load %arg10[%get3A_609] {strides = array<i32>} : memref<512xi32, #tpu.memory_space<vmem>>, vector<16xi32>,
    %shift_right_logical3A_611 = arith.constant 3 : i32
    %shift_right_logical3A_612 = vector.broadcast %shift_right_logical3A_611 : i32 to vector<16xi32>
    %shift_right_logical3A_613 = arith.shrui %get3A_610, %shift_right_logical3A_612 : vector<16xi32>
    %swap3A_614 = arith.constant 368 : index
    %swap3A_615 = tpu.vector_load %arg13[%swap3A_614] {strides = array<i32>} : memref<512xi32, #tpu.memory_space<vmem>>, vector<16xi32>,
    tpu.vector_store %arg13[%swap3A_614], %shift_right_logical3A_613 {strides = array<i32>} : memref<512xi32, #tpu.memory_space<vmem>>, vector<16xi32>,
    %get3A_616 = arith.constant 384 : index
    %get3A_617 = tpu.vector_load %arg10[%get3A_616] {strides = array<i32>} : memref<512xi32, #tpu.memory_space<vmem>>, vector<16xi32>,
    %shift_right_logical3A_618 = arith.constant 3 : i32
    %shift_right_logical3A_619 = vector.broadcast %shift_right_logical3A_618 : i32 to vector<16xi32>
    %shift_right_logical3A_620 = arith.shrui %get3A_617, %shift_right_logical3A_619 : vector<16xi32>
    %swap3A_621 = arith.constant 384 : index
    %swap3A_622 = tpu.vector_load %arg13[%swap3A_621] {strides = array<i32>} : memref<512xi32, #tpu.memory_space<vmem>>, vector<16xi32>,
    tpu.vector_store %arg13[%swap3A_621], %shift_right_logical3A_620 {strides = array<i32>} : memref<512xi32, #tpu.memory_space<vmem>>, vector<16xi32>,
    %get3A_623 = arith.constant 400 : index
    %get3A_624 = tpu.vector_load %arg10[%get3A_623] {strides = array<i32>} : memref<512xi32, #tpu.memory_space<vmem>>, vector<16xi32>,
    %shift_right_logical3A_625 = arith.constant 3 : i32
    %shift_right_logical3A_626 = vector.broadcast %shift_right_logical3A_625 : i32 to vector<16xi32>
    %shift_right_logical3A_627 = arith.shrui %get3A_624, %shift_right_logical3A_626 : vector<16xi32>
    %swap3A_628 = arith.constant 400 : index
    %swap3A_629 = tpu.vector_load %arg13[%swap3A_628] {strides = array<i32>} : memref<512xi32, #tpu.memory_space<vmem>>, vector<16xi32>,
    tpu.vector_store %arg13[%swap3A_628], %shift_right_logical3A_627 {strides = array<i32>} : memref<512xi32, #tpu.memory_space<vmem>>, vector<16xi32>,
    %get3A_630 = arith.constant 416 : index
    %get3A_631 = tpu.vector_load %arg10[%get3A_630] {strides = array<i32>} : memref<512xi32, #tpu.memory_space<vmem>>, vector<16xi32>,
    %shift_right_logical3A_632 = arith.constant 3 : i32
    %shift_right_logical3A_633 = vector.broadcast %shift_right_logical3A_632 : i32 to vector<16xi32>
    %shift_right_logical3A_634 = arith.shrui %get3A_631, %shift_right_logical3A_633 : vector<16xi32>
    %swap3A_635 = arith.constant 416 : index
    %swap3A_636 = tpu.vector_load %arg13[%swap3A_635] {strides = array<i32>} : memref<512xi32, #tpu.memory_space<vmem>>, vector<16xi32>,
    tpu.vector_store %arg13[%swap3A_635], %shift_right_logical3A_634 {strides = array<i32>} : memref<512xi32, #tpu.memory_space<vmem>>, vector<16xi32>,
    %get3A_637 = arith.constant 432 : index
    %get3A_638 = tpu.vector_load %arg10[%get3A_637] {strides = array<i32>} : memref<512xi32, #tpu.memory_space<vmem>>, vector<16xi32>,
    %shift_right_logical3A_639 = arith.constant 3 : i32
    %shift_right_logical3A_640 = vector.broadcast %shift_right_logical3A_639 : i32 to vector<16xi32>
    %shift_right_logical3A_641 = arith.shrui %get3A_638, %shift_right_logical3A_640 : vector<16xi32>
    %swap3A_642 = arith.constant 432 : index
    %swap3A_643 = tpu.vector_load %arg13[%swap3A_642] {strides = array<i32>} : memref<512xi32, #tpu.memory_space<vmem>>, vector<16xi32>,
    tpu.vector_store %arg13[%swap3A_642], %shift_right_logical3A_641 {strides = array<i32>} : memref<512xi32, #tpu.memory_space<vmem>>, vector<16xi32>,
    %get3A_644 = arith.constant 448 : index
    %get3A_645 = tpu.vector_load %arg10[%get3A_644] {strides = array<i32>} : memref<512xi32, #tpu.memory_space<vmem>>, vector<16xi32>,
    %shift_right_logical3A_646 = arith.constant 3 : i32
    %shift_right_logical3A_647 = vector.broadcast %shift_right_logical3A_646 : i32 to vector<16xi32>
    %shift_right_logical3A_648 = arith.shrui %get3A_645, %shift_right_logical3A_647 : vector<16xi32>
    %swap3A_649 = arith.constant 448 : index
    %swap3A_650 = tpu.vector_load %arg13[%swap3A_649] {strides = array<i32>} : memref<512xi32, #tpu.memory_space<vmem>>, vector<16xi32>,
    tpu.vector_store %arg13[%swap3A_649], %shift_right_logical3A_648 {strides = array<i32>} : memref<512xi32, #tpu.memory_space<vmem>>, vector<16xi32>,
    %get3A_651 = arith.constant 464 : index
    %get3A_652 = tpu.vector_load %arg10[%get3A_651] {strides = array<i32>} : memref<512xi32, #tpu.memory_space<vmem>>, vector<16xi32>,
    %shift_right_logical3A_653 = arith.constant 3 : i32
    %shift_right_logical3A_654 = vector.broadcast %shift_right_logical3A_653 : i32 to vector<16xi32>
    %shift_right_logical3A_655 = arith.shrui %get3A_652, %shift_right_logical3A_654 : vector<16xi32>
    %swap3A_656 = arith.constant 464 : index
    %swap3A_657 = tpu.vector_load %arg13[%swap3A_656] {strides = array<i32>} : memref<512xi32, #tpu.memory_space<vmem>>, vector<16xi32>,
    tpu.vector_store %arg13[%swap3A_656], %shift_right_logical3A_655 {strides = array<i32>} : memref<512xi32, #tpu.memory_space<vmem>>, vector<16xi32>,
    %get3A_658 = arith.constant 480 : index
    %get3A_659 = tpu.vector_load %arg10[%get3A_658] {strides = array<i32>} : memref<512xi32, #tpu.memory_space<vmem>>, vector<16xi32>,
    %shift_right_logical3A_660 = arith.constant 3 : i32
    %shift_right_logical3A_661 = vector.broadcast %shift_right_logical3A_660 : i32 to vector<16xi32>
    %shift_right_logical3A_662 = arith.shrui %get3A_659, %shift_right_logical3A_661 : vector<16xi32>
    %swap3A_663 = arith.constant 480 : index
    %swap3A_664 = tpu.vector_load %arg13[%swap3A_663] {strides = array<i32>} : memref<512xi32, #tpu.memory_space<vmem>>, vector<16xi32>,
    tpu.vector_store %arg13[%swap3A_663], %shift_right_logical3A_662 {strides = array<i32>} : memref<512xi32, #tpu.memory_space<vmem>>, vector<16xi32>,
    %get3A_665 = arith.constant 496 : index
    %get3A_666 = tpu.vector_load %arg10[%get3A_665] {strides = array<i32>} : memref<512xi32, #tpu.memory_space<vmem>>, vector<16xi32>,
    %shift_right_logical3A_667 = arith.constant 3 : i32
    %shift_right_logical3A_668 = vector.broadcast %shift_right_logical3A_667 : i32 to vector<16xi32>
    %shift_right_logical3A_669 = arith.shrui %get3A_666, %shift_right_logical3A_668 : vector<16xi32>
    %swap3A_670 = arith.constant 496 : index
    %swap3A_671 = tpu.vector_load %arg13[%swap3A_670] {strides = array<i32>} : memref<512xi32, #tpu.memory_space<vmem>>, vector<16xi32>,
    tpu.vector_store %arg13[%swap3A_670], %shift_right_logical3A_669 {strides = array<i32>} : memref<512xi32, #tpu.memory_space<vmem>>, vector<16xi32>,
    %iota3A = tpu.iota {dimensions = array<i32: 0>} : vector<16xi32>
    %dma_start3A = arith.constant 0 : i32
    %dma_start3A_672 = tpu.memref_slice %arg11[%dma_start3A] : memref<512xi32, #tpu.memory_space<vmem>> -> memref<256xi32, #tpu.memory_space<vmem>>
    %dma_start3A_673 = arith.constant 0 : i32
    %dma_start3A_674 = arith.constant 0 : i32
    %dma_start3A_675 = tpu.memref_slice %arg5[%dma_start3A_673, %dma_start3A_674] : memref<125000x128xf32, #tpu.memory_space<hbm>> -> memref<125000x128xf32, #tpu.memory_space<hbm>>
    tpu.enqueue_indirect_dma source(%dma_start3A_675 : memref<125000x128xf32, #tpu.memory_space<hbm>>) target(%arg14 : memref<256x128xf32, #tpu.memory_space<vmem>>) offsets(%dma_start3A_672 : memref<256xi32, #tpu.memory_space<vmem>>) semaphore(%arg19 : memref<!tpu.dma_semaphore, #tpu.memory_space<semaphore_mem>>)
    %dma_start3A_676 = arith.constant 0 : i32
    %dma_start3A_677 = tpu.memref_slice %arg12[%dma_start3A_676] : memref<512xi32, #tpu.memory_space<vmem>> -> memref<256xi32, #tpu.memory_space<vmem>>
    %dma_start3A_678 = arith.constant 0 : i32
    %dma_start3A_679 = arith.constant 0 : i32
    %dma_start3A_680 = tpu.memref_slice %arg6[%dma_start3A_678, %dma_start3A_679] : memref<125000x128xf32, #tpu.memory_space<hbm>> -> memref<125000x128xf32, #tpu.memory_space<hbm>>
    tpu.enqueue_indirect_dma source(%dma_start3A_680 : memref<125000x128xf32, #tpu.memory_space<hbm>>) target(%arg15 : memref<256x128xf32, #tpu.memory_space<vmem>>) offsets(%dma_start3A_677 : memref<256xi32, #tpu.memory_space<vmem>>) semaphore(%arg19 : memref<!tpu.dma_semaphore, #tpu.memory_space<semaphore_mem>>)
    %dma_start3A_681 = arith.constant 0 : i32
    %dma_start3A_682 = tpu.memref_slice %arg13[%dma_start3A_681] : memref<512xi32, #tpu.memory_space<vmem>> -> memref<256xi32, #tpu.memory_space<vmem>>
    %dma_start3A_683 = arith.constant 0 : i32
    %dma_start3A_684 = arith.constant 0 : i32
    %dma_start3A_685 = tpu.memref_slice %arg6[%dma_start3A_683, %dma_start3A_684] : memref<125000x128xf32, #tpu.memory_space<hbm>> -> memref<125000x128xf32, #tpu.memory_space<hbm>>
    tpu.enqueue_indirect_dma source(%dma_start3A_685 : memref<125000x128xf32, #tpu.memory_space<hbm>>) target(%arg16 : memref<256x128xf32, #tpu.memory_space<vmem>>) offsets(%dma_start3A_682 : memref<256xi32, #tpu.memory_space<vmem>>) semaphore(%arg19 : memref<!tpu.dma_semaphore, #tpu.memory_space<semaphore_mem>>)
    %dma_wait3A = arith.constant 0 : i32
    %dma_wait3A_686 = tpu.memref_slice %arg11[%dma_wait3A] : memref<512xi32, #tpu.memory_space<vmem>> -> memref<256xi32, #tpu.memory_space<vmem>>
    %dma_wait3A_687 = arith.constant 0 : i32
    %dma_wait3A_688 = arith.constant 0 : i32
    %dma_wait3A_689 = tpu.memref_slice %arg5[%dma_wait3A_687, %dma_wait3A_688] : memref<125000x128xf32, #tpu.memory_space<hbm>> -> memref<125000x128xf32, #tpu.memory_space<hbm>>
    tpu.wait_indirect_dma semaphore(%arg19 : memref<!tpu.dma_semaphore, #tpu.memory_space<semaphore_mem>>) src(%dma_wait3A_689 : memref<125000x128xf32, #tpu.memory_space<hbm>>) dst(%arg14 : memref<256x128xf32, #tpu.memory_space<vmem>>)
    %dma_wait3A_690 = arith.constant 0 : i32
    %dma_wait3A_691 = tpu.memref_slice %arg12[%dma_wait3A_690] : memref<512xi32, #tpu.memory_space<vmem>> -> memref<256xi32, #tpu.memory_space<vmem>>
    %dma_wait3A_692 = arith.constant 0 : i32
    %dma_wait3A_693 = arith.constant 0 : i32
    %dma_wait3A_694 = tpu.memref_slice %arg6[%dma_wait3A_692, %dma_wait3A_693] : memref<125000x128xf32, #tpu.memory_space<hbm>> -> memref<125000x128xf32, #tpu.memory_space<hbm>>
    tpu.wait_indirect_dma semaphore(%arg19 : memref<!tpu.dma_semaphore, #tpu.memory_space<semaphore_mem>>) src(%dma_wait3A_694 : memref<125000x128xf32, #tpu.memory_space<hbm>>) dst(%arg15 : memref<256x128xf32, #tpu.memory_space<vmem>>)
    %dma_wait3A_695 = arith.constant 0 : i32
    %dma_wait3A_696 = tpu.memref_slice %arg13[%dma_wait3A_695] : memref<512xi32, #tpu.memory_space<vmem>> -> memref<256xi32, #tpu.memory_space<vmem>>
    %dma_wait3A_697 = arith.constant 0 : i32
    %dma_wait3A_698 = arith.constant 0 : i32
    %dma_wait3A_699 = tpu.memref_slice %arg6[%dma_wait3A_697, %dma_wait3A_698] : memref<125000x128xf32, #tpu.memory_space<hbm>> -> memref<125000x128xf32, #tpu.memory_space<hbm>>
    tpu.wait_indirect_dma semaphore(%arg19 : memref<!tpu.dma_semaphore, #tpu.memory_space<semaphore_mem>>) src(%dma_wait3A_699 : memref<125000x128xf32, #tpu.memory_space<hbm>>) dst(%arg16 : memref<256x128xf32, #tpu.memory_space<vmem>>)
    %parallel_loop3A = arith.constant 0 : i32
    %parallel_loop3A_700 = arith.constant 256 : i32
    %parallel_loop3A_701 = arith.constant 16 : i32
    %parallel_loop3A_702 = arith.constant 0 : i32
    %parallel_loop3A_703 = scf.for %parallel_loop3A_741 = %parallel_loop3A to %parallel_loop3A_700 step %parallel_loop3A_701 iter_args(%parallel_loop3A_742 = %parallel_loop3A_702) -> (i32)  : i32 {
      %parallel_loop3A_743 = arith.constant 0 : i32
      %parallel_loop3A_744 = arith.subi %parallel_loop3A_741, %parallel_loop3A_743 : i32
      %parallel_loop3A_745 = vector.broadcast %parallel_loop3A_744 : i32 to vector<16xi32>
      %parallel_loop3A_746 = arith.addi %iota3A, %parallel_loop3A_745 : vector<16xi32>
      %parallel_loop3A_747 = arith.index_cast %parallel_loop3A_741 : i32 to index
      %parallel_loop3A_748 = tpu.vector_load %arg8[%parallel_loop3A_747] {strides = array<i32>} : memref<512xi32, #tpu.memory_space<vmem>>, vector<16xi32>,
      %parallel_loop3A_749 = arith.index_cast %parallel_loop3A_741 : i32 to index
      %parallel_loop3A_750 = tpu.vector_load %arg9[%parallel_loop3A_749] {strides = array<i32>} : memref<512xi32, #tpu.memory_space<vmem>>, vector<16xi32>,
      %parallel_loop3A_751 = arith.index_cast %parallel_loop3A_741 : i32 to index
      %parallel_loop3A_752 = tpu.vector_load %arg10[%parallel_loop3A_751] {strides = array<i32>} : memref<512xi32, #tpu.memory_space<vmem>>, vector<16xi32>,
      %parallel_loop3A_753 = arith.constant 7 : i32
      %parallel_loop3A_754 = vector.broadcast %parallel_loop3A_753 : i32 to vector<16xi32>
      %parallel_loop3A_755 = arith.andi %parallel_loop3A_748, %parallel_loop3A_754 : vector<16xi32>
      %parallel_loop3A_756 = arith.constant 16 : i32
      %parallel_loop3A_757 = vector.broadcast %parallel_loop3A_756 : i32 to vector<16xi32>
      %parallel_loop3A_758 = arith.muli %parallel_loop3A_755, %parallel_loop3A_757 : vector<16xi32>
      %parallel_loop3A_759 = arith.constant 7 : i32
      %parallel_loop3A_760 = vector.broadcast %parallel_loop3A_759 : i32 to vector<16xi32>
      %parallel_loop3A_761 = arith.andi %parallel_loop3A_750, %parallel_loop3A_760 : vector<16xi32>
      %parallel_loop3A_762 = arith.constant 16 : i32
      %parallel_loop3A_763 = vector.broadcast %parallel_loop3A_762 : i32 to vector<16xi32>
      %parallel_loop3A_764 = arith.muli %parallel_loop3A_761, %parallel_loop3A_763 : vector<16xi32>
      %parallel_loop3A_765 = arith.constant 7 : i32
      %parallel_loop3A_766 = vector.broadcast %parallel_loop3A_765 : i32 to vector<16xi32>
      %parallel_loop3A_767 = arith.andi %parallel_loop3A_752, %parallel_loop3A_766 : vector<16xi32>
      %parallel_loop3A_768 = arith.constant 16 : i32
      %parallel_loop3A_769 = vector.broadcast %parallel_loop3A_768 : i32 to vector<16xi32>
      %parallel_loop3A_770 = arith.muli %parallel_loop3A_767, %parallel_loop3A_769 : vector<16xi32>
      %parallel_loop3A_771 = arith.constant 0.000000e+00 : f32
      %parallel_loop3A_772 = vector.broadcast %parallel_loop3A_771 : f32 to vector<16xf32>
      %parallel_loop3A_773 = arith.constant 0.000000e+00 : f32
      %parallel_loop3A_774 = vector.broadcast %parallel_loop3A_773 : f32 to vector<16xf32>
      %parallel_loop3A_775 = arith.constant 0 : i32
      %parallel_loop3A_776 = vector.broadcast %parallel_loop3A_775 : i32 to vector<16xi32>
      %parallel_loop3A_777 = arith.addi %parallel_loop3A_758, %parallel_loop3A_776 : vector<16xi32>
      %parallel_loop3A_778 = tpu.vector_load_idx %arg14[%parallel_loop3A_746, %parallel_loop3A_777] : memref<256x128xf32, #tpu.memory_space<vmem>>[vector<16xi32>, vector<16xi32>], vector<16xf32>,
      %parallel_loop3A_779 = arith.constant 0 : i32
      %parallel_loop3A_780 = vector.broadcast %parallel_loop3A_779 : i32 to vector<16xi32>
      %parallel_loop3A_781 = arith.addi %parallel_loop3A_764, %parallel_loop3A_780 : vector<16xi32>
      %parallel_loop3A_782 = tpu.vector_load_idx %arg15[%parallel_loop3A_746, %parallel_loop3A_781] : memref<256x128xf32, #tpu.memory_space<vmem>>[vector<16xi32>, vector<16xi32>], vector<16xf32>,
      %parallel_loop3A_783 = arith.constant 0 : i32
      %parallel_loop3A_784 = vector.broadcast %parallel_loop3A_783 : i32 to vector<16xi32>
      %parallel_loop3A_785 = arith.addi %parallel_loop3A_770, %parallel_loop3A_784 : vector<16xi32>
      %parallel_loop3A_786 = tpu.vector_load_idx %arg16[%parallel_loop3A_746, %parallel_loop3A_785] : memref<256x128xf32, #tpu.memory_space<vmem>>[vector<16xi32>, vector<16xi32>], vector<16xf32>,
      %parallel_loop3A_787 = arith.mulf %parallel_loop3A_778, %parallel_loop3A_782 : vector<16xf32>
      %parallel_loop3A_788 = arith.addf %parallel_loop3A_772, %parallel_loop3A_787 : vector<16xf32>
      %parallel_loop3A_789 = arith.mulf %parallel_loop3A_778, %parallel_loop3A_786 : vector<16xf32>
      %parallel_loop3A_790 = arith.addf %parallel_loop3A_774, %parallel_loop3A_789 : vector<16xf32>
      %parallel_loop3A_791 = arith.constant 1 : i32
      %parallel_loop3A_792 = vector.broadcast %parallel_loop3A_791 : i32 to vector<16xi32>
      %parallel_loop3A_793 = arith.addi %parallel_loop3A_758, %parallel_loop3A_792 : vector<16xi32>
      %parallel_loop3A_794 = tpu.vector_load_idx %arg14[%parallel_loop3A_746, %parallel_loop3A_793] : memref<256x128xf32, #tpu.memory_space<vmem>>[vector<16xi32>, vector<16xi32>], vector<16xf32>,
      %parallel_loop3A_795 = arith.constant 1 : i32
      %parallel_loop3A_796 = vector.broadcast %parallel_loop3A_795 : i32 to vector<16xi32>
      %parallel_loop3A_797 = arith.addi %parallel_loop3A_764, %parallel_loop3A_796 : vector<16xi32>
      %parallel_loop3A_798 = tpu.vector_load_idx %arg15[%parallel_loop3A_746, %parallel_loop3A_797] : memref<256x128xf32, #tpu.memory_space<vmem>>[vector<16xi32>, vector<16xi32>], vector<16xf32>,
      %parallel_loop3A_799 = arith.constant 1 : i32
      %parallel_loop3A_800 = vector.broadcast %parallel_loop3A_799 : i32 to vector<16xi32>
      %parallel_loop3A_801 = arith.addi %parallel_loop3A_770, %parallel_loop3A_800 : vector<16xi32>
      %parallel_loop3A_802 = tpu.vector_load_idx %arg16[%parallel_loop3A_746, %parallel_loop3A_801] : memref<256x128xf32, #tpu.memory_space<vmem>>[vector<16xi32>, vector<16xi32>], vector<16xf32>,
      %parallel_loop3A_803 = arith.mulf %parallel_loop3A_794, %parallel_loop3A_798 : vector<16xf32>
      %parallel_loop3A_804 = arith.addf %parallel_loop3A_788, %parallel_loop3A_803 : vector<16xf32>
      %parallel_loop3A_805 = arith.mulf %parallel_loop3A_794, %parallel_loop3A_802 : vector<16xf32>
      %parallel_loop3A_806 = arith.addf %parallel_loop3A_790, %parallel_loop3A_805 : vector<16xf32>
      %parallel_loop3A_807 = arith.constant 2 : i32
      %parallel_loop3A_808 = vector.broadcast %parallel_loop3A_807 : i32 to vector<16xi32>
      %parallel_loop3A_809 = arith.addi %parallel_loop3A_758, %parallel_loop3A_808 : vector<16xi32>
      %parallel_loop3A_810 = tpu.vector_load_idx %arg14[%parallel_loop3A_746, %parallel_loop3A_809] : memref<256x128xf32, #tpu.memory_space<vmem>>[vector<16xi32>, vector<16xi32>], vector<16xf32>,
      %parallel_loop3A_811 = arith.constant 2 : i32
      %parallel_loop3A_812 = vector.broadcast %parallel_loop3A_811 : i32 to vector<16xi32>
      %parallel_loop3A_813 = arith.addi %parallel_loop3A_764, %parallel_loop3A_812 : vector<16xi32>
      %parallel_loop3A_814 = tpu.vector_load_idx %arg15[%parallel_loop3A_746, %parallel_loop3A_813] : memref<256x128xf32, #tpu.memory_space<vmem>>[vector<16xi32>, vector<16xi32>], vector<16xf32>,
      %parallel_loop3A_815 = arith.constant 2 : i32
      %parallel_loop3A_816 = vector.broadcast %parallel_loop3A_815 : i32 to vector<16xi32>
      %parallel_loop3A_817 = arith.addi %parallel_loop3A_770, %parallel_loop3A_816 : vector<16xi32>
      %parallel_loop3A_818 = tpu.vector_load_idx %arg16[%parallel_loop3A_746, %parallel_loop3A_817] : memref<256x128xf32, #tpu.memory_space<vmem>>[vector<16xi32>, vector<16xi32>], vector<16xf32>,
      %parallel_loop3A_819 = arith.mulf %parallel_loop3A_810, %parallel_loop3A_814 : vector<16xf32>
      %parallel_loop3A_820 = arith.addf %parallel_loop3A_804, %parallel_loop3A_819 : vector<16xf32>
      %parallel_loop3A_821 = arith.mulf %parallel_loop3A_810, %parallel_loop3A_818 : vector<16xf32>
      %parallel_loop3A_822 = arith.addf %parallel_loop3A_806, %parallel_loop3A_821 : vector<16xf32>
      %parallel_loop3A_823 = arith.constant 3 : i32
      %parallel_loop3A_824 = vector.broadcast %parallel_loop3A_823 : i32 to vector<16xi32>
      %parallel_loop3A_825 = arith.addi %parallel_loop3A_758, %parallel_loop3A_824 : vector<16xi32>
      %parallel_loop3A_826 = tpu.vector_load_idx %arg14[%parallel_loop3A_746, %parallel_loop3A_825] : memref<256x128xf32, #tpu.memory_space<vmem>>[vector<16xi32>, vector<16xi32>], vector<16xf32>,
      %parallel_loop3A_827 = arith.constant 3 : i32
      %parallel_loop3A_828 = vector.broadcast %parallel_loop3A_827 : i32 to vector<16xi32>
      %parallel_loop3A_829 = arith.addi %parallel_loop3A_764, %parallel_loop3A_828 : vector<16xi32>
      %parallel_loop3A_830 = tpu.vector_load_idx %arg15[%parallel_loop3A_746, %parallel_loop3A_829] : memref<256x128xf32, #tpu.memory_space<vmem>>[vector<16xi32>, vector<16xi32>], vector<16xf32>,
      %parallel_loop3A_831 = arith.constant 3 : i32
      %parallel_loop3A_832 = vector.broadcast %parallel_loop3A_831 : i32 to vector<16xi32>
      %parallel_loop3A_833 = arith.addi %parallel_loop3A_770, %parallel_loop3A_832 : vector<16xi32>
      %parallel_loop3A_834 = tpu.vector_load_idx %arg16[%parallel_loop3A_746, %parallel_loop3A_833] : memref<256x128xf32, #tpu.memory_space<vmem>>[vector<16xi32>, vector<16xi32>], vector<16xf32>,
      %parallel_loop3A_835 = arith.mulf %parallel_loop3A_826, %parallel_loop3A_830 : vector<16xf32>
      %parallel_loop3A_836 = arith.addf %parallel_loop3A_820, %parallel_loop3A_835 : vector<16xf32>
      %parallel_loop3A_837 = arith.mulf %parallel_loop3A_826, %parallel_loop3A_834 : vector<16xf32>
      %parallel_loop3A_838 = arith.addf %parallel_loop3A_822, %parallel_loop3A_837 : vector<16xf32>
      %parallel_loop3A_839 = arith.constant 4 : i32
      %parallel_loop3A_840 = vector.broadcast %parallel_loop3A_839 : i32 to vector<16xi32>
      %parallel_loop3A_841 = arith.addi %parallel_loop3A_758, %parallel_loop3A_840 : vector<16xi32>
      %parallel_loop3A_842 = tpu.vector_load_idx %arg14[%parallel_loop3A_746, %parallel_loop3A_841] : memref<256x128xf32, #tpu.memory_space<vmem>>[vector<16xi32>, vector<16xi32>], vector<16xf32>,
      %parallel_loop3A_843 = arith.constant 4 : i32
      %parallel_loop3A_844 = vector.broadcast %parallel_loop3A_843 : i32 to vector<16xi32>
      %parallel_loop3A_845 = arith.addi %parallel_loop3A_764, %parallel_loop3A_844 : vector<16xi32>
      %parallel_loop3A_846 = tpu.vector_load_idx %arg15[%parallel_loop3A_746, %parallel_loop3A_845] : memref<256x128xf32, #tpu.memory_space<vmem>>[vector<16xi32>, vector<16xi32>], vector<16xf32>,
      %parallel_loop3A_847 = arith.constant 4 : i32
      %parallel_loop3A_848 = vector.broadcast %parallel_loop3A_847 : i32 to vector<16xi32>
      %parallel_loop3A_849 = arith.addi %parallel_loop3A_770, %parallel_loop3A_848 : vector<16xi32>
      %parallel_loop3A_850 = tpu.vector_load_idx %arg16[%parallel_loop3A_746, %parallel_loop3A_849] : memref<256x128xf32, #tpu.memory_space<vmem>>[vector<16xi32>, vector<16xi32>], vector<16xf32>,
      %parallel_loop3A_851 = arith.mulf %parallel_loop3A_842, %parallel_loop3A_846 : vector<16xf32>
      %parallel_loop3A_852 = arith.addf %parallel_loop3A_836, %parallel_loop3A_851 : vector<16xf32>
      %parallel_loop3A_853 = arith.mulf %parallel_loop3A_842, %parallel_loop3A_850 : vector<16xf32>
      %parallel_loop3A_854 = arith.addf %parallel_loop3A_838, %parallel_loop3A_853 : vector<16xf32>
      %parallel_loop3A_855 = arith.constant 5 : i32
      %parallel_loop3A_856 = vector.broadcast %parallel_loop3A_855 : i32 to vector<16xi32>
      %parallel_loop3A_857 = arith.addi %parallel_loop3A_758, %parallel_loop3A_856 : vector<16xi32>
      %parallel_loop3A_858 = tpu.vector_load_idx %arg14[%parallel_loop3A_746, %parallel_loop3A_857] : memref<256x128xf32, #tpu.memory_space<vmem>>[vector<16xi32>, vector<16xi32>], vector<16xf32>,
      %parallel_loop3A_859 = arith.constant 5 : i32
      %parallel_loop3A_860 = vector.broadcast %parallel_loop3A_859 : i32 to vector<16xi32>
      %parallel_loop3A_861 = arith.addi %parallel_loop3A_764, %parallel_loop3A_860 : vector<16xi32>
      %parallel_loop3A_862 = tpu.vector_load_idx %arg15[%parallel_loop3A_746, %parallel_loop3A_861] : memref<256x128xf32, #tpu.memory_space<vmem>>[vector<16xi32>, vector<16xi32>], vector<16xf32>,
      %parallel_loop3A_863 = arith.constant 5 : i32
      %parallel_loop3A_864 = vector.broadcast %parallel_loop3A_863 : i32 to vector<16xi32>
      %parallel_loop3A_865 = arith.addi %parallel_loop3A_770, %parallel_loop3A_864 : vector<16xi32>
      %parallel_loop3A_866 = tpu.vector_load_idx %arg16[%parallel_loop3A_746, %parallel_loop3A_865] : memref<256x128xf32, #tpu.memory_space<vmem>>[vector<16xi32>, vector<16xi32>], vector<16xf32>,
      %parallel_loop3A_867 = arith.mulf %parallel_loop3A_858, %parallel_loop3A_862 : vector<16xf32>
      %parallel_loop3A_868 = arith.addf %parallel_loop3A_852, %parallel_loop3A_867 : vector<16xf32>
      %parallel_loop3A_869 = arith.mulf %parallel_loop3A_858, %parallel_loop3A_866 : vector<16xf32>
      %parallel_loop3A_870 = arith.addf %parallel_loop3A_854, %parallel_loop3A_869 : vector<16xf32>
      %parallel_loop3A_871 = arith.constant 6 : i32
      %parallel_loop3A_872 = vector.broadcast %parallel_loop3A_871 : i32 to vector<16xi32>
      %parallel_loop3A_873 = arith.addi %parallel_loop3A_758, %parallel_loop3A_872 : vector<16xi32>
      %parallel_loop3A_874 = tpu.vector_load_idx %arg14[%parallel_loop3A_746, %parallel_loop3A_873] : memref<256x128xf32, #tpu.memory_space<vmem>>[vector<16xi32>, vector<16xi32>], vector<16xf32>,
      %parallel_loop3A_875 = arith.constant 6 : i32
      %parallel_loop3A_876 = vector.broadcast %parallel_loop3A_875 : i32 to vector<16xi32>
      %parallel_loop3A_877 = arith.addi %parallel_loop3A_764, %parallel_loop3A_876 : vector<16xi32>
      %parallel_loop3A_878 = tpu.vector_load_idx %arg15[%parallel_loop3A_746, %parallel_loop3A_877] : memref<256x128xf32, #tpu.memory_space<vmem>>[vector<16xi32>, vector<16xi32>], vector<16xf32>,
      %parallel_loop3A_879 = arith.constant 6 : i32
      %parallel_loop3A_880 = vector.broadcast %parallel_loop3A_879 : i32 to vector<16xi32>
      %parallel_loop3A_881 = arith.addi %parallel_loop3A_770, %parallel_loop3A_880 : vector<16xi32>
      %parallel_loop3A_882 = tpu.vector_load_idx %arg16[%parallel_loop3A_746, %parallel_loop3A_881] : memref<256x128xf32, #tpu.memory_space<vmem>>[vector<16xi32>, vector<16xi32>], vector<16xf32>,
      %parallel_loop3A_883 = arith.mulf %parallel_loop3A_874, %parallel_loop3A_878 : vector<16xf32>
      %parallel_loop3A_884 = arith.addf %parallel_loop3A_868, %parallel_loop3A_883 : vector<16xf32>
      %parallel_loop3A_885 = arith.mulf %parallel_loop3A_874, %parallel_loop3A_882 : vector<16xf32>
      %parallel_loop3A_886 = arith.addf %parallel_loop3A_870, %parallel_loop3A_885 : vector<16xf32>
      %parallel_loop3A_887 = arith.constant 7 : i32
      %parallel_loop3A_888 = vector.broadcast %parallel_loop3A_887 : i32 to vector<16xi32>
      %parallel_loop3A_889 = arith.addi %parallel_loop3A_758, %parallel_loop3A_888 : vector<16xi32>
      %parallel_loop3A_890 = tpu.vector_load_idx %arg14[%parallel_loop3A_746, %parallel_loop3A_889] : memref<256x128xf32, #tpu.memory_space<vmem>>[vector<16xi32>, vector<16xi32>], vector<16xf32>,
      %parallel_loop3A_891 = arith.constant 7 : i32
      %parallel_loop3A_892 = vector.broadcast %parallel_loop3A_891 : i32 to vector<16xi32>
      %parallel_loop3A_893 = arith.addi %parallel_loop3A_764, %parallel_loop3A_892 : vector<16xi32>
      %parallel_loop3A_894 = tpu.vector_load_idx %arg15[%parallel_loop3A_746, %parallel_loop3A_893] : memref<256x128xf32, #tpu.memory_space<vmem>>[vector<16xi32>, vector<16xi32>], vector<16xf32>,
      %parallel_loop3A_895 = arith.constant 7 : i32
      %parallel_loop3A_896 = vector.broadcast %parallel_loop3A_895 : i32 to vector<16xi32>
      %parallel_loop3A_897 = arith.addi %parallel_loop3A_770, %parallel_loop3A_896 : vector<16xi32>
      %parallel_loop3A_898 = tpu.vector_load_idx %arg16[%parallel_loop3A_746, %parallel_loop3A_897] : memref<256x128xf32, #tpu.memory_space<vmem>>[vector<16xi32>, vector<16xi32>], vector<16xf32>,
      %parallel_loop3A_899 = arith.mulf %parallel_loop3A_890, %parallel_loop3A_894 : vector<16xf32>
      %parallel_loop3A_900 = arith.addf %parallel_loop3A_884, %parallel_loop3A_899 : vector<16xf32>
      %parallel_loop3A_901 = arith.mulf %parallel_loop3A_890, %parallel_loop3A_898 : vector<16xf32>
      %parallel_loop3A_902 = arith.addf %parallel_loop3A_886, %parallel_loop3A_901 : vector<16xf32>
      %parallel_loop3A_903 = arith.constant 8 : i32
      %parallel_loop3A_904 = vector.broadcast %parallel_loop3A_903 : i32 to vector<16xi32>
      %parallel_loop3A_905 = arith.addi %parallel_loop3A_758, %parallel_loop3A_904 : vector<16xi32>
      %parallel_loop3A_906 = tpu.vector_load_idx %arg14[%parallel_loop3A_746, %parallel_loop3A_905] : memref<256x128xf32, #tpu.memory_space<vmem>>[vector<16xi32>, vector<16xi32>], vector<16xf32>,
      %parallel_loop3A_907 = arith.constant 8 : i32
      %parallel_loop3A_908 = vector.broadcast %parallel_loop3A_907 : i32 to vector<16xi32>
      %parallel_loop3A_909 = arith.addi %parallel_loop3A_764, %parallel_loop3A_908 : vector<16xi32>
      %parallel_loop3A_910 = tpu.vector_load_idx %arg15[%parallel_loop3A_746, %parallel_loop3A_909] : memref<256x128xf32, #tpu.memory_space<vmem>>[vector<16xi32>, vector<16xi32>], vector<16xf32>,
      %parallel_loop3A_911 = arith.constant 8 : i32
      %parallel_loop3A_912 = vector.broadcast %parallel_loop3A_911 : i32 to vector<16xi32>
      %parallel_loop3A_913 = arith.addi %parallel_loop3A_770, %parallel_loop3A_912 : vector<16xi32>
      %parallel_loop3A_914 = tpu.vector_load_idx %arg16[%parallel_loop3A_746, %parallel_loop3A_913] : memref<256x128xf32, #tpu.memory_space<vmem>>[vector<16xi32>, vector<16xi32>], vector<16xf32>,
      %parallel_loop3A_915 = arith.mulf %parallel_loop3A_906, %parallel_loop3A_910 : vector<16xf32>
      %parallel_loop3A_916 = arith.addf %parallel_loop3A_900, %parallel_loop3A_915 : vector<16xf32>
      %parallel_loop3A_917 = arith.mulf %parallel_loop3A_906, %parallel_loop3A_914 : vector<16xf32>
      %parallel_loop3A_918 = arith.addf %parallel_loop3A_902, %parallel_loop3A_917 : vector<16xf32>
      %parallel_loop3A_919 = arith.constant 9 : i32
      %parallel_loop3A_920 = vector.broadcast %parallel_loop3A_919 : i32 to vector<16xi32>
      %parallel_loop3A_921 = arith.addi %parallel_loop3A_758, %parallel_loop3A_920 : vector<16xi32>
      %parallel_loop3A_922 = tpu.vector_load_idx %arg14[%parallel_loop3A_746, %parallel_loop3A_921] : memref<256x128xf32, #tpu.memory_space<vmem>>[vector<16xi32>, vector<16xi32>], vector<16xf32>,
      %parallel_loop3A_923 = arith.constant 9 : i32
      %parallel_loop3A_924 = vector.broadcast %parallel_loop3A_923 : i32 to vector<16xi32>
      %parallel_loop3A_925 = arith.addi %parallel_loop3A_764, %parallel_loop3A_924 : vector<16xi32>
      %parallel_loop3A_926 = tpu.vector_load_idx %arg15[%parallel_loop3A_746, %parallel_loop3A_925] : memref<256x128xf32, #tpu.memory_space<vmem>>[vector<16xi32>, vector<16xi32>], vector<16xf32>,
      %parallel_loop3A_927 = arith.constant 9 : i32
      %parallel_loop3A_928 = vector.broadcast %parallel_loop3A_927 : i32 to vector<16xi32>
      %parallel_loop3A_929 = arith.addi %parallel_loop3A_770, %parallel_loop3A_928 : vector<16xi32>
      %parallel_loop3A_930 = tpu.vector_load_idx %arg16[%parallel_loop3A_746, %parallel_loop3A_929] : memref<256x128xf32, #tpu.memory_space<vmem>>[vector<16xi32>, vector<16xi32>], vector<16xf32>,
      %parallel_loop3A_931 = arith.mulf %parallel_loop3A_922, %parallel_loop3A_926 : vector<16xf32>
      %parallel_loop3A_932 = arith.addf %parallel_loop3A_916, %parallel_loop3A_931 : vector<16xf32>
      %parallel_loop3A_933 = arith.mulf %parallel_loop3A_922, %parallel_loop3A_930 : vector<16xf32>
      %parallel_loop3A_934 = arith.addf %parallel_loop3A_918, %parallel_loop3A_933 : vector<16xf32>
      %parallel_loop3A_935 = arith.constant 10 : i32
      %parallel_loop3A_936 = vector.broadcast %parallel_loop3A_935 : i32 to vector<16xi32>
      %parallel_loop3A_937 = arith.addi %parallel_loop3A_758, %parallel_loop3A_936 : vector<16xi32>
      %parallel_loop3A_938 = tpu.vector_load_idx %arg14[%parallel_loop3A_746, %parallel_loop3A_937] : memref<256x128xf32, #tpu.memory_space<vmem>>[vector<16xi32>, vector<16xi32>], vector<16xf32>,
      %parallel_loop3A_939 = arith.constant 10 : i32
      %parallel_loop3A_940 = vector.broadcast %parallel_loop3A_939 : i32 to vector<16xi32>
      %parallel_loop3A_941 = arith.addi %parallel_loop3A_764, %parallel_loop3A_940 : vector<16xi32>
      %parallel_loop3A_942 = tpu.vector_load_idx %arg15[%parallel_loop3A_746, %parallel_loop3A_941] : memref<256x128xf32, #tpu.memory_space<vmem>>[vector<16xi32>, vector<16xi32>], vector<16xf32>,
      %parallel_loop3A_943 = arith.constant 10 : i32
      %parallel_loop3A_944 = vector.broadcast %parallel_loop3A_943 : i32 to vector<16xi32>
      %parallel_loop3A_945 = arith.addi %parallel_loop3A_770, %parallel_loop3A_944 : vector<16xi32>
      %parallel_loop3A_946 = tpu.vector_load_idx %arg16[%parallel_loop3A_746, %parallel_loop3A_945] : memref<256x128xf32, #tpu.memory_space<vmem>>[vector<16xi32>, vector<16xi32>], vector<16xf32>,
      %parallel_loop3A_947 = arith.mulf %parallel_loop3A_938, %parallel_loop3A_942 : vector<16xf32>
      %parallel_loop3A_948 = arith.addf %parallel_loop3A_932, %parallel_loop3A_947 : vector<16xf32>
      %parallel_loop3A_949 = arith.mulf %parallel_loop3A_938, %parallel_loop3A_946 : vector<16xf32>
      %parallel_loop3A_950 = arith.addf %parallel_loop3A_934, %parallel_loop3A_949 : vector<16xf32>
      %parallel_loop3A_951 = arith.constant 11 : i32
      %parallel_loop3A_952 = vector.broadcast %parallel_loop3A_951 : i32 to vector<16xi32>
      %parallel_loop3A_953 = arith.addi %parallel_loop3A_758, %parallel_loop3A_952 : vector<16xi32>
      %parallel_loop3A_954 = tpu.vector_load_idx %arg14[%parallel_loop3A_746, %parallel_loop3A_953] : memref<256x128xf32, #tpu.memory_space<vmem>>[vector<16xi32>, vector<16xi32>], vector<16xf32>,
      %parallel_loop3A_955 = arith.constant 11 : i32
      %parallel_loop3A_956 = vector.broadcast %parallel_loop3A_955 : i32 to vector<16xi32>
      %parallel_loop3A_957 = arith.addi %parallel_loop3A_764, %parallel_loop3A_956 : vector<16xi32>
      %parallel_loop3A_958 = tpu.vector_load_idx %arg15[%parallel_loop3A_746, %parallel_loop3A_957] : memref<256x128xf32, #tpu.memory_space<vmem>>[vector<16xi32>, vector<16xi32>], vector<16xf32>,
      %parallel_loop3A_959 = arith.constant 11 : i32
      %parallel_loop3A_960 = vector.broadcast %parallel_loop3A_959 : i32 to vector<16xi32>
      %parallel_loop3A_961 = arith.addi %parallel_loop3A_770, %parallel_loop3A_960 : vector<16xi32>
      %parallel_loop3A_962 = tpu.vector_load_idx %arg16[%parallel_loop3A_746, %parallel_loop3A_961] : memref<256x128xf32, #tpu.memory_space<vmem>>[vector<16xi32>, vector<16xi32>], vector<16xf32>,
      %parallel_loop3A_963 = arith.mulf %parallel_loop3A_954, %parallel_loop3A_958 : vector<16xf32>
      %parallel_loop3A_964 = arith.addf %parallel_loop3A_948, %parallel_loop3A_963 : vector<16xf32>
      %parallel_loop3A_965 = arith.mulf %parallel_loop3A_954, %parallel_loop3A_962 : vector<16xf32>
      %parallel_loop3A_966 = arith.addf %parallel_loop3A_950, %parallel_loop3A_965 : vector<16xf32>
      %parallel_loop3A_967 = arith.constant 12 : i32
      %parallel_loop3A_968 = vector.broadcast %parallel_loop3A_967 : i32 to vector<16xi32>
      %parallel_loop3A_969 = arith.addi %parallel_loop3A_758, %parallel_loop3A_968 : vector<16xi32>
      %parallel_loop3A_970 = tpu.vector_load_idx %arg14[%parallel_loop3A_746, %parallel_loop3A_969] : memref<256x128xf32, #tpu.memory_space<vmem>>[vector<16xi32>, vector<16xi32>], vector<16xf32>,
      %parallel_loop3A_971 = arith.constant 12 : i32
      %parallel_loop3A_972 = vector.broadcast %parallel_loop3A_971 : i32 to vector<16xi32>
      %parallel_loop3A_973 = arith.addi %parallel_loop3A_764, %parallel_loop3A_972 : vector<16xi32>
      %parallel_loop3A_974 = tpu.vector_load_idx %arg15[%parallel_loop3A_746, %parallel_loop3A_973] : memref<256x128xf32, #tpu.memory_space<vmem>>[vector<16xi32>, vector<16xi32>], vector<16xf32>,
      %parallel_loop3A_975 = arith.constant 12 : i32
      %parallel_loop3A_976 = vector.broadcast %parallel_loop3A_975 : i32 to vector<16xi32>
      %parallel_loop3A_977 = arith.addi %parallel_loop3A_770, %parallel_loop3A_976 : vector<16xi32>
      %parallel_loop3A_978 = tpu.vector_load_idx %arg16[%parallel_loop3A_746, %parallel_loop3A_977] : memref<256x128xf32, #tpu.memory_space<vmem>>[vector<16xi32>, vector<16xi32>], vector<16xf32>,
      %parallel_loop3A_979 = arith.mulf %parallel_loop3A_970, %parallel_loop3A_974 : vector<16xf32>
      %parallel_loop3A_980 = arith.addf %parallel_loop3A_964, %parallel_loop3A_979 : vector<16xf32>
      %parallel_loop3A_981 = arith.mulf %parallel_loop3A_970, %parallel_loop3A_978 : vector<16xf32>
      %parallel_loop3A_982 = arith.addf %parallel_loop3A_966, %parallel_loop3A_981 : vector<16xf32>
      %parallel_loop3A_983 = arith.constant 13 : i32
      %parallel_loop3A_984 = vector.broadcast %parallel_loop3A_983 : i32 to vector<16xi32>
      %parallel_loop3A_985 = arith.addi %parallel_loop3A_758, %parallel_loop3A_984 : vector<16xi32>
      %parallel_loop3A_986 = tpu.vector_load_idx %arg14[%parallel_loop3A_746, %parallel_loop3A_985] : memref<256x128xf32, #tpu.memory_space<vmem>>[vector<16xi32>, vector<16xi32>], vector<16xf32>,
      %parallel_loop3A_987 = arith.constant 13 : i32
      %parallel_loop3A_988 = vector.broadcast %parallel_loop3A_987 : i32 to vector<16xi32>
      %parallel_loop3A_989 = arith.addi %parallel_loop3A_764, %parallel_loop3A_988 : vector<16xi32>
      %parallel_loop3A_990 = tpu.vector_load_idx %arg15[%parallel_loop3A_746, %parallel_loop3A_989] : memref<256x128xf32, #tpu.memory_space<vmem>>[vector<16xi32>, vector<16xi32>], vector<16xf32>,
      %parallel_loop3A_991 = arith.constant 13 : i32
      %parallel_loop3A_992 = vector.broadcast %parallel_loop3A_991 : i32 to vector<16xi32>
      %parallel_loop3A_993 = arith.addi %parallel_loop3A_770, %parallel_loop3A_992 : vector<16xi32>
      %parallel_loop3A_994 = tpu.vector_load_idx %arg16[%parallel_loop3A_746, %parallel_loop3A_993] : memref<256x128xf32, #tpu.memory_space<vmem>>[vector<16xi32>, vector<16xi32>], vector<16xf32>,
      %parallel_loop3A_995 = arith.mulf %parallel_loop3A_986, %parallel_loop3A_990 : vector<16xf32>
      %parallel_loop3A_996 = arith.addf %parallel_loop3A_980, %parallel_loop3A_995 : vector<16xf32>
      %parallel_loop3A_997 = arith.mulf %parallel_loop3A_986, %parallel_loop3A_994 : vector<16xf32>
      %parallel_loop3A_998 = arith.addf %parallel_loop3A_982, %parallel_loop3A_997 : vector<16xf32>
      %parallel_loop3A_999 = arith.constant 14 : i32
      %parallel_loop3A_1000 = vector.broadcast %parallel_loop3A_999 : i32 to vector<16xi32>
      %parallel_loop3A_1001 = arith.addi %parallel_loop3A_758, %parallel_loop3A_1000 : vector<16xi32>
      %parallel_loop3A_1002 = tpu.vector_load_idx %arg14[%parallel_loop3A_746, %parallel_loop3A_1001] : memref<256x128xf32, #tpu.memory_space<vmem>>[vector<16xi32>, vector<16xi32>], vector<16xf32>,
      %parallel_loop3A_1003 = arith.constant 14 : i32
      %parallel_loop3A_1004 = vector.broadcast %parallel_loop3A_1003 : i32 to vector<16xi32>
      %parallel_loop3A_1005 = arith.addi %parallel_loop3A_764, %parallel_loop3A_1004 : vector<16xi32>
      %parallel_loop3A_1006 = tpu.vector_load_idx %arg15[%parallel_loop3A_746, %parallel_loop3A_1005] : memref<256x128xf32, #tpu.memory_space<vmem>>[vector<16xi32>, vector<16xi32>], vector<16xf32>,
      %parallel_loop3A_1007 = arith.constant 14 : i32
      %parallel_loop3A_1008 = vector.broadcast %parallel_loop3A_1007 : i32 to vector<16xi32>
      %parallel_loop3A_1009 = arith.addi %parallel_loop3A_770, %parallel_loop3A_1008 : vector<16xi32>
      %parallel_loop3A_1010 = tpu.vector_load_idx %arg16[%parallel_loop3A_746, %parallel_loop3A_1009] : memref<256x128xf32, #tpu.memory_space<vmem>>[vector<16xi32>, vector<16xi32>], vector<16xf32>,
      %parallel_loop3A_1011 = arith.mulf %parallel_loop3A_1002, %parallel_loop3A_1006 : vector<16xf32>
      %parallel_loop3A_1012 = arith.addf %parallel_loop3A_996, %parallel_loop3A_1011 : vector<16xf32>
      %parallel_loop3A_1013 = arith.mulf %parallel_loop3A_1002, %parallel_loop3A_1010 : vector<16xf32>
      %parallel_loop3A_1014 = arith.addf %parallel_loop3A_998, %parallel_loop3A_1013 : vector<16xf32>
      %parallel_loop3A_1015 = arith.constant 15 : i32
      %parallel_loop3A_1016 = vector.broadcast %parallel_loop3A_1015 : i32 to vector<16xi32>
      %parallel_loop3A_1017 = arith.addi %parallel_loop3A_758, %parallel_loop3A_1016 : vector<16xi32>
      %parallel_loop3A_1018 = tpu.vector_load_idx %arg14[%parallel_loop3A_746, %parallel_loop3A_1017] : memref<256x128xf32, #tpu.memory_space<vmem>>[vector<16xi32>, vector<16xi32>], vector<16xf32>,
      %parallel_loop3A_1019 = arith.constant 15 : i32
      %parallel_loop3A_1020 = vector.broadcast %parallel_loop3A_1019 : i32 to vector<16xi32>
      %parallel_loop3A_1021 = arith.addi %parallel_loop3A_764, %parallel_loop3A_1020 : vector<16xi32>
      %parallel_loop3A_1022 = tpu.vector_load_idx %arg15[%parallel_loop3A_746, %parallel_loop3A_1021] : memref<256x128xf32, #tpu.memory_space<vmem>>[vector<16xi32>, vector<16xi32>], vector<16xf32>,
      %parallel_loop3A_1023 = arith.constant 15 : i32
      %parallel_loop3A_1024 = vector.broadcast %parallel_loop3A_1023 : i32 to vector<16xi32>
      %parallel_loop3A_1025 = arith.addi %parallel_loop3A_770, %parallel_loop3A_1024 : vector<16xi32>
      %parallel_loop3A_1026 = tpu.vector_load_idx %arg16[%parallel_loop3A_746, %parallel_loop3A_1025] : memref<256x128xf32, #tpu.memory_space<vmem>>[vector<16xi32>, vector<16xi32>], vector<16xf32>,
      %parallel_loop3A_1027 = arith.mulf %parallel_loop3A_1018, %parallel_loop3A_1022 : vector<16xf32>
      %parallel_loop3A_1028 = arith.addf %parallel_loop3A_1012, %parallel_loop3A_1027 : vector<16xf32>
      %parallel_loop3A_1029 = arith.mulf %parallel_loop3A_1018, %parallel_loop3A_1026 : vector<16xf32>
      %parallel_loop3A_1030 = arith.addf %parallel_loop3A_1014, %parallel_loop3A_1029 : vector<16xf32>
      %parallel_loop3A_1031 = arith.index_cast %parallel_loop3A_741 : i32 to index
      %parallel_loop3A_1032 = tpu.vector_load %arg17[%parallel_loop3A_1031] {strides = array<i32>} : memref<512xf32, #tpu.memory_space<vmem>>, vector<16xf32>,
      tpu.vector_store %arg17[%parallel_loop3A_1031], %parallel_loop3A_1028 {strides = array<i32>} : memref<512xf32, #tpu.memory_space<vmem>>, vector<16xf32>,
      %parallel_loop3A_1033 = arith.index_cast %parallel_loop3A_741 : i32 to index
      %parallel_loop3A_1034 = tpu.vector_load %arg18[%parallel_loop3A_1033] {strides = array<i32>} : memref<512xf32, #tpu.memory_space<vmem>>, vector<16xf32>,
      tpu.vector_store %arg18[%parallel_loop3A_1033], %parallel_loop3A_1030 {strides = array<i32>} : memref<512xf32, #tpu.memory_space<vmem>>, vector<16xf32>,
      scf.yield %parallel_loop3A_742 : i32
    } {sc.loop_unroll_factor = 1 : i64, sc.parallel_access}
    %dma_start3A_704 = arith.constant 256 : i32
    %dma_start3A_705 = tpu.memref_slice %arg11[%dma_start3A_704] : memref<512xi32, #tpu.memory_space<vmem>> -> memref<256xi32, #tpu.memory_space<vmem>>
    %dma_start3A_706 = arith.constant 0 : i32
    %dma_start3A_707 = arith.constant 0 : i32
    %dma_start3A_708 = tpu.memref_slice %arg5[%dma_start3A_706, %dma_start3A_707] : memref<125000x128xf32, #tpu.memory_space<hbm>> -> memref<125000x128xf32, #tpu.memory_space<hbm>>
    tpu.enqueue_indirect_dma source(%dma_start3A_708 : memref<125000x128xf32, #tpu.memory_space<hbm>>) target(%arg14 : memref<256x128xf32, #tpu.memory_space<vmem>>) offsets(%dma_start3A_705 : memref<256xi32, #tpu.memory_space<vmem>>) semaphore(%arg19 : memref<!tpu.dma_semaphore, #tpu.memory_space<semaphore_mem>>)
    %dma_start3A_709 = arith.constant 256 : i32
    %dma_start3A_710 = tpu.memref_slice %arg12[%dma_start3A_709] : memref<512xi32, #tpu.memory_space<vmem>> -> memref<256xi32, #tpu.memory_space<vmem>>
    %dma_start3A_711 = arith.constant 0 : i32
    %dma_start3A_712 = arith.constant 0 : i32
    %dma_start3A_713 = tpu.memref_slice %arg6[%dma_start3A_711, %dma_start3A_712] : memref<125000x128xf32, #tpu.memory_space<hbm>> -> memref<125000x128xf32, #tpu.memory_space<hbm>>
    tpu.enqueue_indirect_dma source(%dma_start3A_713 : memref<125000x128xf32, #tpu.memory_space<hbm>>) target(%arg15 : memref<256x128xf32, #tpu.memory_space<vmem>>) offsets(%dma_start3A_710 : memref<256xi32, #tpu.memory_space<vmem>>) semaphore(%arg19 : memref<!tpu.dma_semaphore, #tpu.memory_space<semaphore_mem>>)
    %dma_start3A_714 = arith.constant 256 : i32
    %dma_start3A_715 = tpu.memref_slice %arg13[%dma_start3A_714] : memref<512xi32, #tpu.memory_space<vmem>> -> memref<256xi32, #tpu.memory_space<vmem>>
    %dma_start3A_716 = arith.constant 0 : i32
    %dma_start3A_717 = arith.constant 0 : i32
    %dma_start3A_718 = tpu.memref_slice %arg6[%dma_start3A_716, %dma_start3A_717] : memref<125000x128xf32, #tpu.memory_space<hbm>> -> memref<125000x128xf32, #tpu.memory_space<hbm>>
    tpu.enqueue_indirect_dma source(%dma_start3A_718 : memref<125000x128xf32, #tpu.memory_space<hbm>>) target(%arg16 : memref<256x128xf32, #tpu.memory_space<vmem>>) offsets(%dma_start3A_715 : memref<256xi32, #tpu.memory_space<vmem>>) semaphore(%arg19 : memref<!tpu.dma_semaphore, #tpu.memory_space<semaphore_mem>>)
    %dma_wait3A_719 = arith.constant 256 : i32
    %dma_wait3A_720 = tpu.memref_slice %arg11[%dma_wait3A_719] : memref<512xi32, #tpu.memory_space<vmem>> -> memref<256xi32, #tpu.memory_space<vmem>>
    %dma_wait3A_721 = arith.constant 0 : i32
    %dma_wait3A_722 = arith.constant 0 : i32
    %dma_wait3A_723 = tpu.memref_slice %arg5[%dma_wait3A_721, %dma_wait3A_722] : memref<125000x128xf32, #tpu.memory_space<hbm>> -> memref<125000x128xf32, #tpu.memory_space<hbm>>
    tpu.wait_indirect_dma semaphore(%arg19 : memref<!tpu.dma_semaphore, #tpu.memory_space<semaphore_mem>>) src(%dma_wait3A_723 : memref<125000x128xf32, #tpu.memory_space<hbm>>) dst(%arg14 : memref<256x128xf32, #tpu.memory_space<vmem>>)
    %dma_wait3A_724 = arith.constant 256 : i32
    %dma_wait3A_725 = tpu.memref_slice %arg12[%dma_wait3A_724] : memref<512xi32, #tpu.memory_space<vmem>> -> memref<256xi32, #tpu.memory_space<vmem>>
    %dma_wait3A_726 = arith.constant 0 : i32
    %dma_wait3A_727 = arith.constant 0 : i32
    %dma_wait3A_728 = tpu.memref_slice %arg6[%dma_wait3A_726, %dma_wait3A_727] : memref<125000x128xf32, #tpu.memory_space<hbm>> -> memref<125000x128xf32, #tpu.memory_space<hbm>>
    tpu.wait_indirect_dma semaphore(%arg19 : memref<!tpu.dma_semaphore, #tpu.memory_space<semaphore_mem>>) src(%dma_wait3A_728 : memref<125000x128xf32, #tpu.memory_space<hbm>>) dst(%arg15 : memref<256x128xf32, #tpu.memory_space<vmem>>)
    %dma_wait3A_729 = arith.constant 256 : i32
    %dma_wait3A_730 = tpu.memref_slice %arg13[%dma_wait3A_729] : memref<512xi32, #tpu.memory_space<vmem>> -> memref<256xi32, #tpu.memory_space<vmem>>
    %dma_wait3A_731 = arith.constant 0 : i32
    %dma_wait3A_732 = arith.constant 0 : i32
    %dma_wait3A_733 = tpu.memref_slice %arg6[%dma_wait3A_731, %dma_wait3A_732] : memref<125000x128xf32, #tpu.memory_space<hbm>> -> memref<125000x128xf32, #tpu.memory_space<hbm>>
    tpu.wait_indirect_dma semaphore(%arg19 : memref<!tpu.dma_semaphore, #tpu.memory_space<semaphore_mem>>) src(%dma_wait3A_733 : memref<125000x128xf32, #tpu.memory_space<hbm>>) dst(%arg16 : memref<256x128xf32, #tpu.memory_space<vmem>>)
    %parallel_loop3A_734 = arith.constant 256 : i32
    %parallel_loop3A_735 = arith.constant 512 : i32
    %parallel_loop3A_736 = arith.constant 16 : i32
    %parallel_loop3A_737 = arith.constant 0 : i32
    %parallel_loop3A_738 = scf.for %parallel_loop3A_741 = %parallel_loop3A_734 to %parallel_loop3A_735 step %parallel_loop3A_736 iter_args(%parallel_loop3A_742 = %parallel_loop3A_737) -> (i32)  : i32 {
      %parallel_loop3A_743 = arith.constant 256 : i32
      %parallel_loop3A_744 = arith.subi %parallel_loop3A_741, %parallel_loop3A_743 : i32
      %parallel_loop3A_745 = vector.broadcast %parallel_loop3A_744 : i32 to vector<16xi32>
      %parallel_loop3A_746 = arith.addi %iota3A, %parallel_loop3A_745 : vector<16xi32>
      %parallel_loop3A_747 = arith.index_cast %parallel_loop3A_741 : i32 to index
      %parallel_loop3A_748 = tpu.vector_load %arg8[%parallel_loop3A_747] {strides = array<i32>} : memref<512xi32, #tpu.memory_space<vmem>>, vector<16xi32>,
      %parallel_loop3A_749 = arith.index_cast %parallel_loop3A_741 : i32 to index
      %parallel_loop3A_750 = tpu.vector_load %arg9[%parallel_loop3A_749] {strides = array<i32>} : memref<512xi32, #tpu.memory_space<vmem>>, vector<16xi32>,
      %parallel_loop3A_751 = arith.index_cast %parallel_loop3A_741 : i32 to index
      %parallel_loop3A_752 = tpu.vector_load %arg10[%parallel_loop3A_751] {strides = array<i32>} : memref<512xi32, #tpu.memory_space<vmem>>, vector<16xi32>,
      %parallel_loop3A_753 = arith.constant 7 : i32
      %parallel_loop3A_754 = vector.broadcast %parallel_loop3A_753 : i32 to vector<16xi32>
      %parallel_loop3A_755 = arith.andi %parallel_loop3A_748, %parallel_loop3A_754 : vector<16xi32>
      %parallel_loop3A_756 = arith.constant 16 : i32
      %parallel_loop3A_757 = vector.broadcast %parallel_loop3A_756 : i32 to vector<16xi32>
      %parallel_loop3A_758 = arith.muli %parallel_loop3A_755, %parallel_loop3A_757 : vector<16xi32>
      %parallel_loop3A_759 = arith.constant 7 : i32
      %parallel_loop3A_760 = vector.broadcast %parallel_loop3A_759 : i32 to vector<16xi32>
      %parallel_loop3A_761 = arith.andi %parallel_loop3A_750, %parallel_loop3A_760 : vector<16xi32>
      %parallel_loop3A_762 = arith.constant 16 : i32
      %parallel_loop3A_763 = vector.broadcast %parallel_loop3A_762 : i32 to vector<16xi32>
      %parallel_loop3A_764 = arith.muli %parallel_loop3A_761, %parallel_loop3A_763 : vector<16xi32>
      %parallel_loop3A_765 = arith.constant 7 : i32
      %parallel_loop3A_766 = vector.broadcast %parallel_loop3A_765 : i32 to vector<16xi32>
      %parallel_loop3A_767 = arith.andi %parallel_loop3A_752, %parallel_loop3A_766 : vector<16xi32>
      %parallel_loop3A_768 = arith.constant 16 : i32
      %parallel_loop3A_769 = vector.broadcast %parallel_loop3A_768 : i32 to vector<16xi32>
      %parallel_loop3A_770 = arith.muli %parallel_loop3A_767, %parallel_loop3A_769 : vector<16xi32>
      %parallel_loop3A_771 = arith.constant 0.000000e+00 : f32
      %parallel_loop3A_772 = vector.broadcast %parallel_loop3A_771 : f32 to vector<16xf32>
      %parallel_loop3A_773 = arith.constant 0.000000e+00 : f32
      %parallel_loop3A_774 = vector.broadcast %parallel_loop3A_773 : f32 to vector<16xf32>
      %parallel_loop3A_775 = arith.constant 0 : i32
      %parallel_loop3A_776 = vector.broadcast %parallel_loop3A_775 : i32 to vector<16xi32>
      %parallel_loop3A_777 = arith.addi %parallel_loop3A_758, %parallel_loop3A_776 : vector<16xi32>
      %parallel_loop3A_778 = tpu.vector_load_idx %arg14[%parallel_loop3A_746, %parallel_loop3A_777] : memref<256x128xf32, #tpu.memory_space<vmem>>[vector<16xi32>, vector<16xi32>], vector<16xf32>,
      %parallel_loop3A_779 = arith.constant 0 : i32
      %parallel_loop3A_780 = vector.broadcast %parallel_loop3A_779 : i32 to vector<16xi32>
      %parallel_loop3A_781 = arith.addi %parallel_loop3A_764, %parallel_loop3A_780 : vector<16xi32>
      %parallel_loop3A_782 = tpu.vector_load_idx %arg15[%parallel_loop3A_746, %parallel_loop3A_781] : memref<256x128xf32, #tpu.memory_space<vmem>>[vector<16xi32>, vector<16xi32>], vector<16xf32>,
      %parallel_loop3A_783 = arith.constant 0 : i32
      %parallel_loop3A_784 = vector.broadcast %parallel_loop3A_783 : i32 to vector<16xi32>
      %parallel_loop3A_785 = arith.addi %parallel_loop3A_770, %parallel_loop3A_784 : vector<16xi32>
      %parallel_loop3A_786 = tpu.vector_load_idx %arg16[%parallel_loop3A_746, %parallel_loop3A_785] : memref<256x128xf32, #tpu.memory_space<vmem>>[vector<16xi32>, vector<16xi32>], vector<16xf32>,
      %parallel_loop3A_787 = arith.mulf %parallel_loop3A_778, %parallel_loop3A_782 : vector<16xf32>
      %parallel_loop3A_788 = arith.addf %parallel_loop3A_772, %parallel_loop3A_787 : vector<16xf32>
      %parallel_loop3A_789 = arith.mulf %parallel_loop3A_778, %parallel_loop3A_786 : vector<16xf32>
      %parallel_loop3A_790 = arith.addf %parallel_loop3A_774, %parallel_loop3A_789 : vector<16xf32>
      %parallel_loop3A_791 = arith.constant 1 : i32
      %parallel_loop3A_792 = vector.broadcast %parallel_loop3A_791 : i32 to vector<16xi32>
      %parallel_loop3A_793 = arith.addi %parallel_loop3A_758, %parallel_loop3A_792 : vector<16xi32>
      %parallel_loop3A_794 = tpu.vector_load_idx %arg14[%parallel_loop3A_746, %parallel_loop3A_793] : memref<256x128xf32, #tpu.memory_space<vmem>>[vector<16xi32>, vector<16xi32>], vector<16xf32>,
      %parallel_loop3A_795 = arith.constant 1 : i32
      %parallel_loop3A_796 = vector.broadcast %parallel_loop3A_795 : i32 to vector<16xi32>
      %parallel_loop3A_797 = arith.addi %parallel_loop3A_764, %parallel_loop3A_796 : vector<16xi32>
      %parallel_loop3A_798 = tpu.vector_load_idx %arg15[%parallel_loop3A_746, %parallel_loop3A_797] : memref<256x128xf32, #tpu.memory_space<vmem>>[vector<16xi32>, vector<16xi32>], vector<16xf32>,
      %parallel_loop3A_799 = arith.constant 1 : i32
      %parallel_loop3A_800 = vector.broadcast %parallel_loop3A_799 : i32 to vector<16xi32>
      %parallel_loop3A_801 = arith.addi %parallel_loop3A_770, %parallel_loop3A_800 : vector<16xi32>
      %parallel_loop3A_802 = tpu.vector_load_idx %arg16[%parallel_loop3A_746, %parallel_loop3A_801] : memref<256x128xf32, #tpu.memory_space<vmem>>[vector<16xi32>, vector<16xi32>], vector<16xf32>,
      %parallel_loop3A_803 = arith.mulf %parallel_loop3A_794, %parallel_loop3A_798 : vector<16xf32>
      %parallel_loop3A_804 = arith.addf %parallel_loop3A_788, %parallel_loop3A_803 : vector<16xf32>
      %parallel_loop3A_805 = arith.mulf %parallel_loop3A_794, %parallel_loop3A_802 : vector<16xf32>
      %parallel_loop3A_806 = arith.addf %parallel_loop3A_790, %parallel_loop3A_805 : vector<16xf32>
      %parallel_loop3A_807 = arith.constant 2 : i32
      %parallel_loop3A_808 = vector.broadcast %parallel_loop3A_807 : i32 to vector<16xi32>
      %parallel_loop3A_809 = arith.addi %parallel_loop3A_758, %parallel_loop3A_808 : vector<16xi32>
      %parallel_loop3A_810 = tpu.vector_load_idx %arg14[%parallel_loop3A_746, %parallel_loop3A_809] : memref<256x128xf32, #tpu.memory_space<vmem>>[vector<16xi32>, vector<16xi32>], vector<16xf32>,
      %parallel_loop3A_811 = arith.constant 2 : i32
      %parallel_loop3A_812 = vector.broadcast %parallel_loop3A_811 : i32 to vector<16xi32>
      %parallel_loop3A_813 = arith.addi %parallel_loop3A_764, %parallel_loop3A_812 : vector<16xi32>
      %parallel_loop3A_814 = tpu.vector_load_idx %arg15[%parallel_loop3A_746, %parallel_loop3A_813] : memref<256x128xf32, #tpu.memory_space<vmem>>[vector<16xi32>, vector<16xi32>], vector<16xf32>,
      %parallel_loop3A_815 = arith.constant 2 : i32
      %parallel_loop3A_816 = vector.broadcast %parallel_loop3A_815 : i32 to vector<16xi32>
      %parallel_loop3A_817 = arith.addi %parallel_loop3A_770, %parallel_loop3A_816 : vector<16xi32>
      %parallel_loop3A_818 = tpu.vector_load_idx %arg16[%parallel_loop3A_746, %parallel_loop3A_817] : memref<256x128xf32, #tpu.memory_space<vmem>>[vector<16xi32>, vector<16xi32>], vector<16xf32>,
      %parallel_loop3A_819 = arith.mulf %parallel_loop3A_810, %parallel_loop3A_814 : vector<16xf32>
      %parallel_loop3A_820 = arith.addf %parallel_loop3A_804, %parallel_loop3A_819 : vector<16xf32>
      %parallel_loop3A_821 = arith.mulf %parallel_loop3A_810, %parallel_loop3A_818 : vector<16xf32>
      %parallel_loop3A_822 = arith.addf %parallel_loop3A_806, %parallel_loop3A_821 : vector<16xf32>
      %parallel_loop3A_823 = arith.constant 3 : i32
      %parallel_loop3A_824 = vector.broadcast %parallel_loop3A_823 : i32 to vector<16xi32>
      %parallel_loop3A_825 = arith.addi %parallel_loop3A_758, %parallel_loop3A_824 : vector<16xi32>
      %parallel_loop3A_826 = tpu.vector_load_idx %arg14[%parallel_loop3A_746, %parallel_loop3A_825] : memref<256x128xf32, #tpu.memory_space<vmem>>[vector<16xi32>, vector<16xi32>], vector<16xf32>,
      %parallel_loop3A_827 = arith.constant 3 : i32
      %parallel_loop3A_828 = vector.broadcast %parallel_loop3A_827 : i32 to vector<16xi32>
      %parallel_loop3A_829 = arith.addi %parallel_loop3A_764, %parallel_loop3A_828 : vector<16xi32>
      %parallel_loop3A_830 = tpu.vector_load_idx %arg15[%parallel_loop3A_746, %parallel_loop3A_829] : memref<256x128xf32, #tpu.memory_space<vmem>>[vector<16xi32>, vector<16xi32>], vector<16xf32>,
      %parallel_loop3A_831 = arith.constant 3 : i32
      %parallel_loop3A_832 = vector.broadcast %parallel_loop3A_831 : i32 to vector<16xi32>
      %parallel_loop3A_833 = arith.addi %parallel_loop3A_770, %parallel_loop3A_832 : vector<16xi32>
      %parallel_loop3A_834 = tpu.vector_load_idx %arg16[%parallel_loop3A_746, %parallel_loop3A_833] : memref<256x128xf32, #tpu.memory_space<vmem>>[vector<16xi32>, vector<16xi32>], vector<16xf32>,
      %parallel_loop3A_835 = arith.mulf %parallel_loop3A_826, %parallel_loop3A_830 : vector<16xf32>
      %parallel_loop3A_836 = arith.addf %parallel_loop3A_820, %parallel_loop3A_835 : vector<16xf32>
      %parallel_loop3A_837 = arith.mulf %parallel_loop3A_826, %parallel_loop3A_834 : vector<16xf32>
      %parallel_loop3A_838 = arith.addf %parallel_loop3A_822, %parallel_loop3A_837 : vector<16xf32>
      %parallel_loop3A_839 = arith.constant 4 : i32
      %parallel_loop3A_840 = vector.broadcast %parallel_loop3A_839 : i32 to vector<16xi32>
      %parallel_loop3A_841 = arith.addi %parallel_loop3A_758, %parallel_loop3A_840 : vector<16xi32>
      %parallel_loop3A_842 = tpu.vector_load_idx %arg14[%parallel_loop3A_746, %parallel_loop3A_841] : memref<256x128xf32, #tpu.memory_space<vmem>>[vector<16xi32>, vector<16xi32>], vector<16xf32>,
      %parallel_loop3A_843 = arith.constant 4 : i32
      %parallel_loop3A_844 = vector.broadcast %parallel_loop3A_843 : i32 to vector<16xi32>
      %parallel_loop3A_845 = arith.addi %parallel_loop3A_764, %parallel_loop3A_844 : vector<16xi32>
      %parallel_loop3A_846 = tpu.vector_load_idx %arg15[%parallel_loop3A_746, %parallel_loop3A_845] : memref<256x128xf32, #tpu.memory_space<vmem>>[vector<16xi32>, vector<16xi32>], vector<16xf32>,
      %parallel_loop3A_847 = arith.constant 4 : i32
      %parallel_loop3A_848 = vector.broadcast %parallel_loop3A_847 : i32 to vector<16xi32>
      %parallel_loop3A_849 = arith.addi %parallel_loop3A_770, %parallel_loop3A_848 : vector<16xi32>
      %parallel_loop3A_850 = tpu.vector_load_idx %arg16[%parallel_loop3A_746, %parallel_loop3A_849] : memref<256x128xf32, #tpu.memory_space<vmem>>[vector<16xi32>, vector<16xi32>], vector<16xf32>,
      %parallel_loop3A_851 = arith.mulf %parallel_loop3A_842, %parallel_loop3A_846 : vector<16xf32>
      %parallel_loop3A_852 = arith.addf %parallel_loop3A_836, %parallel_loop3A_851 : vector<16xf32>
      %parallel_loop3A_853 = arith.mulf %parallel_loop3A_842, %parallel_loop3A_850 : vector<16xf32>
      %parallel_loop3A_854 = arith.addf %parallel_loop3A_838, %parallel_loop3A_853 : vector<16xf32>
      %parallel_loop3A_855 = arith.constant 5 : i32
      %parallel_loop3A_856 = vector.broadcast %parallel_loop3A_855 : i32 to vector<16xi32>
      %parallel_loop3A_857 = arith.addi %parallel_loop3A_758, %parallel_loop3A_856 : vector<16xi32>
      %parallel_loop3A_858 = tpu.vector_load_idx %arg14[%parallel_loop3A_746, %parallel_loop3A_857] : memref<256x128xf32, #tpu.memory_space<vmem>>[vector<16xi32>, vector<16xi32>], vector<16xf32>,
      %parallel_loop3A_859 = arith.constant 5 : i32
      %parallel_loop3A_860 = vector.broadcast %parallel_loop3A_859 : i32 to vector<16xi32>
      %parallel_loop3A_861 = arith.addi %parallel_loop3A_764, %parallel_loop3A_860 : vector<16xi32>
      %parallel_loop3A_862 = tpu.vector_load_idx %arg15[%parallel_loop3A_746, %parallel_loop3A_861] : memref<256x128xf32, #tpu.memory_space<vmem>>[vector<16xi32>, vector<16xi32>], vector<16xf32>,
      %parallel_loop3A_863 = arith.constant 5 : i32
      %parallel_loop3A_864 = vector.broadcast %parallel_loop3A_863 : i32 to vector<16xi32>
      %parallel_loop3A_865 = arith.addi %parallel_loop3A_770, %parallel_loop3A_864 : vector<16xi32>
      %parallel_loop3A_866 = tpu.vector_load_idx %arg16[%parallel_loop3A_746, %parallel_loop3A_865] : memref<256x128xf32, #tpu.memory_space<vmem>>[vector<16xi32>, vector<16xi32>], vector<16xf32>,
      %parallel_loop3A_867 = arith.mulf %parallel_loop3A_858, %parallel_loop3A_862 : vector<16xf32>
      %parallel_loop3A_868 = arith.addf %parallel_loop3A_852, %parallel_loop3A_867 : vector<16xf32>
      %parallel_loop3A_869 = arith.mulf %parallel_loop3A_858, %parallel_loop3A_866 : vector<16xf32>
      %parallel_loop3A_870 = arith.addf %parallel_loop3A_854, %parallel_loop3A_869 : vector<16xf32>
      %parallel_loop3A_871 = arith.constant 6 : i32
      %parallel_loop3A_872 = vector.broadcast %parallel_loop3A_871 : i32 to vector<16xi32>
      %parallel_loop3A_873 = arith.addi %parallel_loop3A_758, %parallel_loop3A_872 : vector<16xi32>
      %parallel_loop3A_874 = tpu.vector_load_idx %arg14[%parallel_loop3A_746, %parallel_loop3A_873] : memref<256x128xf32, #tpu.memory_space<vmem>>[vector<16xi32>, vector<16xi32>], vector<16xf32>,
      %parallel_loop3A_875 = arith.constant 6 : i32
      %parallel_loop3A_876 = vector.broadcast %parallel_loop3A_875 : i32 to vector<16xi32>
      %parallel_loop3A_877 = arith.addi %parallel_loop3A_764, %parallel_loop3A_876 : vector<16xi32>
      %parallel_loop3A_878 = tpu.vector_load_idx %arg15[%parallel_loop3A_746, %parallel_loop3A_877] : memref<256x128xf32, #tpu.memory_space<vmem>>[vector<16xi32>, vector<16xi32>], vector<16xf32>,
      %parallel_loop3A_879 = arith.constant 6 : i32
      %parallel_loop3A_880 = vector.broadcast %parallel_loop3A_879 : i32 to vector<16xi32>
      %parallel_loop3A_881 = arith.addi %parallel_loop3A_770, %parallel_loop3A_880 : vector<16xi32>
      %parallel_loop3A_882 = tpu.vector_load_idx %arg16[%parallel_loop3A_746, %parallel_loop3A_881] : memref<256x128xf32, #tpu.memory_space<vmem>>[vector<16xi32>, vector<16xi32>], vector<16xf32>,
      %parallel_loop3A_883 = arith.mulf %parallel_loop3A_874, %parallel_loop3A_878 : vector<16xf32>
      %parallel_loop3A_884 = arith.addf %parallel_loop3A_868, %parallel_loop3A_883 : vector<16xf32>
      %parallel_loop3A_885 = arith.mulf %parallel_loop3A_874, %parallel_loop3A_882 : vector<16xf32>
      %parallel_loop3A_886 = arith.addf %parallel_loop3A_870, %parallel_loop3A_885 : vector<16xf32>
      %parallel_loop3A_887 = arith.constant 7 : i32
      %parallel_loop3A_888 = vector.broadcast %parallel_loop3A_887 : i32 to vector<16xi32>
      %parallel_loop3A_889 = arith.addi %parallel_loop3A_758, %parallel_loop3A_888 : vector<16xi32>
      %parallel_loop3A_890 = tpu.vector_load_idx %arg14[%parallel_loop3A_746, %parallel_loop3A_889] : memref<256x128xf32, #tpu.memory_space<vmem>>[vector<16xi32>, vector<16xi32>], vector<16xf32>,
      %parallel_loop3A_891 = arith.constant 7 : i32
      %parallel_loop3A_892 = vector.broadcast %parallel_loop3A_891 : i32 to vector<16xi32>
      %parallel_loop3A_893 = arith.addi %parallel_loop3A_764, %parallel_loop3A_892 : vector<16xi32>
      %parallel_loop3A_894 = tpu.vector_load_idx %arg15[%parallel_loop3A_746, %parallel_loop3A_893] : memref<256x128xf32, #tpu.memory_space<vmem>>[vector<16xi32>, vector<16xi32>], vector<16xf32>,
      %parallel_loop3A_895 = arith.constant 7 : i32
      %parallel_loop3A_896 = vector.broadcast %parallel_loop3A_895 : i32 to vector<16xi32>
      %parallel_loop3A_897 = arith.addi %parallel_loop3A_770, %parallel_loop3A_896 : vector<16xi32>
      %parallel_loop3A_898 = tpu.vector_load_idx %arg16[%parallel_loop3A_746, %parallel_loop3A_897] : memref<256x128xf32, #tpu.memory_space<vmem>>[vector<16xi32>, vector<16xi32>], vector<16xf32>,
      %parallel_loop3A_899 = arith.mulf %parallel_loop3A_890, %parallel_loop3A_894 : vector<16xf32>
      %parallel_loop3A_900 = arith.addf %parallel_loop3A_884, %parallel_loop3A_899 : vector<16xf32>
      %parallel_loop3A_901 = arith.mulf %parallel_loop3A_890, %parallel_loop3A_898 : vector<16xf32>
      %parallel_loop3A_902 = arith.addf %parallel_loop3A_886, %parallel_loop3A_901 : vector<16xf32>
      %parallel_loop3A_903 = arith.constant 8 : i32
      %parallel_loop3A_904 = vector.broadcast %parallel_loop3A_903 : i32 to vector<16xi32>
      %parallel_loop3A_905 = arith.addi %parallel_loop3A_758, %parallel_loop3A_904 : vector<16xi32>
      %parallel_loop3A_906 = tpu.vector_load_idx %arg14[%parallel_loop3A_746, %parallel_loop3A_905] : memref<256x128xf32, #tpu.memory_space<vmem>>[vector<16xi32>, vector<16xi32>], vector<16xf32>,
      %parallel_loop3A_907 = arith.constant 8 : i32
      %parallel_loop3A_908 = vector.broadcast %parallel_loop3A_907 : i32 to vector<16xi32>
      %parallel_loop3A_909 = arith.addi %parallel_loop3A_764, %parallel_loop3A_908 : vector<16xi32>
      %parallel_loop3A_910 = tpu.vector_load_idx %arg15[%parallel_loop3A_746, %parallel_loop3A_909] : memref<256x128xf32, #tpu.memory_space<vmem>>[vector<16xi32>, vector<16xi32>], vector<16xf32>,
      %parallel_loop3A_911 = arith.constant 8 : i32
      %parallel_loop3A_912 = vector.broadcast %parallel_loop3A_911 : i32 to vector<16xi32>
      %parallel_loop3A_913 = arith.addi %parallel_loop3A_770, %parallel_loop3A_912 : vector<16xi32>
      %parallel_loop3A_914 = tpu.vector_load_idx %arg16[%parallel_loop3A_746, %parallel_loop3A_913] : memref<256x128xf32, #tpu.memory_space<vmem>>[vector<16xi32>, vector<16xi32>], vector<16xf32>,
      %parallel_loop3A_915 = arith.mulf %parallel_loop3A_906, %parallel_loop3A_910 : vector<16xf32>
      %parallel_loop3A_916 = arith.addf %parallel_loop3A_900, %parallel_loop3A_915 : vector<16xf32>
      %parallel_loop3A_917 = arith.mulf %parallel_loop3A_906, %parallel_loop3A_914 : vector<16xf32>
      %parallel_loop3A_918 = arith.addf %parallel_loop3A_902, %parallel_loop3A_917 : vector<16xf32>
      %parallel_loop3A_919 = arith.constant 9 : i32
      %parallel_loop3A_920 = vector.broadcast %parallel_loop3A_919 : i32 to vector<16xi32>
      %parallel_loop3A_921 = arith.addi %parallel_loop3A_758, %parallel_loop3A_920 : vector<16xi32>
      %parallel_loop3A_922 = tpu.vector_load_idx %arg14[%parallel_loop3A_746, %parallel_loop3A_921] : memref<256x128xf32, #tpu.memory_space<vmem>>[vector<16xi32>, vector<16xi32>], vector<16xf32>,
      %parallel_loop3A_923 = arith.constant 9 : i32
      %parallel_loop3A_924 = vector.broadcast %parallel_loop3A_923 : i32 to vector<16xi32>
      %parallel_loop3A_925 = arith.addi %parallel_loop3A_764, %parallel_loop3A_924 : vector<16xi32>
      %parallel_loop3A_926 = tpu.vector_load_idx %arg15[%parallel_loop3A_746, %parallel_loop3A_925] : memref<256x128xf32, #tpu.memory_space<vmem>>[vector<16xi32>, vector<16xi32>], vector<16xf32>,
      %parallel_loop3A_927 = arith.constant 9 : i32
      %parallel_loop3A_928 = vector.broadcast %parallel_loop3A_927 : i32 to vector<16xi32>
      %parallel_loop3A_929 = arith.addi %parallel_loop3A_770, %parallel_loop3A_928 : vector<16xi32>
      %parallel_loop3A_930 = tpu.vector_load_idx %arg16[%parallel_loop3A_746, %parallel_loop3A_929] : memref<256x128xf32, #tpu.memory_space<vmem>>[vector<16xi32>, vector<16xi32>], vector<16xf32>,
      %parallel_loop3A_931 = arith.mulf %parallel_loop3A_922, %parallel_loop3A_926 : vector<16xf32>
      %parallel_loop3A_932 = arith.addf %parallel_loop3A_916, %parallel_loop3A_931 : vector<16xf32>
      %parallel_loop3A_933 = arith.mulf %parallel_loop3A_922, %parallel_loop3A_930 : vector<16xf32>
      %parallel_loop3A_934 = arith.addf %parallel_loop3A_918, %parallel_loop3A_933 : vector<16xf32>
      %parallel_loop3A_935 = arith.constant 10 : i32
      %parallel_loop3A_936 = vector.broadcast %parallel_loop3A_935 : i32 to vector<16xi32>
      %parallel_loop3A_937 = arith.addi %parallel_loop3A_758, %parallel_loop3A_936 : vector<16xi32>
      %parallel_loop3A_938 = tpu.vector_load_idx %arg14[%parallel_loop3A_746, %parallel_loop3A_937] : memref<256x128xf32, #tpu.memory_space<vmem>>[vector<16xi32>, vector<16xi32>], vector<16xf32>,
      %parallel_loop3A_939 = arith.constant 10 : i32
      %parallel_loop3A_940 = vector.broadcast %parallel_loop3A_939 : i32 to vector<16xi32>
      %parallel_loop3A_941 = arith.addi %parallel_loop3A_764, %parallel_loop3A_940 : vector<16xi32>
      %parallel_loop3A_942 = tpu.vector_load_idx %arg15[%parallel_loop3A_746, %parallel_loop3A_941] : memref<256x128xf32, #tpu.memory_space<vmem>>[vector<16xi32>, vector<16xi32>], vector<16xf32>,
      %parallel_loop3A_943 = arith.constant 10 : i32
      %parallel_loop3A_944 = vector.broadcast %parallel_loop3A_943 : i32 to vector<16xi32>
      %parallel_loop3A_945 = arith.addi %parallel_loop3A_770, %parallel_loop3A_944 : vector<16xi32>
      %parallel_loop3A_946 = tpu.vector_load_idx %arg16[%parallel_loop3A_746, %parallel_loop3A_945] : memref<256x128xf32, #tpu.memory_space<vmem>>[vector<16xi32>, vector<16xi32>], vector<16xf32>,
      %parallel_loop3A_947 = arith.mulf %parallel_loop3A_938, %parallel_loop3A_942 : vector<16xf32>
      %parallel_loop3A_948 = arith.addf %parallel_loop3A_932, %parallel_loop3A_947 : vector<16xf32>
      %parallel_loop3A_949 = arith.mulf %parallel_loop3A_938, %parallel_loop3A_946 : vector<16xf32>
      %parallel_loop3A_950 = arith.addf %parallel_loop3A_934, %parallel_loop3A_949 : vector<16xf32>
      %parallel_loop3A_951 = arith.constant 11 : i32
      %parallel_loop3A_952 = vector.broadcast %parallel_loop3A_951 : i32 to vector<16xi32>
      %parallel_loop3A_953 = arith.addi %parallel_loop3A_758, %parallel_loop3A_952 : vector<16xi32>
      %parallel_loop3A_954 = tpu.vector_load_idx %arg14[%parallel_loop3A_746, %parallel_loop3A_953] : memref<256x128xf32, #tpu.memory_space<vmem>>[vector<16xi32>, vector<16xi32>], vector<16xf32>,
      %parallel_loop3A_955 = arith.constant 11 : i32
      %parallel_loop3A_956 = vector.broadcast %parallel_loop3A_955 : i32 to vector<16xi32>
      %parallel_loop3A_957 = arith.addi %parallel_loop3A_764, %parallel_loop3A_956 : vector<16xi32>
      %parallel_loop3A_958 = tpu.vector_load_idx %arg15[%parallel_loop3A_746, %parallel_loop3A_957] : memref<256x128xf32, #tpu.memory_space<vmem>>[vector<16xi32>, vector<16xi32>], vector<16xf32>,
      %parallel_loop3A_959 = arith.constant 11 : i32
      %parallel_loop3A_960 = vector.broadcast %parallel_loop3A_959 : i32 to vector<16xi32>
      %parallel_loop3A_961 = arith.addi %parallel_loop3A_770, %parallel_loop3A_960 : vector<16xi32>
      %parallel_loop3A_962 = tpu.vector_load_idx %arg16[%parallel_loop3A_746, %parallel_loop3A_961] : memref<256x128xf32, #tpu.memory_space<vmem>>[vector<16xi32>, vector<16xi32>], vector<16xf32>,
      %parallel_loop3A_963 = arith.mulf %parallel_loop3A_954, %parallel_loop3A_958 : vector<16xf32>
      %parallel_loop3A_964 = arith.addf %parallel_loop3A_948, %parallel_loop3A_963 : vector<16xf32>
      %parallel_loop3A_965 = arith.mulf %parallel_loop3A_954, %parallel_loop3A_962 : vector<16xf32>
      %parallel_loop3A_966 = arith.addf %parallel_loop3A_950, %parallel_loop3A_965 : vector<16xf32>
      %parallel_loop3A_967 = arith.constant 12 : i32
      %parallel_loop3A_968 = vector.broadcast %parallel_loop3A_967 : i32 to vector<16xi32>
      %parallel_loop3A_969 = arith.addi %parallel_loop3A_758, %parallel_loop3A_968 : vector<16xi32>
      %parallel_loop3A_970 = tpu.vector_load_idx %arg14[%parallel_loop3A_746, %parallel_loop3A_969] : memref<256x128xf32, #tpu.memory_space<vmem>>[vector<16xi32>, vector<16xi32>], vector<16xf32>,
      %parallel_loop3A_971 = arith.constant 12 : i32
      %parallel_loop3A_972 = vector.broadcast %parallel_loop3A_971 : i32 to vector<16xi32>
      %parallel_loop3A_973 = arith.addi %parallel_loop3A_764, %parallel_loop3A_972 : vector<16xi32>
      %parallel_loop3A_974 = tpu.vector_load_idx %arg15[%parallel_loop3A_746, %parallel_loop3A_973] : memref<256x128xf32, #tpu.memory_space<vmem>>[vector<16xi32>, vector<16xi32>], vector<16xf32>,
      %parallel_loop3A_975 = arith.constant 12 : i32
      %parallel_loop3A_976 = vector.broadcast %parallel_loop3A_975 : i32 to vector<16xi32>
      %parallel_loop3A_977 = arith.addi %parallel_loop3A_770, %parallel_loop3A_976 : vector<16xi32>
      %parallel_loop3A_978 = tpu.vector_load_idx %arg16[%parallel_loop3A_746, %parallel_loop3A_977] : memref<256x128xf32, #tpu.memory_space<vmem>>[vector<16xi32>, vector<16xi32>], vector<16xf32>,
      %parallel_loop3A_979 = arith.mulf %parallel_loop3A_970, %parallel_loop3A_974 : vector<16xf32>
      %parallel_loop3A_980 = arith.addf %parallel_loop3A_964, %parallel_loop3A_979 : vector<16xf32>
      %parallel_loop3A_981 = arith.mulf %parallel_loop3A_970, %parallel_loop3A_978 : vector<16xf32>
      %parallel_loop3A_982 = arith.addf %parallel_loop3A_966, %parallel_loop3A_981 : vector<16xf32>
      %parallel_loop3A_983 = arith.constant 13 : i32
      %parallel_loop3A_984 = vector.broadcast %parallel_loop3A_983 : i32 to vector<16xi32>
      %parallel_loop3A_985 = arith.addi %parallel_loop3A_758, %parallel_loop3A_984 : vector<16xi32>
      %parallel_loop3A_986 = tpu.vector_load_idx %arg14[%parallel_loop3A_746, %parallel_loop3A_985] : memref<256x128xf32, #tpu.memory_space<vmem>>[vector<16xi32>, vector<16xi32>], vector<16xf32>,
      %parallel_loop3A_987 = arith.constant 13 : i32
      %parallel_loop3A_988 = vector.broadcast %parallel_loop3A_987 : i32 to vector<16xi32>
      %parallel_loop3A_989 = arith.addi %parallel_loop3A_764, %parallel_loop3A_988 : vector<16xi32>
      %parallel_loop3A_990 = tpu.vector_load_idx %arg15[%parallel_loop3A_746, %parallel_loop3A_989] : memref<256x128xf32, #tpu.memory_space<vmem>>[vector<16xi32>, vector<16xi32>], vector<16xf32>,
      %parallel_loop3A_991 = arith.constant 13 : i32
      %parallel_loop3A_992 = vector.broadcast %parallel_loop3A_991 : i32 to vector<16xi32>
      %parallel_loop3A_993 = arith.addi %parallel_loop3A_770, %parallel_loop3A_992 : vector<16xi32>
      %parallel_loop3A_994 = tpu.vector_load_idx %arg16[%parallel_loop3A_746, %parallel_loop3A_993] : memref<256x128xf32, #tpu.memory_space<vmem>>[vector<16xi32>, vector<16xi32>], vector<16xf32>,
      %parallel_loop3A_995 = arith.mulf %parallel_loop3A_986, %parallel_loop3A_990 : vector<16xf32>
      %parallel_loop3A_996 = arith.addf %parallel_loop3A_980, %parallel_loop3A_995 : vector<16xf32>
      %parallel_loop3A_997 = arith.mulf %parallel_loop3A_986, %parallel_loop3A_994 : vector<16xf32>
      %parallel_loop3A_998 = arith.addf %parallel_loop3A_982, %parallel_loop3A_997 : vector<16xf32>
      %parallel_loop3A_999 = arith.constant 14 : i32
      %parallel_loop3A_1000 = vector.broadcast %parallel_loop3A_999 : i32 to vector<16xi32>
      %parallel_loop3A_1001 = arith.addi %parallel_loop3A_758, %parallel_loop3A_1000 : vector<16xi32>
      %parallel_loop3A_1002 = tpu.vector_load_idx %arg14[%parallel_loop3A_746, %parallel_loop3A_1001] : memref<256x128xf32, #tpu.memory_space<vmem>>[vector<16xi32>, vector<16xi32>], vector<16xf32>,
      %parallel_loop3A_1003 = arith.constant 14 : i32
      %parallel_loop3A_1004 = vector.broadcast %parallel_loop3A_1003 : i32 to vector<16xi32>
      %parallel_loop3A_1005 = arith.addi %parallel_loop3A_764, %parallel_loop3A_1004 : vector<16xi32>
      %parallel_loop3A_1006 = tpu.vector_load_idx %arg15[%parallel_loop3A_746, %parallel_loop3A_1005] : memref<256x128xf32, #tpu.memory_space<vmem>>[vector<16xi32>, vector<16xi32>], vector<16xf32>,
      %parallel_loop3A_1007 = arith.constant 14 : i32
      %parallel_loop3A_1008 = vector.broadcast %parallel_loop3A_1007 : i32 to vector<16xi32>
      %parallel_loop3A_1009 = arith.addi %parallel_loop3A_770, %parallel_loop3A_1008 : vector<16xi32>
      %parallel_loop3A_1010 = tpu.vector_load_idx %arg16[%parallel_loop3A_746, %parallel_loop3A_1009] : memref<256x128xf32, #tpu.memory_space<vmem>>[vector<16xi32>, vector<16xi32>], vector<16xf32>,
      %parallel_loop3A_1011 = arith.mulf %parallel_loop3A_1002, %parallel_loop3A_1006 : vector<16xf32>
      %parallel_loop3A_1012 = arith.addf %parallel_loop3A_996, %parallel_loop3A_1011 : vector<16xf32>
      %parallel_loop3A_1013 = arith.mulf %parallel_loop3A_1002, %parallel_loop3A_1010 : vector<16xf32>
      %parallel_loop3A_1014 = arith.addf %parallel_loop3A_998, %parallel_loop3A_1013 : vector<16xf32>
      %parallel_loop3A_1015 = arith.constant 15 : i32
      %parallel_loop3A_1016 = vector.broadcast %parallel_loop3A_1015 : i32 to vector<16xi32>
      %parallel_loop3A_1017 = arith.addi %parallel_loop3A_758, %parallel_loop3A_1016 : vector<16xi32>
      %parallel_loop3A_1018 = tpu.vector_load_idx %arg14[%parallel_loop3A_746, %parallel_loop3A_1017] : memref<256x128xf32, #tpu.memory_space<vmem>>[vector<16xi32>, vector<16xi32>], vector<16xf32>,
      %parallel_loop3A_1019 = arith.constant 15 : i32
      %parallel_loop3A_1020 = vector.broadcast %parallel_loop3A_1019 : i32 to vector<16xi32>
      %parallel_loop3A_1021 = arith.addi %parallel_loop3A_764, %parallel_loop3A_1020 : vector<16xi32>
      %parallel_loop3A_1022 = tpu.vector_load_idx %arg15[%parallel_loop3A_746, %parallel_loop3A_1021] : memref<256x128xf32, #tpu.memory_space<vmem>>[vector<16xi32>, vector<16xi32>], vector<16xf32>,
      %parallel_loop3A_1023 = arith.constant 15 : i32
      %parallel_loop3A_1024 = vector.broadcast %parallel_loop3A_1023 : i32 to vector<16xi32>
      %parallel_loop3A_1025 = arith.addi %parallel_loop3A_770, %parallel_loop3A_1024 : vector<16xi32>
      %parallel_loop3A_1026 = tpu.vector_load_idx %arg16[%parallel_loop3A_746, %parallel_loop3A_1025] : memref<256x128xf32, #tpu.memory_space<vmem>>[vector<16xi32>, vector<16xi32>], vector<16xf32>,
      %parallel_loop3A_1027 = arith.mulf %parallel_loop3A_1018, %parallel_loop3A_1022 : vector<16xf32>
      %parallel_loop3A_1028 = arith.addf %parallel_loop3A_1012, %parallel_loop3A_1027 : vector<16xf32>
      %parallel_loop3A_1029 = arith.mulf %parallel_loop3A_1018, %parallel_loop3A_1026 : vector<16xf32>
      %parallel_loop3A_1030 = arith.addf %parallel_loop3A_1014, %parallel_loop3A_1029 : vector<16xf32>
      %parallel_loop3A_1031 = arith.index_cast %parallel_loop3A_741 : i32 to index
      %parallel_loop3A_1032 = tpu.vector_load %arg17[%parallel_loop3A_1031] {strides = array<i32>} : memref<512xf32, #tpu.memory_space<vmem>>, vector<16xf32>,
      tpu.vector_store %arg17[%parallel_loop3A_1031], %parallel_loop3A_1028 {strides = array<i32>} : memref<512xf32, #tpu.memory_space<vmem>>, vector<16xf32>,
      %parallel_loop3A_1033 = arith.index_cast %parallel_loop3A_741 : i32 to index
      %parallel_loop3A_1034 = tpu.vector_load %arg18[%parallel_loop3A_1033] {strides = array<i32>} : memref<512xf32, #tpu.memory_space<vmem>>, vector<16xf32>,
      tpu.vector_store %arg18[%parallel_loop3A_1033], %parallel_loop3A_1030 {strides = array<i32>} : memref<512xf32, #tpu.memory_space<vmem>>, vector<16xf32>,
      scf.yield %parallel_loop3A_742 : i32
    } {sc.loop_unroll_factor = 1 : i64, sc.parallel_access}
    "tpu.region"() ({
      %run_scoped3A = tpu.sem_alloc : memref<!tpu.dma_semaphore, #tpu.memory_space<semaphore_mem>>
      %dma_start3A_741 = tpu.memref_slice %arg7[%mul3A_2] : memref<32768xf32, #tpu.memory_space<hbm>> -> memref<512xf32, #tpu.memory_space<hbm>>
      %dma_start3A_742 = tpu.memref_slice %arg7[%mul3A_2] : memref<32768xf32, #tpu.memory_space<hbm>> -> memref<512xf32, #tpu.memory_space<hbm>>
      tpu.enqueue_dma source(%arg17 : memref<512xf32, #tpu.memory_space<vmem>>) target(%dma_start3A_742 : memref<512xf32, #tpu.memory_space<hbm>>) target_semaphore(%run_scoped3A : memref<!tpu.dma_semaphore, #tpu.memory_space<semaphore_mem>>)
      %dma_wait3A_743 = tpu.memref_slice %arg7[%mul3A_2] : memref<32768xf32, #tpu.memory_space<hbm>> -> memref<512xf32, #tpu.memory_space<hbm>>
      %dma_wait3A_744 = tpu.memref_slice %arg7[%mul3A_2] : memref<32768xf32, #tpu.memory_space<hbm>> -> memref<512xf32, #tpu.memory_space<hbm>>
      tpu.wait_dma2 semaphore(%run_scoped3A : memref<!tpu.dma_semaphore, #tpu.memory_space<semaphore_mem>>) src(%arg17 : memref<512xf32, #tpu.memory_space<vmem>>) dst(%dma_wait3A_744 : memref<512xf32, #tpu.memory_space<hbm>>)
      tpu.yield
    }) : () -> ()
    %add3A_739 = arith.constant 16384 : i32
    %add3A_740 = arith.addi %add3A_739, %mul3A_2 : i32
    "tpu.region"() ({
      %run_scoped3A = tpu.sem_alloc : memref<!tpu.dma_semaphore, #tpu.memory_space<semaphore_mem>>
      %dma_start3A_741 = tpu.memref_slice %arg7[%add3A_740] : memref<32768xf32, #tpu.memory_space<hbm>> -> memref<512xf32, #tpu.memory_space<hbm>>
      %dma_start3A_742 = tpu.memref_slice %arg7[%add3A_740] : memref<32768xf32, #tpu.memory_space<hbm>> -> memref<512xf32, #tpu.memory_space<hbm>>
      tpu.enqueue_dma source(%arg18 : memref<512xf32, #tpu.memory_space<vmem>>) target(%dma_start3A_742 : memref<512xf32, #tpu.memory_space<hbm>>) target_semaphore(%run_scoped3A : memref<!tpu.dma_semaphore, #tpu.memory_space<semaphore_mem>>)
      %dma_wait3A_743 = tpu.memref_slice %arg7[%add3A_740] : memref<32768xf32, #tpu.memory_space<hbm>> -> memref<512xf32, #tpu.memory_space<hbm>>
      %dma_wait3A_744 = tpu.memref_slice %arg7[%add3A_740] : memref<32768xf32, #tpu.memory_space<hbm>> -> memref<512xf32, #tpu.memory_space<hbm>>
      tpu.wait_dma2 semaphore(%run_scoped3A : memref<!tpu.dma_semaphore, #tpu.memory_space<semaphore_mem>>) src(%arg18 : memref<512xf32, #tpu.memory_space<vmem>>) dst(%dma_wait3A_744 : memref<512xf32, #tpu.memory_space<hbm>>)
      tpu.yield
    }) : () -> ()
    return
  }
}

</mosaic_0001>

<sc_bundles>
// kernel: kernel.3.cloned.1.call-start
scs
__scs_entry_jumppad:
0x0: {  	(pc) =	sbr.rel $0x88, $3  }
0x1: {  	(tag) =	ssettag $0x0;
	lr =	simm.s32 $0x1  }
0x2: {  	[smem:$0x3F9C] =	sst lr;
	_ =	strace $0xD0000000  }
0x3: {  	_ = 	snop  }
0x4: {  	_ = 	snop  }
0x5: {  	_ = 	snop  }
0x6: {  	_ = 	snop  }
0x7: {  	_ = 	snop  }
__scs_overlays_trampoline_lowered:
0x8: {  	[smem:$0x3FAB] =	sst s0  }
0x9: {  	[smem:$0x3FAC] =	sst s1  }
0xa: {  	[smem:$0x3FAD] =	sst s2  }
0xb: {  	[smem:$0x3FAE] =	sst s3  }
0xc: {  	[smem:$0x3FAF] =	sst s4  }
0xd: {  	[smem:$0x3FB0] =	sst s5  }
0xe: {  	[smem:$0x3FB1] =	sst s6  }
0xf: {  	[smem:$0x3FB2] =	sst s7  }
0x10: {  	[smem:$0x3FB3] =	sst s8  }
0x11: {  	[smem:$0x3FB4] =	sst s9;
	s0 =	simm.s32 @!p0 $0x0  }
0x12: {  	s1 =	sld [smem:$0x3F9A];
	s0 =	simm.s32 @p0 $0x1  }
0x13: {  	[smem:$0x3FB5] =	sst s0;
	s0 =	simm.s32 @!p1 $0x0  }
0x14: {  	s2 =	sld [smem:$0x3F99];
	s0 =	simm.s32 @p1 $0x1  }
0x15: {  	[smem:$0x3FB6] =	sst s0;
	s0 =	simm.s32 @!p2 $0x0  }
0x16: {  	s3 =	sld [smem:$0x3FDB];
	s0 =	simm.s32 @p2 $0x1  }
0x17: {  	s4 =	simm.s32 $0x1BF5;
	[smem:$0x3FB8] =	sst s0  }
0x18: {  	s0 =	sld [smem:$0x3F9B];
	_ =	swait.ge [sflag:s4], $0x0  }
0x19: {  	s7 =	sld [smem:$0x3F9C]  }
0x1a: {  	s8 =	sadd.s32 $0xFFFFE003, lr  }
0x1b: {  	s9 =	sadd.s32 $0xFFFFFEF7, lr;
	s5 =	simm.s32 $0xFFFFFFFF;
	p2 =	slt.u32 s8, $0xFFFFF086  }
0x1c: {  	p1 =	slt.u32 s9, $0xF7A;
	s5 =	simm.s32 @!p2 $0x0  }
0x1d: {  	s5 =	simm.s32 @p1 $0x1;
	p0 =	seq.s32 s7, s2  }
0x1e: {  	s7 =	smul.u32 @!p0 $0xF7A, s2;
	p2 =	seq.s32 @!p0 s5, $0x0  }
0x1f: {  	s9 =	smul.u32 $0xF7A, s1;
	s8 =	simm.s32 @!p0 $0x1BF5;
	p2 =	por !p2, p0  }
0x20: {  	[sflag:s8] =	ssyncset.s32 @!p0 $0xFFFFF086;
	s6 =	sadd.s32 @!p0 s3, s7;
	s7 =	simm.s32 @!p0 $0x108  }
0x21: {  	s3 =	sadd.s32 s3, s9;
	s6 =	sadd.s32 @!p0 $0x88, s6;
	s7 =	simm.s32 @p2 $0x1082  }
0x22: {  	[simem:s7], [sflag:s8] =	dma.local @!p0 [hbm:s6], $0xF7A  }
0x23: {  	s9 =	sor.u32 $0xD0000000, s2;
	s6 =	simm.s32 $0x108;
	_ =	swait.ge @!p0 [sflag:s8], $0x0  }
0x24: {  	s3 =	sadd.s32 $0x88, s3;
	s6 =	simm.s32 @!p1 $0x1082;
	[sflag:s4] =	ssyncset.s32 $0xFFFFF086  }
0x25: {  	[simem:s6], [sflag:s4] =	dma.local [hbm:s3], $0xF7A  }
0x26: {  	[smem:$0x3F9C] =	sst s1;
	(tag) =	ssettag s2;
	_ =	strace s9  }
0x27: {  	s1 =	sld [smem:$0x3FAC]  }
0x28: {  	s2 =	sld [smem:$0x3FAD]  }
0x29: {  	s4 =	sld [smem:$0x3FAF]  }
0x2a: {  	p0 =	seq.s32 s5, $0x0;
	s5 =	sld [smem:$0x3FB0]  }
0x2b: {  	s6 =	sld [smem:$0x3FB1]  }
0x2c: {  	s7 =	sld [smem:$0x3FB2]  }
0x2d: {  	s3 =	simm.s32 $0x108;
	s8 =	sld [smem:$0x3FB3]  }
0x2e: {  	s3 =	simm.s32 @!p0 $0x1082;
	s9 =	sld [smem:$0x3FB4]  }
0x2f: {  	lr =	sadd.s32 s0, s3;
	s0 =	sld [smem:$0x3FAB]  }
0x30: {  	s3 =	sld [smem:$0x3FAE]  }
0x31: {  	[smem:$0x3FB7] =	sst s10  }
0x32: {  	s10 =	sld [smem:$0x3FB5];
	_ =	sdelay $0x3  }
0x33: {  	p0 =	seq.s32 s10, $0x1;
	s10 =	sld [smem:$0x3FB7];
	_ =	sdelay $0x3  }
0x34: {  	[smem:$0x3FB7] =	sst s10  }
0x35: {  	s10 =	sld [smem:$0x3FB6];
	_ =	sdelay $0x3  }
0x36: {  	p1 =	seq.s32 s10, $0x1;
	s10 =	sld [smem:$0x3FB7];
	_ =	sdelay $0x3  }
0x37: {  	[smem:$0x3FB7] =	sst s10  }
0x38: {  	s10 =	sld [smem:$0x3FB8]  }
0x39: {  	_ = 	snop;
	(pc) =	sbr.ind lr, $3  }
0x3a: {  	_ = 	snop  }
0x3b: {  	_ = 	snop  }
0x3c: {  	p2 =	seq.s32 s10, $0x1;
	s10 =	sld [smem:$0x3FB7]  }
0x3d: {  	_ =	shalt  }
0x3e: {  	_ =	shalt  }
0x3f: {  	_ =	shalt  }
0x40: {  	_ =	shalt  }
0x41: {  	_ =	shalt  }
0x42: {  	_ =	shalt  }
0x43: {  	_ =	shalt  }
0x44: {  	_ =	shalt  }
0x45: {  	_ =	shalt  }
0x46: {  	_ =	shalt  }
0x47: {  	_ =	shalt  }
0x48: {  	_ =	shalt  }
0x49: {  	_ =	shalt  }
0x4a: {  	_ =	shalt  }
0x4b: {  	_ =	shalt  }
0x4c: {  	_ =	shalt  }
0x4d: {  	_ =	shalt  }
0x4e: {  	_ =	shalt  }
0x4f: {  	_ =	shalt  }
0x50: {  	_ =	shalt  }
0x51: {  	_ =	shalt  }
0x52: {  	_ =	shalt  }
0x53: {  	_ =	shalt  }
0x54: {  	_ =	shalt  }
0x55: {  	_ =	shalt  }
0x56: {  	_ =	shalt  }
0x57: {  	_ =	shalt  }
0x58: {  	_ =	shalt  }
0x59: {  	_ =	shalt  }
0x5a: {  	_ =	shalt  }
0x5b: {  	_ =	shalt  }
0x5c: {  	_ =	shalt  }
0x5d: {  	_ =	shalt  }
0x5e: {  	_ =	shalt  }
0x5f: {  	_ =	shalt  }
0x60: {  	_ =	shalt  }
0x61: {  	_ =	shalt  }
0x62: {  	_ =	shalt  }
0x63: {  	_ =	shalt  }
0x64: {  	_ =	shalt  }
0x65: {  	_ =	shalt  }
0x66: {  	_ =	shalt  }
0x67: {  	_ =	shalt  }
0x68: {  	_ =	shalt  }
0x69: {  	_ =	shalt  }
0x6a: {  	_ =	shalt  }
0x6b: {  	_ =	shalt  }
0x6c: {  	_ =	shalt  }
0x6d: {  	_ =	shalt  }
0x6e: {  	_ =	shalt  }
0x6f: {  	_ =	shalt  }
0x70: {  	_ =	shalt  }
0x71: {  	_ =	shalt  }
0x72: {  	_ =	shalt  }
0x73: {  	_ =	shalt  }
0x74: {  	_ =	shalt  }
0x75: {  	_ =	shalt  }
0x76: {  	_ =	shalt  }
0x77: {  	_ =	shalt  }
0x78: {  	_ =	shalt  }
0x79: {  	_ =	shalt  }
0x7a: {  	_ =	shalt  }
0x7b: {  	_ =	shalt  }
0x7c: {  	_ =	shalt  }
0x7d: {  	_ =	shalt  }
0x7e: {  	_ =	shalt  }
0x7f: {  	_ =	shalt  }
0x80: {  	_ =	shalt  }
0x81: {  	_ =	shalt  }
0x82: {  	_ =	shalt  }
0x83: {  	_ =	shalt  }
0x84: {  	_ =	shalt  }
0x85: {  	_ =	shalt  }
0x86: {  	_ =	shalt  }
0x87: {  	_ =	shalt  }
.Lfunc_end0:
.L_simem_size_0:
called_computation_lowered:
.L_overlay_start_0:
0x88: {  	s2 =	sld [smem:$0x3FD9]  }
0x89: {  	s3 =	sld [smem:$0x3FFE];
	_ =	sdelay $0x1  }
0x8a: {  	s1 =	srdreg.scid  }
0x8b: {  	s0 =	sand.u32 $0x1, s1  }
0x8c: {  	s17 =	sshll.u32 s0, $0xA;
	s2 =	sadd.s32 s3, s2  }
0x8d: {  	s2 =	sadd.s32 s2, s17  }
0x8e: {  	[smem:$0x3FC3] =	sst s2  }
0x8f: {  	_ = 	snop  }
0x90: {  	s2 =	sld [smem:$0x3FC9]  }
0x91: {  	s18 =	sld [smem:$0x3FC8]  }
0x92: {  	s4 =	sld [smem:$0x3FC7]  }
0x93: {  	s5 =	sld [smem:$0x3FD0];
	(tm) =	ssettm $0x1  }
0x94: {  	s6 =	sld [smem:$0x3FFB];
	_ =	sdelay $0x3  }
0x95: {  	_ =	strace s6  }
0x96: {  	s6 =	sld [smem:$0x3FFC];
	_ =	sdelay $0x3  }
0x97: {  	_ =	strace s6  }
0x98: {  	s6 =	sld [smem:$0x3FFD];
	_ =	sdelay $0x3  }
0x99: {  	_ =	strace s6  }
0x9a: {  	_ =	strace $0x8FFFFFFF  }
0x9b: {  	s19 =	sld [smem:$0x3FDB];
	_ =	sdelay $0x1  }
0x9c: {  	s7 =	simm.s32 $_scs_section_size  }
0x9d: {  	s8 =	simm.s32 $_size__tile_overlayer_lowered;
	s9 =	simm.s32 $_tile_overlayer_lowered  }
0x9e: {  	s22 =	simm.s32 $0x1BFF;
	s21 =	sshll.u32 s9, $0x1;
	s6 =	sadd.s32 s7, s19  }
0x9f: {  	s10 =	simm.s32 $0x0;
	s20 =	sshll.u32 s8, $0x1;
	s8 =	sadd.s32 s21, s6  }
0xa0: {  	[timem:s10], [sflag:s22] =	dma.local [hbm:s8], s20  }
0xa1: {  	_ =	swait.ge [sflag:s22], s20  }
0xa2: {  	s7 =	ssub.s32 $0x0, s20;
	[sflag:s22] =	ssyncset.done $0x0  }
0xa3: {  	[sflag:s22] =	ssyncadd.s32 s7;
	_ =	sdelay $0x1  }
0xa4: {  	s23 =	simm.s32 $0x1B8B  }
0xa5: {  	_ =	swait.ge [sflag:s23], $0x1  }
0xa6: {  	[sflag:s23] =	ssyncset.done $0x0  }
0xa7: {  	s25 =	simm.s32 $0x1B8E;
	s24 =	sld [smem:$0x3FFE];
	[sflag:s23] =	ssyncadd.s32 $0xFFFFFFFF  }
0xa8: {  	s26 =	simm.s32 $execute0_lowered;
	[smem:$0x3FD2] =	sst s25  }
0xa9: {  	s8 =	sshll.u32 s26, $0x1;
	_ =	strace $0x80000046;
	[dreg:$0x1] =	wrdreg $0xFFFFFFFF  }
0xaa: {  	s28 =	simm.s32 $_size_execute0_lowered;
	s6 =	sadd.s32 s6, s8;
	[dreg:$0x0] =	wrdreg $0x0  }
0xab: {  	s8 =	sshll.u32 s28, $0x1;
	[dreg:$0x2] =	wrdreg s6  }
0xac: {  	[dreg:$0x3] =	wrdreg s8  }
0xad: {  	[dreg:$0x4] =	wrdreg $0xC0  }
0xae: {  	_ =	task [dreg:s10], $0x5FFFF  }
0xaf: {  	[dreg:$0x1] =	wrdreg $0xFFFFFFFF  }
0xb0: {  	[dreg:$0x0] =	wrdreg $0x60  }
0xb1: {  	[dreg:$0x2] =	wrdreg s2  }
0xb2: {  	[dreg:$0x3] =	wrdreg s18  }
0xb3: {  	[dreg:$0x4] =	wrdreg s4  }
0xb4: {  	[dreg:$0x5] =	wrdreg s24  }
0xb5: {  	[dreg:$0x6] =	wrdreg s5  }
0xb6: {  	[dreg:$0x7] =	wrdreg $0x9  }
0xb7: {  	_ =	task.clear_ibuf [dreg:s10], $0x8FFFF;
	_ =	strace $0x90000046  }
0xb8: {  	s29 =	simm.s32 $0x9;
	_ =	strace $0x80000048  }
0xb9: {  	_ =	swait.ge [sflag:s29], $0x1  }
0xba: {  	[sflag:s29] =	ssyncadd.s32 $0xFFFFFFFF  }
0xbb: {  	_ =	strace $0x90000048  }
0xbc: {  	_ =	sfence  }
0xbd: {  	s30 =	sld [smem:$0x0];
	_ =	sdelay $0x2  }
0xbe: {  	s31 =	sshll.u32 s1, $0xD;
	s1 =	sshrl.u32 s1, $0x2  }
0xbf: {  	s3 =	sand.u32 $0x4000, s31;
	s1 =	sadd.s32 s1, s30  }
0xc0: {  	s0 =	sor.u32 s3, s0;
	s1 =	sshll.u32 s1, $0x11  }
0xc1: {  	s0 =	sor.u32 s1, s0  }
0xc2: {  	s0 =	sadd.s32 $0x8F2B, s0  }
0xc3: {  	[sflag:s0] =	ssyncadd.remote.s32 $0x1  }
0xc4: {  	_ =	sfence.sel $0xFFFF  }
0xc5: {  	[dreg:$0x0] =	wrdreg $0xFFFFFFFF;
	(pc) =	sbr.abs _section_cstart, $3  }
0xc6: {  	[dreg:$0x1] =	wrdreg $0xFFFFFFFF  }
0xc7: {  	_ =	task.clear_ibuf [dreg:s10], $0x2FFFF;
	_ =	strace $0x9FFFFFFF  }
0xc8: {  	(tm) =	ssettm $0x7FFFFFFF  }
0xc9: {  	_ =	shalt  }
tec
execute0_lowered:
.L_overlay_start_1:
0x0: {  	(tag) =	ssettag $0x1  }
0x1: {  	s0 =	rddreg [dreg:$0x0]  }
0x2: {  	s2 =	rddreg [dreg:$0x1]  }
0x3: {  	s8 =	rddreg [dreg:$0x2]  }
0x4: {  	s4 =	rddreg [dreg:$0x3]  }
0x5: {  	s7 =	rddreg [dreg:$0x4];
	s1 =	simm.s32 $0x0;
	s3 =	srdreg.scid  }
0x6: {  	s10 =	stileid.u32;
	s12 =	simm.s32 $0x100;
	s14 =	simm.s32 $0xC00  }
0x7: {  	s16 =	simm.s32 $0x8C00;
	s18 =	simm.s32 $0x10C00;
	s19 =	simm.s32 $0x1  }
0x8: {  	s20 =	simm.s32 $0x700;
	s21 =	simm.s32 $0x900;
	s22 =	simm.s32 $0xB00  }
0x9: {  	s23 =	simm.s32 $0x18C00;
	s24 =	simm.s32 $0x18E00;
	s25 =	simm.s32 $0x0  }
0xa: {  	[smem:$0x7FF] =	sst s1;
	s5 =	sand.u32 $0x1, s3;
	s3 =	sadd.s32 $0xF42800, s4  }
0xb: {  	s10 =	sshll.u32 s10, $0x7;
	s6 =	ssub.s32 $0x2, s5;
	s5 =	sshll.u32 s5, $0x6  }
0xc: {  	s4 =	sadd.s32 $0x112AE00, s4;
	s9 =	sshrl.u32 s6, $0x1;
	s31 =	sor.u32 s5, s10  }
0xd: {  	_ =	strace $0x80000047;
	s11 =	ssub.s32 s6, s9;
	s5 =	sadd.s32 s0, s31  }
0xe: {  	v0 =	vlaneseq.u32;
	s6 =	sadd.s32 s2, s31;
	s7 =	sadd.s32 s7, s31;
	s8 =	sadd.s32 s8, s31  }
0xf: {  	v0 =	vmul.u32 $0x80, v0;
	s9 =	sadd.s32 $0x800, s7;
	s10 =	smax.u32 s11, $0x1;
	s11 =	simm.s32 $0x2  }
.LBB2_1:
0x10: {  	[tilespmem:s1], [sflag:$0x2] =	stream.linear.gather [hbm4b:s5+s1], $0x200, $0x38;
	[tilespmem:$0x19000] =	vst v63  }
0x11: {  	_ =	swait.ge [sflag:s11], $0x200  }
0x12: {  	[sflag:s11] =	ssyncset.done $0x0  }
0x13: {  	s26 =	simm.s32 $0x200;
	[sflag:s11] =	ssyncadd.s32 $0xFFFFFE00  }
0x14: {  	[tilespmem:s26], [sflag:$0x2] =	stream.linear.gather [hbm4b:s6+s1], $0x200, $0x38;
	[tilespmem:$0x19000] =	vst v63  }
0x15: {  	_ =	swait.ge [sflag:s11], $0x200  }
0x16: {  	[sflag:s11] =	ssyncset.done $0x0  }
0x17: {  	s28 =	simm.s32 $0x400;
	[sflag:s11] =	ssyncadd.s32 $0xFFFFFE00  }
0x18: {  	[tilespmem:s28], [sflag:$0x2] =	stream.linear.gather [hbm4b:s8+s1], $0x200, $0x38;
	[tilespmem:$0x19000] =	vst v63  }
0x19: {  	_ =	swait.ge [sflag:s11], $0x200  }
0x1a: {  	[sflag:s11] =	ssyncset.done $0x0  }
0x1b: {  	[sflag:s11] =	ssyncadd.s32 $0xFFFFFE00  }
0x1c: {  	v1 =	vld [tilespmem:$0x0]  }
0x1d: {  	v2 =	vld [tilespmem:$0x10]  }
0x1e: {  	v3 =	vld [tilespmem:$0x20]  }
0x1f: {  	v4 =	vld [tilespmem:$0x30]  }
0x20: {  	v5 =	vld [tilespmem:$0x40]  }
0x21: {  	v6 =	vld [tilespmem:$0x50];
	v1 =	vshrl.u32 v1, $0x3  }
0x22: {  	[tilespmem:$0x600] =	vst v1;
	v1 =	vshrl.u32 v2, $0x3;
	v2 =	vld [tilespmem:$0x60]  }
0x23: {  	[tilespmem:$0x610] =	vst v1;
	v1 =	vshrl.u32 v3, $0x3;
	v3 =	vld [tilespmem:$0x70]  }
0x24: {  	[tilespmem:$0x620] =	vst v1;
	v1 =	vshrl.u32 v4, $0x3;
	v4 =	vld [tilespmem:$0x80]  }
0x25: {  	[tilespmem:$0x630] =	vst v1;
	v1 =	vshrl.u32 v5, $0x3;
	v5 =	vld [tilespmem:$0x90]  }
0x26: {  	[tilespmem:$0x640] =	vst v1;
	v1 =	vshrl.u32 v6, $0x3;
	v6 =	vld [tilespmem:$0xA0]  }
0x27: {  	[tilespmem:$0x650] =	vst v1;
	v1 =	vshrl.u32 v2, $0x3;
	v2 =	vld [tilespmem:$0xB0]  }
0x28: {  	[tilespmem:$0x660] =	vst v1;
	v1 =	vshrl.u32 v3, $0x3;
	v3 =	vld [tilespmem:$0xC0]  }
0x29: {  	[tilespmem:$0x670] =	vst v1;
	v1 =	vshrl.u32 v4, $0x3;
	v4 =	vld [tilespmem:$0xD0]  }
0x2a: {  	[tilespmem:$0x680] =	vst v1;
	v1 =	vshrl.u32 v5, $0x3;
	v5 =	vld [tilespmem:$0xE0]  }
0x2b: {  	[tilespmem:$0x690] =	vst v1;
	v1 =	vshrl.u32 v6, $0x3;
	v6 =	vld [tilespmem:$0xF0]  }
0x2c: {  	[tilespmem:$0x6A0] =	vst v1;
	v1 =	vshrl.u32 v2, $0x3;
	v2 =	vld [tilespmem:$0x100]  }
0x2d: {  	[tilespmem:$0x6B0] =	vst v1;
	v1 =	vshrl.u32 v3, $0x3;
	v3 =	vld [tilespmem:$0x110]  }
0x2e: {  	[tilespmem:$0x6C0] =	vst v1;
	v1 =	vshrl.u32 v4, $0x3;
	v4 =	vld [tilespmem:$0x120]  }
0x2f: {  	[tilespmem:$0x6D0] =	vst v1;
	v1 =	vshrl.u32 v5, $0x3;
	v5 =	vld [tilespmem:$0x130]  }
0x30: {  	[tilespmem:$0x6E0] =	vst v1;
	v1 =	vshrl.u32 v6, $0x3;
	v6 =	vld [tilespmem:$0x140]  }
0x31: {  	[tilespmem:$0x6F0] =	vst v1;
	v1 =	vshrl.u32 v2, $0x3;
	v2 =	vld [tilespmem:$0x150]  }
0x32: {  	[tilespmem:$0x700] =	vst v1;
	v1 =	vshrl.u32 v3, $0x3;
	v3 =	vld [tilespmem:$0x160]  }
0x33: {  	[tilespmem:$0x710] =	vst v1;
	v1 =	vshrl.u32 v4, $0x3;
	v4 =	vld [tilespmem:$0x170]  }
0x34: {  	[tilespmem:$0x720] =	vst v1;
	v1 =	vshrl.u32 v5, $0x3;
	v5 =	vld [tilespmem:$0x180]  }
0x35: {  	[tilespmem:$0x730] =	vst v1;
	v1 =	vshrl.u32 v6, $0x3;
	v6 =	vld [tilespmem:$0x190]  }
0x36: {  	[tilespmem:$0x740] =	vst v1;
	v1 =	vshrl.u32 v2, $0x3;
	v2 =	vld [tilespmem:$0x1A0]  }
0x37: {  	[tilespmem:$0x750] =	vst v1;
	v1 =	vshrl.u32 v3, $0x3;
	v3 =	vld [tilespmem:$0x1B0]  }
0x38: {  	[tilespmem:$0x760] =	vst v1;
	v1 =	vshrl.u32 v4, $0x3;
	v4 =	vld [tilespmem:$0x1C0]  }
0x39: {  	[tilespmem:$0x770] =	vst v1;
	v1 =	vshrl.u32 v5, $0x3;
	v5 =	vld [tilespmem:$0x1D0]  }
0x3a: {  	[tilespmem:$0x780] =	vst v1;
	v1 =	vshrl.u32 v6, $0x3;
	v6 =	vld [tilespmem:$0x1E0]  }
0x3b: {  	[tilespmem:$0x790] =	vst v1;
	v1 =	vshrl.u32 v2, $0x3;
	v2 =	vld [tilespmem:$0x1F0]  }
0x3c: {  	[tilespmem:$0x7A0] =	vst v1;
	v1 =	vshrl.u32 v3, $0x3;
	v3 =	vld [tilespmem:$0x200]  }
0x3d: {  	[tilespmem:$0x7B0] =	vst v1;
	v1 =	vshrl.u32 v4, $0x3;
	v4 =	vld [tilespmem:$0x210]  }
0x3e: {  	[tilespmem:$0x7C0] =	vst v1;
	v1 =	vshrl.u32 v5, $0x3;
	v5 =	vld [tilespmem:$0x220]  }
0x3f: {  	[tilespmem:$0x7D0] =	vst v1;
	v1 =	vshrl.u32 v6, $0x3;
	v6 =	vld [tilespmem:$0x230]  }
0x40: {  	[tilespmem:$0x7E0] =	vst v1;
	v1 =	vshrl.u32 v2, $0x3;
	v2 =	vld [tilespmem:$0x240]  }
0x41: {  	[tilespmem:$0x7F0] =	vst v1;
	v1 =	vshrl.u32 v3, $0x3;
	v3 =	vld [tilespmem:$0x250]  }
0x42: {  	[tilespmem:$0x800] =	vst v1;
	v1 =	vshrl.u32 v4, $0x3;
	v4 =	vld [tilespmem:$0x260]  }
0x43: {  	[tilespmem:$0x810] =	vst v1;
	v1 =	vshrl.u32 v5, $0x3;
	v5 =	vld [tilespmem:$0x270]  }
0x44: {  	[tilespmem:$0x820] =	vst v1;
	v1 =	vshrl.u32 v6, $0x3;
	v6 =	vld [tilespmem:$0x280]  }
0x45: {  	[tilespmem:$0x830] =	vst v1;
	v1 =	vshrl.u32 v2, $0x3;
	v2 =	vld [tilespmem:$0x290]  }
0x46: {  	[tilespmem:$0x840] =	vst v1;
	v1 =	vshrl.u32 v3, $0x3;
	v3 =	vld [tilespmem:$0x2A0]  }
0x47: {  	[tilespmem:$0x850] =	vst v1;
	v1 =	vshrl.u32 v4, $0x3;
	v4 =	vld [tilespmem:$0x2B0]  }
0x48: {  	[tilespmem:$0x860] =	vst v1;
	v1 =	vshrl.u32 v5, $0x3;
	v5 =	vld [tilespmem:$0x2C0]  }
0x49: {  	[tilespmem:$0x870] =	vst v1;
	v1 =	vshrl.u32 v6, $0x3;
	v6 =	vld [tilespmem:$0x2D0]  }
0x4a: {  	[tilespmem:$0x880] =	vst v1;
	v1 =	vshrl.u32 v2, $0x3;
	v2 =	vld [tilespmem:$0x2E0]  }
0x4b: {  	[tilespmem:$0x890] =	vst v1;
	v1 =	vshrl.u32 v3, $0x3;
	v3 =	vld [tilespmem:$0x2F0]  }
0x4c: {  	[tilespmem:$0x8A0] =	vst v1;
	v1 =	vshrl.u32 v4, $0x3;
	v4 =	vld [tilespmem:$0x300]  }
0x4d: {  	[tilespmem:$0x8B0] =	vst v1;
	v1 =	vshrl.u32 v5, $0x3;
	v5 =	vld [tilespmem:$0x310]  }
0x4e: {  	[tilespmem:$0x8C0] =	vst v1;
	v1 =	vshrl.u32 v6, $0x3;
	v6 =	vld [tilespmem:$0x320]  }
0x4f: {  	[tilespmem:$0x8D0] =	vst v1;
	v1 =	vshrl.u32 v2, $0x3;
	v2 =	vld [tilespmem:$0x330]  }
0x50: {  	[tilespmem:$0x8E0] =	vst v1;
	v1 =	vshrl.u32 v3, $0x3;
	v3 =	vld [tilespmem:$0x340]  }
0x51: {  	[tilespmem:$0x8F0] =	vst v1;
	v1 =	vshrl.u32 v4, $0x3;
	v4 =	vld [tilespmem:$0x350]  }
0x52: {  	[tilespmem:$0x900] =	vst v1;
	v1 =	vshrl.u32 v5, $0x3;
	v5 =	vld [tilespmem:$0x360]  }
0x53: {  	[tilespmem:$0x910] =	vst v1;
	v1 =	vshrl.u32 v6, $0x3;
	v6 =	vld [tilespmem:$0x370]  }
0x54: {  	[tilespmem:$0x920] =	vst v1;
	v1 =	vshrl.u32 v2, $0x3;
	v2 =	vld [tilespmem:$0x380]  }
0x55: {  	[tilespmem:$0x930] =	vst v1;
	v1 =	vshrl.u32 v3, $0x3;
	v3 =	vld [tilespmem:$0x390]  }
0x56: {  	[tilespmem:$0x940] =	vst v1;
	v1 =	vshrl.u32 v4, $0x3;
	v4 =	vld [tilespmem:$0x3A0]  }
0x57: {  	[tilespmem:$0x950] =	vst v1;
	v1 =	vshrl.u32 v5, $0x3;
	v5 =	vld [tilespmem:$0x3B0]  }
0x58: {  	[tilespmem:$0x960] =	vst v1;
	v1 =	vshrl.u32 v6, $0x3;
	v6 =	vld [tilespmem:$0x3C0]  }
0x59: {  	[tilespmem:$0x970] =	vst v1;
	v1 =	vshrl.u32 v2, $0x3;
	v2 =	vld [tilespmem:$0x3D0]  }
0x5a: {  	[tilespmem:$0x980] =	vst v1;
	v1 =	vshrl.u32 v3, $0x3;
	v3 =	vld [tilespmem:$0x3E0]  }
0x5b: {  	[tilespmem:$0x990] =	vst v1;
	v1 =	vshrl.u32 v4, $0x3;
	v4 =	vld [tilespmem:$0x3F0]  }
0x5c: {  	[tilespmem:$0x9A0] =	vst v1;
	v1 =	vshrl.u32 v5, $0x3;
	v5 =	vld [tilespmem:$0x400]  }
0x5d: {  	[tilespmem:$0x9B0] =	vst v1;
	v1 =	vshrl.u32 v6, $0x3;
	v6 =	vld [tilespmem:$0x410]  }
0x5e: {  	[tilespmem:$0x9C0] =	vst v1;
	v1 =	vshrl.u32 v2, $0x3;
	v2 =	vld [tilespmem:$0x420]  }
0x5f: {  	[tilespmem:$0x9D0] =	vst v1;
	v1 =	vshrl.u32 v3, $0x3;
	v3 =	vld [tilespmem:$0x430]  }
0x60: {  	[tilespmem:$0x9E0] =	vst v1;
	v1 =	vshrl.u32 v4, $0x3;
	v4 =	vld [tilespmem:$0x440]  }
0x61: {  	[tilespmem:$0x9F0] =	vst v1;
	v1 =	vshrl.u32 v5, $0x3;
	v5 =	vld [tilespmem:$0x450]  }
0x62: {  	[tilespmem:$0xA00] =	vst v1;
	v1 =	vshrl.u32 v6, $0x3;
	v6 =	vld [tilespmem:$0x460]  }
0x63: {  	[tilespmem:$0xA10] =	vst v1;
	v1 =	vshrl.u32 v2, $0x3;
	v2 =	vld [tilespmem:$0x470]  }
0x64: {  	[tilespmem:$0xA20] =	vst v1;
	v1 =	vshrl.u32 v3, $0x3;
	v3 =	vld [tilespmem:$0x480]  }
0x65: {  	[tilespmem:$0xA30] =	vst v1;
	v1 =	vshrl.u32 v4, $0x3;
	v4 =	vld [tilespmem:$0x490]  }
0x66: {  	[tilespmem:$0xA40] =	vst v1;
	v1 =	vshrl.u32 v5, $0x3;
	v5 =	vld [tilespmem:$0x4A0]  }
0x67: {  	[tilespmem:$0xA50] =	vst v1;
	v1 =	vshrl.u32 v6, $0x3;
	v6 =	vld [tilespmem:$0x4B0]  }
0x68: {  	[tilespmem:$0xA60] =	vst v1;
	v1 =	vshrl.u32 v2, $0x3;
	v2 =	vld [tilespmem:$0x4C0]  }
0x69: {  	[tilespmem:$0xA70] =	vst v1;
	v1 =	vshrl.u32 v3, $0x3;
	v3 =	vld [tilespmem:$0x4D0]  }
0x6a: {  	[tilespmem:$0xA80] =	vst v1;
	v1 =	vshrl.u32 v4, $0x3;
	v4 =	vld [tilespmem:$0x4E0]  }
0x6b: {  	[tilespmem:$0xA90] =	vst v1;
	v1 =	vshrl.u32 v5, $0x3;
	v5 =	vld [tilespmem:$0x4F0]  }
0x6c: {  	[tilespmem:$0xAA0] =	vst v1;
	v1 =	vshrl.u32 v6, $0x3;
	v6 =	vld [tilespmem:$0x500]  }
0x6d: {  	[tilespmem:$0xAB0] =	vst v1;
	v1 =	vshrl.u32 v2, $0x3;
	v2 =	vld [tilespmem:$0x510]  }
0x6e: {  	[tilespmem:$0xAC0] =	vst v1;
	v1 =	vshrl.u32 v3, $0x3;
	v3 =	vld [tilespmem:$0x520]  }
0x6f: {  	[tilespmem:$0xAD0] =	vst v1;
	v1 =	vshrl.u32 v4, $0x3;
	v4 =	vld [tilespmem:$0x530]  }
0x70: {  	[tilespmem:$0xAE0] =	vst v1;
	v1 =	vshrl.u32 v5, $0x3;
	v5 =	vld [tilespmem:$0x540]  }
0x71: {  	[tilespmem:$0xAF0] =	vst v1;
	v1 =	vshrl.u32 v6, $0x3;
	v6 =	vld [tilespmem:$0x550]  }
0x72: {  	[tilespmem:$0xB00] =	vst v1;
	v1 =	vshrl.u32 v2, $0x3;
	v2 =	vld [tilespmem:$0x560]  }
0x73: {  	[tilespmem:$0xB10] =	vst v1;
	v1 =	vshrl.u32 v3, $0x3;
	v3 =	vld [tilespmem:$0x570]  }
0x74: {  	[tilespmem:$0xB20] =	vst v1;
	v1 =	vshrl.u32 v4, $0x3;
	v4 =	vld [tilespmem:$0x580]  }
0x75: {  	[tilespmem:$0xB30] =	vst v1;
	v1 =	vshrl.u32 v5, $0x3;
	v5 =	vld [tilespmem:$0x590]  }
0x76: {  	[tilespmem:$0xB40] =	vst v1;
	v1 =	vshrl.u32 v6, $0x3;
	v6 =	vld [tilespmem:$0x5A0]  }
0x77: {  	[tilespmem:$0xB50] =	vst v1;
	v1 =	vshrl.u32 v2, $0x3;
	v2 =	vld [tilespmem:$0x5B0]  }
0x78: {  	[tilespmem:$0xB60] =	vst v1;
	v1 =	vshrl.u32 v3, $0x3;
	v3 =	vld [tilespmem:$0x5C0]  }
0x79: {  	[tilespmem:$0xB70] =	vst v1;
	v1 =	vshrl.u32 v4, $0x3;
	v4 =	vld [tilespmem:$0x5D0]  }
0x7a: {  	[tilespmem:$0xB80] =	vst v1;
	v1 =	vshrl.u32 v5, $0x3;
	v5 =	vld [tilespmem:$0x5E0]  }
0x7b: {  	[tilespmem:$0xB90] =	vst v1;
	v1 =	vshrl.u32 v6, $0x3;
	v6 =	vld [tilespmem:$0x5F0]  }
0x7c: {  	[tilespmem:$0xBA0] =	vst v1;
	v1 =	vshrl.u32 v2, $0x3  }
0x7d: {  	[tilespmem:$0xBB0] =	vst v1;
	v1 =	vshrl.u32 v3, $0x3  }
0x7e: {  	[tilespmem:$0xBC0] =	vst v1;
	v1 =	vshrl.u32 v4, $0x3  }
0x7f: {  	[tilespmem:$0xBD0] =	vst v1;
	v1 =	vshrl.u32 v5, $0x3  }
0x80: {  	[tilespmem:$0xBE0] =	vst v1;
	v1 =	vshrl.u32 v6, $0x3  }
0x81: {  	s0 =	simm.s32 $0x600;
	[tilespmem:$0xBF0] =	vst v1  }
0x82: {  	[tilespmem:s14], [sflag:$0x1] =	stream.indirect.gather [hbm4b:s3+s12], $0x80, s0, s12, $0xb8;
	[tilespmem:$0x19000] =	vst v63  }
0x83: {  	s15 =	simm.s32 $0x800  }
0x84: {  	[tilespmem:s16], [sflag:$0x1] =	stream.indirect.gather [hbm4b:s4+s12], $0x80, s15, s12, $0xb8;
	[tilespmem:$0x19000] =	vst v63  }
0x85: {  	s17 =	simm.s32 $0xA00  }
0x86: {  	[tilespmem:s18], [sflag:$0x1] =	stream.indirect.gather [hbm4b:s4+s12], $0x80, s17, s12, $0xb8;
	[tilespmem:$0x19000] =	vst v63  }
0x87: {  	_ =	swait.ge [sflag:s19], $0x8000  }
0x88: {  	[sflag:s19] =	ssyncset.done $0x0  }
0x89: {  	[sflag:s19] =	ssyncadd.s32 $0xFFFF8000  }
0x8a: {  	_ =	swait.ge [sflag:s19], $0x8000  }
0x8b: {  	[sflag:s19] =	ssyncset.done $0x0  }
0x8c: {  	[sflag:s19] =	ssyncadd.s32 $0xFFFF8000  }
0x8d: {  	_ =	swait.ge [sflag:s19], $0x8000  }
0x8e: {  	[sflag:s19] =	ssyncset.done $0x0  }
0x8f: {  	[sflag:s19] =	ssyncadd.s32 $0xFFFF8000  }
0x90: {  	v1 =	vld [tilespmem:s1+$0x0]  }
0x91: {  	v2 =	vld [tilespmem:s26+$0x0]  }
0x92: {  	v3 =	vld [tilespmem:s28+$0x0]  }
0x93: {  	s26 =	simm.s32 $0x0  }
0x94: {  	v4 =	vmov s26  }
0x95: {  	v4 =	vshll.u32 v4, $0x7;
	v1 =	vshll.u32 v1, $0x4  }
0x96: {  	v4 =	vor.u32 v0, v4;
	v2 =	vshll.u32 v2, $0x4;
	v1 =	vand.u32 $0x70, v1  }
0x97: {  	v3 =	vshll.u32 v3, $0x4;
	v2 =	vand.u32 $0x70, v2;
	v6 =	vor.u32 v4, v1  }
0x98: {  	s2 =	simm.s32 $0x10;
	v1 =	vand.u32 $0x70, v3;
	v2 =	vor.u32 v4, v2  }
0x99: {  	s13 =	simm.s32 $0x210;
	v7 =	vld [tilespmem:s2+$0x0];
	v11 =	vor.u32 v4, v1  }
0x9a: {  	s15 =	simm.s32 $0x410;
	v13 =	vld [tilespmem:s13+$0x0];
	v1 =	vor.u32 $0xF, v6  }
0x9b: {  	v14 =	vld [tilespmem:s15+$0x0];
	v3 =	vor.u32 $0xE, v6  }
0x9c: {  	v8 =	vor.u32 $0xD, v6;
	v15 =	vld.idx.msk [tilespmem:v6+s14+$0x0], $0xffff  }
0x9d: {  	v9 =	vor.u32 $0xC, v6;
	v16 =	vld.idx.msk [tilespmem:v2+s16+$0x0], $0xffff  }
0x9e: {  	v10 =	vor.u32 $0xB, v6;
	v17 =	vld.idx.msk [tilespmem:v11+s18+$0x0], $0xffff  }
0x9f: {  	v12 =	vor.u32 $0xA, v6;
	v4 =	vld.idx.msk [tilespmem:v1+s14+$0x0], $0xffff  }
0xa0: {  	v19 =	vor.u32 $0x7, v6;
	v5 =	vld.idx.msk [tilespmem:v3+s14+$0x0], $0xffff  }
0xa1: {  	v20 =	vor.u32 $0x6, v6;
	v8 =	vld.idx.msk [tilespmem:v8+s14+$0x0], $0xffff  }
0xa2: {  	v21 =	vor.u32 $0x5, v6;
	v9 =	vld.idx.msk [tilespmem:v9+s14+$0x0], $0xffff  }
0xa3: {  	v22 =	vor.u32 $0x4, v6;
	v10 =	vld.idx.msk [tilespmem:v10+s14+$0x0], $0xffff  }
0xa4: {  	v23 =	vor.u32 $0x3, v6;
	v12 =	vld.idx.msk [tilespmem:v12+s14+$0x0], $0xffff  }
0xa5: {  	v24 =	vor.u32 $0x1, v2;
	v19 =	vld.idx.msk [tilespmem:v19+s14+$0x0], $0xffff  }
0xa6: {  	v26 =	vor.u32 $0x2, v2;
	v20 =	vld.idx.msk [tilespmem:v20+s14+$0x0], $0xffff  }
0xa7: {  	v28 =	vor.u32 $0x3, v2;
	v21 =	vld.idx.msk [tilespmem:v21+s14+$0x0], $0xffff  }
0xa8: {  	v30 =	vor.u32 $0x4, v2;
	v22 =	vld.idx.msk [tilespmem:v22+s14+$0x0], $0xffff  }
0xa9: {  	v32 =	vor.u32 $0x5, v2;
	v23 =	vld.idx.msk [tilespmem:v23+s14+$0x0], $0xffff  }
0xaa: {  	v34 =	vor.u32 $0x6, v2;
	v24 =	vld.idx.msk [tilespmem:v24+s16+$0x0], $0xffff  }
0xab: {  	v36 =	vor.u32 $0x7, v2;
	v26 =	vld.idx.msk [tilespmem:v26+s16+$0x0], $0xffff  }
0xac: {  	v38 =	vor.u32 $0x8, v2;
	v28 =	vld.idx.msk [tilespmem:v28+s16+$0x0], $0xffff  }
0xad: {  	v40 =	vor.u32 $0x9, v2;
	v30 =	vld.idx.msk [tilespmem:v30+s16+$0x0], $0xffff  }
0xae: {  	v42 =	vor.u32 $0xA, v2;
	v32 =	vld.idx.msk [tilespmem:v32+s16+$0x0], $0xffff  }
0xaf: {  	v49 =	vor.u32 $0xD, v2;
	v34 =	vld.idx.msk [tilespmem:v34+s16+$0x0], $0xffff  }
0xb0: {  	v25 =	vor.u32 $0x1, v11;
	v36 =	vld.idx.msk [tilespmem:v36+s16+$0x0], $0xffff  }
0xb1: {  	v27 =	vor.u32 $0x2, v11;
	v38 =	vld.idx.msk [tilespmem:v38+s16+$0x0], $0xffff  }
0xb2: {  	v1 =	vor.u32 $0x9, v6;
	v40 =	vld.idx.msk [tilespmem:v40+s16+$0x0], $0xffff  }
0xb3: {  	v18 =	vor.u32 $0x8, v6;
	v42 =	vld.idx.msk [tilespmem:v42+s16+$0x0], $0xffff  }
0xb4: {  	v29 =	vor.u32 $0x3, v11;
	v56 =	vld.idx.msk [tilespmem:v49+s16+$0x0], $0xffff  }
0xb5: {  	v31 =	vor.u32 $0x4, v11;
	v25 =	vld.idx.msk [tilespmem:v25+s18+$0x0], $0xffff  }
0xb6: {  	v33 =	vor.u32 $0x5, v11;
	v27 =	vld.idx.msk [tilespmem:v27+s18+$0x0], $0xffff  }
0xb7: {  	v35 =	vor.u32 $0x6, v11;
	v3 =	vld.idx.msk [tilespmem:v1+s14+$0x0], $0xffff  }
0xb8: {  	v1 =	vld.idx.msk [tilespmem:v18+s14+$0x0], $0xffff;
	v18 =	vor.u32 $0x2, v6;
	v6 =	vor.u32 $0x1, v6  }
0xb9: {  	v37 =	vor.u32 $0x7, v11;
	v29 =	vld.idx.msk [tilespmem:v29+s18+$0x0], $0xffff  }
0xba: {  	v31 =	vld.idx.msk [tilespmem:v31+s18+$0x0], $0xffff  }
0xbb: {  	v39 =	vor.u32 $0x8, v11;
	v33 =	vld.idx.msk [tilespmem:v33+s18+$0x0], $0xffff  }
0xbc: {  	v44 =	vor.u32 $0xB, v2;
	v51 =	vor.u32 $0xD, v11;
	v35 =	vld.idx.msk [tilespmem:v35+s18+$0x0], $0xffff  }
0xbd: {  	v48 =	vor.u32 $0xC, v2;
	v52 =	vor.u32 $0xE, v2;
	v2 =	vor.u32 $0xF, v2;
	v6 =	vld.idx.msk [tilespmem:v6+s14+$0x0], $0xffff  }
0xbe: {  	v41 =	vor.u32 $0x9, v11;
	v43 =	vor.u32 $0xA, v11;
	v37 =	vld.idx.msk [tilespmem:v37+s18+$0x0], $0xffff  }
0xbf: {  	v45 =	vor.u32 $0xB, v11;
	v46 =	vor.u32 $0xC, v11;
	v54 =	vor.u32 $0xE, v11;
	v18 =	vld.idx.msk [tilespmem:v18+s14+$0x0], $0xffff  }
0xc0: {  	v11 =	vor.u32 $0xF, v11;
	v39 =	vld.idx.msk [tilespmem:v39+s18+$0x0], $0xffff;
	v16 =	vmul.f32 v16, v15;
	v15 =	vmul.f32 v17, v15  }
0xc1: {  	v58 =	vld.idx.msk [tilespmem:v51+s18+$0x0], $0xffff  }
0xc2: {  	s17 =	simm.s32 $0x10;
	v61 =	vld.idx.msk [tilespmem:v2+s16+$0x0], $0xffff;
	v15 =	vadd.f32 $0.0e+00, v15;
	v24 =	vmul.f32 v24, v6;
	v6 =	vmul.f32 v25, v6  }
0xc3: {  	v55 =	vmov s17;
	v17 =	vld.idx.msk [tilespmem:v41+s18+$0x0], $0xffff;
	v16 =	vadd.f32 $0.0e+00, v16  }
0xc4: {  	v53 =	vmul.f32 v28, v23;
	v28 =	vld.idx.msk [tilespmem:v48+s16+$0x0], $0xffff;
	v6 =	vadd.f32 v6, v15;
	v15 =	vmul.f32 v27, v18  }
0xc5: {  	v7 =	vshll.u32 v7, $0x4;
	v62 =	vld.idx.msk [tilespmem:v11+s18+$0x0], $0xffff;
	v50 =	vmul.f32 v26, v18;
	v16 =	vadd.f32 v24, v16  }
0xc6: {  	v7 =	vand.u32 $0x70, v7;
	v25 =	vld.idx.msk [tilespmem:v43+s18+$0x0], $0xffff;
	v6 =	vadd.f32 v15, v6;
	v15 =	vmul.f32 v29, v23  }
0xc7: {  	v57 =	vmul.f32 v30, v22;
	v2 =	vmul.f32 v32, v21;
	v26 =	vld.idx.msk [tilespmem:v44+s16+$0x0], $0xffff;
	v16 =	vadd.f32 v50, v16  }
0xc8: {  	v22 =	vmul.f32 v31, v22;
	v18 =	vld.idx.msk [tilespmem:v45+s18+$0x0], $0xffff;
	v15 =	vadd.f32 v15, v6;
	v6 =	vshll.u32 v55, $0x7  }
0xc9: {  	v27 =	vld.idx.msk [tilespmem:v52+s16+$0x0], $0xffff;
	v16 =	vadd.f32 v53, v16;
	v59 =	vor.u32 v0, v6;
	v6 =	vshll.u32 v13, $0x4  }
0xca: {  	v23 =	vld.idx.msk [tilespmem:v46+s18+$0x0], $0xffff;
	v13 =	vshll.u32 v14, $0x4;
	v6 =	vand.u32 $0x70, v6;
	v60 =	vor.u32 v59, v7  }
0xcb: {  	s26 =	simm.s32 $0x20;
	v14 =	vld.idx.msk [tilespmem:v54+s18+$0x0], $0xffff;
	v16 =	vadd.f32 v57, v16;
	v7 =	vand.u32 $0x70, v13;
	v6 =	vor.u32 v59, v6  }
0xcc: {  	v11 =	vadd.f32 v22, v15;
	v13 =	vmul.f32 v33, v21;
	v15 =	vld [tilespmem:s26+$0x0];
	s26 =	simm.s32 $0x220;
	v7 =	vor.u32 v59, v7  }
0xcd: {  	s28 =	simm.s32 $0x420;
	v21 =	vld [tilespmem:s26+$0x0];
	v22 =	vor.u32 $0xF, v60;
	v2 =	vadd.f32 v2, v16;
	v16 =	vmul.f32 v34, v20  }
0xce: {  	v44 =	vor.u32 $0xD, v60;
	v11 =	vadd.f32 v13, v11;
	v13 =	vmul.f32 v35, v20;
	v20 =	vld [tilespmem:s28+$0x0]  }
0xcf: {  	v50 =	vor.u32 $0x8, v60;
	v2 =	vadd.f32 v16, v2;
	v16 =	vmul.f32 v36, v19;
	v43 =	vld.idx.msk [tilespmem:v60+s14+$0x0], $0xffff  }
0xd0: {  	v52 =	vor.u32 $0x6, v60;
	v11 =	vadd.f32 v13, v11;
	v13 =	vmul.f32 v37, v19;
	v19 =	vld.idx.msk [tilespmem:v6+s16+$0x0], $0xffff  }
0xd1: {  	v63 =	vor.u32 $0xE, v60;
	v45 =	vor.u32 $0xC, v60;
	v2 =	vadd.f32 v16, v2;
	v46 =	vld.idx.msk [tilespmem:v7+s18+$0x0], $0xffff  }
0xd2: {  	v16 =	vmul.f32 v38, v1;
	v11 =	vadd.f32 v13, v11;
	v13 =	vmul.f32 v39, v1;
	v1 =	vld.idx.msk [tilespmem:v22+s14+$0x0], $0xffff  }
0xd3: {  	v17 =	vmul.f32 v17, v3;
	v47 =	vor.u32 $0xB, v60;
	v22 =	vmul.f32 v40, v3;
	v3 =	vld.idx.msk [tilespmem:v44+s14+$0x0], $0xffff  }
0xd4: {  	v48 =	vor.u32 $0xA, v60;
	v31 =	vld.idx.msk [tilespmem:v50+s14+$0x0], $0xffff;
	v16 =	vadd.f32 v16, v2  }
0xd5: {  	v55 =	vld.idx.msk [tilespmem:v52+s14+$0x0], $0xffff;
	v40 =	vor.u32 $0x5, v7;
	v13 =	vadd.f32 v13, v11  }
0xd6: {  	v49 =	vor.u32 $0x9, v60;
	v2 =	vld.idx.msk [tilespmem:v63+s14+$0x0], $0xffff;
	v16 =	vadd.f32 v22, v16;
	v22 =	vmul.f32 v42, v12  }
0xd7: {  	v25 =	vmul.f32 v25, v12;
	v57 =	vor.u32 $0x1, v7;
	v11 =	vld.idx.msk [tilespmem:v45+s14+$0x0], $0xffff;
	v17 =	vadd.f32 v17, v13  }
0xd8: {  	v63 =	vor.u32 $0x5, v6;
	v12 =	vld.idx.msk [tilespmem:v47+s14+$0x0], $0xffff;
	v16 =	vadd.f32 v22, v16;
	v22 =	vmul.f32 v26, v10  }
0xd9: {  	v51 =	vor.u32 $0x7, v60;
	v13 =	vld.idx.msk [tilespmem:v48+s14+$0x0], $0xffff;
	v17 =	vadd.f32 v25, v17;
	v10 =	vmul.f32 v18, v10  }
0xda: {  	v47 =	vld.idx.msk [tilespmem:v40+s18+$0x0], $0xffff;
	v18 =	vor.u32 $0x4, v60;
	v16 =	vadd.f32 v22, v16;
	v22 =	vmul.f32 v28, v9  }
0xdb: {  	v54 =	vor.u32 $0x3, v60;
	v25 =	vld.idx.msk [tilespmem:v49+s14+$0x0], $0xffff;
	v10 =	vadd.f32 v10, v17;
	v9 =	vmul.f32 v23, v9  }
0xdc: {  	v26 =	vld.idx.msk [tilespmem:v57+s18+$0x0], $0xffff;
	v23 =	vor.u32 $0x1, v60;
	v16 =	vadd.f32 v22, v16;
	v22 =	vmul.f32 v56, v8  }
0xdd: {  	v45 =	vld.idx.msk [tilespmem:v63+s16+$0x0], $0xffff;
	v56 =	vor.u32 $0x1, v6;
	v9 =	vadd.f32 v9, v10;
	v8 =	vmul.f32 v58, v8  }
0xde: {  	v24 =	vor.u32 $0x2, v60;
	v17 =	vld.idx.msk [tilespmem:v51+s14+$0x0], $0xffff;
	v16 =	vadd.f32 v22, v16;
	v22 =	vmul.f32 v27, v5  }
0xdf: {  	v18 =	vld.idx.msk [tilespmem:v18+s14+$0x0], $0xffff;
	v8 =	vadd.f32 v8, v9;
	v5 =	vmul.f32 v14, v5;
	v9 =	vor.u32 $0x2, v6  }
0xe0: {  	v58 =	vor.u32 $0x2, v7;
	v14 =	vld.idx.msk [tilespmem:v54+s14+$0x0], $0xffff;
	v16 =	vadd.f32 v22, v16;
	v22 =	vmul.f32 v61, v4  }
0xe1: {  	v23 =	vld.idx.msk [tilespmem:v23+s14+$0x0], $0xffff;
	v5 =	vadd.f32 v5, v8;
	v4 =	vmul.f32 v62, v4;
	v8 =	vor.u32 $0x3, v6  }
0xe2: {  	v53 =	vor.u32 $0x5, v60;
	v41 =	vor.u32 $0x6, v6;
	v60 =	vor.u32 $0x3, v7;
	v59 =	vld.idx.msk [tilespmem:v56+s16+$0x0], $0xffff  }
0xe3: {  	v22 =	vadd.f32 v22, v16;
	v4 =	vadd.f32 v4, v5;
	v16 =	vld.idx.msk [tilespmem:v24+s14+$0x0], $0xffff;
	v5 =	vor.u32 $0x4, v6  }
0xe4: {  	v15 =	vshll.u32 v15, $0x4;
	v44 =	vor.u32 $0x7, v6;
	v62 =	vor.u32 $0x4, v7;
	v9 =	vld.idx.msk [tilespmem:v9+s16+$0x0], $0xffff  }
0xe5: {  	v21 =	vshll.u32 v21, $0x4;
	v50 =	vor.u32 $0xA, v6;
	v19 =	vmul.f32 v19, v43;
	v27 =	vld.idx.msk [tilespmem:v58+s18+$0x0], $0xffff  }
0xe6: {  	v20 =	vshll.u32 v20, $0x4;
	v48 =	vor.u32 $0x9, v6;
	v33 =	vmul.f32 v46, v43;
	v8 =	vld.idx.msk [tilespmem:v8+s16+$0x0], $0xffff  }
0xe7: {  	v43 =	vor.u32 $0x6, v7;
	v19 =	vadd.f32 $0.0e+00, v19;
	v30 =	vld.idx.msk [tilespmem:v60+s18+$0x0], $0xffff;
	v28 =	vmul.f32 v59, v23  }
0xe8: {  	v46 =	vor.u32 $0x7, v7;
	v33 =	vadd.f32 $0.0e+00, v33;
	v23 =	vmul.f32 v26, v23;
	v42 =	vld.idx.msk [tilespmem:v5+s16+$0x0], $0xffff  }
0xe9: {  	v49 =	vor.u32 $0x9, v7;
	v32 =	vld.idx.msk [tilespmem:v62+s18+$0x0], $0xffff;
	v19 =	vadd.f32 v28, v19;
	v9 =	vmul.f32 v9, v16  }
0xea: {  	v63 =	vor.u32 $0xF, v7;
	v10 =	vld.idx.msk [tilespmem:v53+s14+$0x0], $0xffff;
	v23 =	vadd.f32 v23, v33;
	v16 =	vmul.f32 v27, v16  }
0xeb: {  	v52 =	vld.idx.msk [tilespmem:v48+s16+$0x0], $0xffff;
	v9 =	vadd.f32 v9, v19;
	v19 =	vor.u32 $0x8, v6;
	v8 =	vmul.f32 v8, v14  }
0xec: {  	v26 =	vld.idx.msk [tilespmem:v41+s16+$0x0], $0xffff;
	v16 =	vadd.f32 v16, v23;
	v23 =	vor.u32 $0x8, v7;
	v14 =	vmul.f32 v30, v14  }
0xed: {  	v51 =	vor.u32 $0xA, v7;
	v28 =	vld.idx.msk [tilespmem:v43+s18+$0x0], $0xffff;
	v8 =	vadd.f32 v8, v9;
	v9 =	vmul.f32 v42, v18  }
0xee: {  	s31 =	simm.s32 $0x20;
	v53 =	vor.u32 $0xB, v7;
	v33 =	vld.idx.msk [tilespmem:v44+s16+$0x0], $0xffff;
	v14 =	vadd.f32 v14, v16;
	v16 =	vmul.f32 v32, v18  }
0xef: {  	v61 =	vmov s31;
	v18 =	vld.idx.msk [tilespmem:v46+s18+$0x0], $0xffff;
	v8 =	vadd.f32 v9, v8;
	v9 =	vmul.f32 v45, v10  }
0xf0: {  	v56 =	vor.u32 $0xC, v7;
	v14 =	vadd.f32 v16, v14;
	v10 =	vmul.f32 v47, v10;
	v19 =	vld.idx.msk [tilespmem:v19+s16+$0x0], $0xffff  }
0xf1: {  	v16 =	vld.idx.msk [tilespmem:v23+s18+$0x0], $0xffff;
	v23 =	vor.u32 $0xB, v6;
	v8 =	vadd.f32 v9, v8;
	v9 =	vmul.f32 v26, v55  }
0xf2: {  	v54 =	vld.idx.msk [tilespmem:v49+s18+$0x0], $0xffff;
	v58 =	vor.u32 $0xE, v6;
	v10 =	vadd.f32 v10, v14;
	v14 =	vmul.f32 v28, v55  }
0xf3: {  	v57 =	vld.idx.msk [tilespmem:v53+s18+$0x0], $0xffff;
	v55 =	vor.u32 $0xC, v6;
	v8 =	vadd.f32 v9, v8;
	v9 =	vmul.f32 v33, v17  }
0xf4: {  	v27 =	vld.idx.msk [tilespmem:v50+s16+$0x0], $0xffff;
	v10 =	vadd.f32 v14, v10;
	v14 =	vmul.f32 v18, v17;
	v18 =	vor.u32 $0xD, v6  }
0xf5: {  	v24 =	vshll.u32 v61, $0x7;
	v17 =	vld.idx.msk [tilespmem:v51+s18+$0x0], $0xffff;
	v8 =	vadd.f32 v9, v8;
	v9 =	vmul.f32 v19, v31  }
0xf6: {  	v19 =	vld.idx.msk [tilespmem:v23+s16+$0x0], $0xffff;
	v23 =	vor.u32 $0xD, v7;
	v10 =	vadd.f32 v14, v10;
	v14 =	vmul.f32 v16, v31  }
0xf7: {  	v62 =	vor.u32 $0xF, v6;
	v61 =	vld.idx.msk [tilespmem:v56+s18+$0x0], $0xffff;
	v8 =	vadd.f32 v9, v8;
	v9 =	vmul.f32 v52, v25  }
0xf8: {  	v60 =	vor.u32 $0xE, v7;
	v59 =	vld.idx.msk [tilespmem:v55+s16+$0x0], $0xffff;
	v10 =	vadd.f32 v14, v10;
	v14 =	vmul.f32 v54, v25  }
0xf9: {  	v5 =	vor.u32 v0, v24;
	v16 =	vld.idx.msk [tilespmem:v18+s16+$0x0], $0xffff;
	v6 =	vadd.f32 v9, v8;
	v8 =	vmul.f32 v27, v13  }
0xfa: {  	[tilespmem:s23+$0x0] =	vst v22;
	v7 =	vand.u32 $0x70, v15;
	v9 =	vadd.f32 v14, v10;
	v13 =	vmul.f32 v17, v13;
	v10 =	vld.idx.msk [tilespmem:v58+s16+$0x0], $0xffff  }
0xfb: {  	[tilespmem:s24+$0x0] =	vst v4;
	v18 =	vand.u32 $0x70, v21;
	v15 =	vld.idx.msk [tilespmem:v23+s18+$0x0], $0xffff;
	v17 =	vmul.f32 v19, v12;
	v8 =	vadd.f32 v8, v6  }
0xfc: {  	v14 =	vor.u32 v5, v7;
	v7 =	vld.idx.msk [tilespmem:v62+s16+$0x0], $0xffff;
	v12 =	vmul.f32 v57, v12;
	v13 =	vadd.f32 v13, v9  }
0xfd: {  	v4 =	vor.u32 v5, v18;
	v9 =	vld.idx.msk [tilespmem:v60+s18+$0x0], $0xffff;
	v19 =	vmul.f32 v59, v11;
	v17 =	vadd.f32 v17, v8  }
0xfe: {  	s30 =	simm.s32 $0x18C00;
	s29 =	simm.s32 $0x18E00;
	s0 =	simm.s32 $0x30;
	v6 =	vand.u32 $0x70, v20;
	v20 =	vmul.f32 v61, v11;
	v18 =	vadd.f32 v12, v13;
	v8 =	vld.idx.msk [tilespmem:v63+s18+$0x0], $0xffff  }
.LBB2_2:
0xff: {  	v11 =	vld [tilespmem:s0+$0x0];
	v6 =	vor.u32 v5, v6;
	s26 =	sadd.s32 $0x10, s26;
	v5 =	vadd.f32 v19, v17;
	v12 =	vmul.f32 v16, v3  }
0x100: {  	v16 =	vor.u32 $0xF, v14;
	s28 =	sadd.s32 $0x10, s28;
	v3 =	vmul.f32 v15, v3;
	v13 =	vld [tilespmem:s26+$0x0];
	v17 =	vadd.f32 v20, v18  }
0x101: {  	v18 =	vor.u32 $0xE, v14;
	v10 =	vmul.f32 v10, v2;
	v15 =	vld [tilespmem:s28+$0x0];
	v5 =	vadd.f32 v12, v5  }
0x102: {  	v19 =	vor.u32 $0xD, v14;
	v2 =	vmul.f32 v9, v2;
	v12 =	vld.idx.msk [tilespmem:v14+s14+$0x0], $0xffff;
	v3 =	vadd.f32 v3, v17  }
0x103: {  	v9 =	vor.u32 $0xC, v14;
	v7 =	vmul.f32 v7, v1;
	v17 =	vld.idx.msk [tilespmem:v4+s16+$0x0], $0xffff;
	v5 =	vadd.f32 v10, v5  }
0x104: {  	v10 =	vor.u32 $0xB, v14;
	v8 =	vmul.f32 v8, v1;
	v20 =	vld.idx.msk [tilespmem:v6+s18+$0x0], $0xffff;
	v3 =	vadd.f32 v2, v3  }
0x105: {  	v21 =	vor.u32 $0xA, v14;
	v1 =	vld.idx.msk [tilespmem:v16+s14+$0x0], $0xffff;
	v5 =	vadd.f32 v7, v5  }
0x106: {  	s30 =	sadd.s32 $0x10, s30;
	v16 =	vor.u32 $0x9, v14;
	v2 =	vld.idx.msk [tilespmem:v18+s14+$0x0], $0xffff;
	v7 =	vadd.f32 v8, v3  }
0x107: {  	s29 =	sadd.s32 $0x10, s29;
	v18 =	vor.u32 $0x8, v14;
	v3 =	vld.idx.msk [tilespmem:v19+s14+$0x0], $0xffff;
	[tilespmem:s30+$0x0] =	vst v5  }
0x108: {  	v5 =	vor.u32 $0x7, v14;
	v8 =	vld.idx.msk [tilespmem:v9+s14+$0x0], $0xffff;
	[tilespmem:s29+$0x0] =	vst v7  }
0x109: {  	v19 =	vor.u32 $0x6, v14;
	v7 =	vld.idx.msk [tilespmem:v10+s14+$0x0], $0xffff  }
0x10a: {  	v22 =	vor.u32 $0x5, v14;
	v9 =	vld.idx.msk [tilespmem:v21+s14+$0x0], $0xffff  }
0x10b: {  	v21 =	vor.u32 $0x4, v14;
	v10 =	vld.idx.msk [tilespmem:v16+s14+$0x0], $0xffff  }
0x10c: {  	v16 =	vor.u32 $0x3, v14;
	v18 =	vld.idx.msk [tilespmem:v18+s14+$0x0], $0xffff  }
0x10d: {  	v23 =	vor.u32 $0x2, v14;
	v24 =	vld.idx.msk [tilespmem:v5+s14+$0x0], $0xffff  }
0x10e: {  	v5 =	vor.u32 $0x1, v14;
	v14 =	vld.idx.msk [tilespmem:v19+s14+$0x0], $0xffff  }
0x10f: {  	v19 =	vor.u32 $0x1, v4;
	v22 =	vld.idx.msk [tilespmem:v22+s14+$0x0], $0xffff  }
0x110: {  	v25 =	vor.u32 $0x1, v6;
	v21 =	vld.idx.msk [tilespmem:v21+s14+$0x0], $0xffff  }
0x111: {  	v26 =	vor.u32 $0x2, v4;
	v16 =	vld.idx.msk [tilespmem:v16+s14+$0x0], $0xffff  }
0x112: {  	v27 =	vor.u32 $0x2, v6;
	v23 =	vld.idx.msk [tilespmem:v23+s14+$0x0], $0xffff  }
0x113: {  	v29 =	vor.u32 $0x3, v4;
	v28 =	vld.idx.msk [tilespmem:v5+s14+$0x0], $0xffff  }
0x114: {  	s31 =	sadd.s32 $0x10, s31;
	v30 =	vor.u32 $0x3, v6;
	v19 =	vld.idx.msk [tilespmem:v19+s16+$0x0], $0xffff  }
0x115: {  	v31 =	vor.u32 $0x4, v4;
	p0 =	slt.u32 s31, $0xF0;
	v5 =	vmov s31;
	v25 =	vld.idx.msk [tilespmem:v25+s18+$0x0], $0xffff  }
0x116: {  	v32 =	vor.u32 $0x4, v6;
	v5 =	vshll.u32 v5, $0x7;
	v26 =	vld.idx.msk [tilespmem:v26+s16+$0x0], $0xffff  }
0x117: {  	v33 =	vor.u32 $0x5, v4;
	v11 =	vshll.u32 v11, $0x4;
	v5 =	vor.u32 v0, v5;
	v27 =	vld.idx.msk [tilespmem:v27+s18+$0x0], $0xffff  }
0x118: {  	v34 =	vor.u32 $0x5, v6;
	v13 =	vshll.u32 v13, $0x4;
	v17 =	vmul.f32 v17, v12;
	v29 =	vld.idx.msk [tilespmem:v29+s16+$0x0], $0xffff  }
0x119: {  	v35 =	vshll.u32 v15, $0x4;
	v12 =	vmul.f32 v20, v12;
	v20 =	vor.u32 $0x6, v4;
	v15 =	vld.idx.msk [tilespmem:v30+s18+$0x0], $0xffff  }
0x11a: {  	v17 =	vadd.f32 $0.0e+00, v17;
	v19 =	vmul.f32 v19, v28;
	v30 =	vld.idx.msk [tilespmem:v31+s16+$0x0], $0xffff;
	v31 =	vor.u32 $0x6, v6  }
0x11b: {  	v12 =	vadd.f32 $0.0e+00, v12;
	v25 =	vmul.f32 v25, v28;
	v28 =	vld.idx.msk [tilespmem:v32+s18+$0x0], $0xffff;
	v32 =	vor.u32 $0x7, v4  }
0x11c: {  	v17 =	vadd.f32 v19, v17;
	v19 =	vmul.f32 v26, v23;
	v26 =	vld.idx.msk [tilespmem:v33+s16+$0x0], $0xffff;
	v33 =	vor.u32 $0x7, v6  }
0x11d: {  	v12 =	vadd.f32 v25, v12;
	v23 =	vmul.f32 v27, v23;
	v27 =	vor.u32 $0x8, v4;
	v25 =	vld.idx.msk [tilespmem:v34+s18+$0x0], $0xffff  }
0x11e: {  	v17 =	vadd.f32 v19, v17;
	v19 =	vmul.f32 v29, v16;
	v29 =	vor.u32 $0x8, v6;
	v20 =	vld.idx.msk [tilespmem:v20+s16+$0x0], $0xffff  }
0x11f: {  	v12 =	vadd.f32 v23, v12;
	v15 =	vmul.f32 v15, v16;
	v23 =	vor.u32 $0x9, v4;
	v16 =	vld.idx.msk [tilespmem:v31+s18+$0x0], $0xffff  }
0x120: {  	v17 =	vadd.f32 v19, v17;
	v19 =	vmul.f32 v30, v21;
	v31 =	vor.u32 $0x9, v6;
	v30 =	vld.idx.msk [tilespmem:v32+s16+$0x0], $0xffff  }
0x121: {  	v12 =	vadd.f32 v15, v12;
	v15 =	vmul.f32 v28, v21;
	v28 =	vor.u32 $0xA, v4;
	v21 =	vld.idx.msk [tilespmem:v33+s18+$0x0], $0xffff  }
0x122: {  	v17 =	vadd.f32 v19, v17;
	v19 =	vmul.f32 v26, v22;
	v26 =	vld.idx.msk [tilespmem:v27+s16+$0x0], $0xffff;
	v27 =	vor.u32 $0xA, v6  }
0x123: {  	v12 =	vadd.f32 v15, v12;
	v15 =	vmul.f32 v25, v22;
	v25 =	vor.u32 $0xB, v4;
	v22 =	vld.idx.msk [tilespmem:v29+s18+$0x0], $0xffff  }
0x124: {  	v17 =	vadd.f32 v19, v17;
	v19 =	vmul.f32 v20, v14;
	v20 =	vld.idx.msk [tilespmem:v23+s16+$0x0], $0xffff;
	v23 =	vor.u32 $0xB, v6  }
0x125: {  	v12 =	vadd.f32 v15, v12;
	v14 =	vmul.f32 v16, v14;
	v16 =	vor.u32 $0xC, v4;
	v15 =	vld.idx.msk [tilespmem:v31+s18+$0x0], $0xffff  }
0x126: {  	v29 =	vor.u32 $0xC, v6;
	v17 =	vadd.f32 v19, v17;
	v19 =	vmul.f32 v30, v24;
	v28 =	vld.idx.msk [tilespmem:v28+s16+$0x0], $0xffff  }
0x127: {  	v12 =	vadd.f32 v14, v12;
	v14 =	vmul.f32 v21, v24;
	v24 =	vor.u32 $0xD, v4;
	v21 =	vld.idx.msk [tilespmem:v27+s18+$0x0], $0xffff  }
0x128: {  	v17 =	vadd.f32 v19, v17;
	v19 =	vmul.f32 v26, v18;
	v26 =	vor.u32 $0xD, v6;
	v25 =	vld.idx.msk [tilespmem:v25+s16+$0x0], $0xffff  }
0x129: {  	v12 =	vadd.f32 v14, v12;
	v14 =	vmul.f32 v22, v18;
	v22 =	vor.u32 $0xE, v4;
	v18 =	vld.idx.msk [tilespmem:v23+s18+$0x0], $0xffff  }
0x12a: {  	v17 =	vadd.f32 v19, v17;
	v19 =	vmul.f32 v20, v10;
	v23 =	vor.u32 $0xE, v6;
	v20 =	vld.idx.msk [tilespmem:v16+s16+$0x0], $0xffff  }
0x12b: {  	v4 =	vor.u32 $0xF, v4;
	v12 =	vadd.f32 v14, v12;
	v10 =	vmul.f32 v15, v10;
	v27 =	vld.idx.msk [tilespmem:v29+s18+$0x0], $0xffff  }
0x12c: {  	v14 =	vadd.f32 v19, v17;
	v17 =	vmul.f32 v28, v9;
	v16 =	vld.idx.msk [tilespmem:v24+s16+$0x0], $0xffff;
	v24 =	vor.u32 $0xF, v6  }
.Ltmp0:
0x12d: {  	v11 =	vand.u32 $0x70, v11;
	v12 =	vadd.f32 v10, v12;
	v9 =	vmul.f32 v21, v9;
	v15 =	vld.idx.msk [tilespmem:v26+s18+$0x0], $0xffff;
	(pc) =	sbr.rel @p0 .LBB2_2-.Ltmp0, $4  }
0x12e: {  	v13 =	vand.u32 $0x70, v13;
	v17 =	vadd.f32 v17, v14;
	v19 =	vmul.f32 v25, v7;
	v10 =	vld.idx.msk [tilespmem:v22+s16+$0x0], $0xffff  }
0x12f: {  	v6 =	vand.u32 $0x70, v35;
	v12 =	vadd.f32 v9, v12;
	v18 =	vmul.f32 v18, v7;
	v9 =	vld.idx.msk [tilespmem:v23+s18+$0x0], $0xffff  }
0x130: {  	v14 =	vor.u32 v5, v11;
	v17 =	vadd.f32 v19, v17;
	v19 =	vmul.f32 v20, v8;
	v7 =	vld.idx.msk [tilespmem:v4+s16+$0x0], $0xffff  }
0x131: {  	s0 =	sadd.s32 $0x10, s0;
	v4 =	vor.u32 v5, v13;
	v18 =	vadd.f32 v18, v12;
	v20 =	vmul.f32 v27, v8;
	v8 =	vld.idx.msk [tilespmem:v24+s18+$0x0], $0xffff  }
0x132: {  	_ = 	snop  }
0x133: {  	v13 =	vor.u32 v5, v6  }
0x134: {  	v5 =	vor.u32 $0xF, v14  }
0x135: {  	v6 =	vor.u32 $0xE, v14  }
0x136: {  	v21 =	vld.idx.msk [tilespmem:v14+s14+$0x0], $0xffff;
	v11 =	vor.u32 $0xD, v14  }
0x137: {  	v22 =	vld.idx.msk [tilespmem:v4+s16+$0x0], $0xffff;
	v12 =	vor.u32 $0xC, v14  }
0x138: {  	v24 =	vor.u32 $0xB, v14;
	v23 =	vld.idx.msk [tilespmem:v13+s18+$0x0], $0xffff  }
0x139: {  	v25 =	vor.u32 $0xA, v14;
	v5 =	vld.idx.msk [tilespmem:v5+s14+$0x0], $0xffff  }
0x13a: {  	v26 =	vor.u32 $0x9, v14;
	v6 =	vld.idx.msk [tilespmem:v6+s14+$0x0], $0xffff  }
0x13b: {  	v27 =	vor.u32 $0x8, v14;
	v11 =	vld.idx.msk [tilespmem:v11+s14+$0x0], $0xffff  }
0x13c: {  	v28 =	vor.u32 $0x7, v14;
	v12 =	vld.idx.msk [tilespmem:v12+s14+$0x0], $0xffff  }
0x13d: {  	v29 =	vor.u32 $0x6, v14;
	v24 =	vld.idx.msk [tilespmem:v24+s14+$0x0], $0xffff  }
0x13e: {  	v30 =	vor.u32 $0x5, v14;
	v25 =	vld.idx.msk [tilespmem:v25+s14+$0x0], $0xffff  }
0x13f: {  	v31 =	vor.u32 $0x4, v14;
	v26 =	vld.idx.msk [tilespmem:v26+s14+$0x0], $0xffff  }
0x140: {  	v32 =	vor.u32 $0x3, v14;
	v27 =	vld.idx.msk [tilespmem:v27+s14+$0x0], $0xffff  }
0x141: {  	v33 =	vor.u32 $0x2, v14;
	v28 =	vld.idx.msk [tilespmem:v28+s14+$0x0], $0xffff  }
0x142: {  	v14 =	vor.u32 $0x1, v14;
	v29 =	vld.idx.msk [tilespmem:v29+s14+$0x0], $0xffff  }
0x143: {  	v34 =	vor.u32 $0x1, v4;
	v30 =	vld.idx.msk [tilespmem:v30+s14+$0x0], $0xffff  }
0x144: {  	v35 =	vor.u32 $0x1, v13;
	v31 =	vld.idx.msk [tilespmem:v31+s14+$0x0], $0xffff  }
0x145: {  	v36 =	vor.u32 $0x2, v4;
	v32 =	vld.idx.msk [tilespmem:v32+s14+$0x0], $0xffff  }
0x146: {  	v37 =	vor.u32 $0x2, v13;
	v33 =	vld.idx.msk [tilespmem:v33+s14+$0x0], $0xffff  }
0x147: {  	v38 =	vor.u32 $0x3, v4;
	v14 =	vld.idx.msk [tilespmem:v14+s14+$0x0], $0xffff  }
0x148: {  	v39 =	vor.u32 $0x3, v13;
	v34 =	vld.idx.msk [tilespmem:v34+s16+$0x0], $0xffff  }
0x149: {  	v40 =	vor.u32 $0x4, v4;
	v35 =	vld.idx.msk [tilespmem:v35+s18+$0x0], $0xffff  }
0x14a: {  	v17 =	vadd.f32 v19, v17;
	v16 =	vmul.f32 v16, v3;
	v44 =	vor.u32 $0x4, v13;
	v19 =	vld.idx.msk [tilespmem:v36+s16+$0x0], $0xffff  }
0x14b: {  	v45 =	vor.u32 $0x5, v4;
	v18 =	vadd.f32 v20, v18;
	v22 =	vmul.f32 v22, v21;
	v20 =	vld.idx.msk [tilespmem:v37+s18+$0x0], $0xffff  }
0x14c: {  	v3 =	vmul.f32 v15, v3;
	v46 =	vor.u32 $0x5, v13;
	v15 =	vld.idx.msk [tilespmem:v38+s16+$0x0], $0xffff;
	v21 =	vmul.f32 v23, v21  }
0x14d: {  	v47 =	vor.u32 $0x6, v4;
	v22 =	vadd.f32 $0.0e+00, v22;
	v23 =	vld.idx.msk [tilespmem:v39+s18+$0x0], $0xffff;
	v34 =	vmul.f32 v34, v14  }
0x14e: {  	v48 =	vor.u32 $0x6, v13;
	v40 =	vld.idx.msk [tilespmem:v40+s16+$0x0], $0xffff;
	v14 =	vmul.f32 v35, v14;
	v21 =	vadd.f32 $0.0e+00, v21  }
0x14f: {  	v49 =	vor.u32 $0x7, v4;
	v36 =	vld.idx.msk [tilespmem:v44+s18+$0x0], $0xffff;
	v19 =	vmul.f32 v19, v33;
	v22 =	vadd.f32 v34, v22  }
0x150: {  	v50 =	vor.u32 $0x7, v13;
	v20 =	vmul.f32 v20, v33;
	v14 =	vadd.f32 v14, v21;
	v21 =	vld.idx.msk [tilespmem:v45+s16+$0x0], $0xffff  }
0x151: {  	v51 =	vld.idx.msk [tilespmem:v46+s18+$0x0], $0xffff;
	v15 =	vmul.f32 v15, v32;
	v19 =	vadd.f32 v19, v22;
	v22 =	vor.u32 $0x8, v4  }
0x152: {  	v52 =	vor.u32 $0x8, v13;
	v23 =	vmul.f32 v23, v32;
	v14 =	vadd.f32 v20, v14;
	v20 =	vld.idx.msk [tilespmem:v47+s16+$0x0], $0xffff  }
0x153: {  	v53 =	vmul.f32 v40, v31;
	v35 =	vld.idx.msk [tilespmem:v48+s18+$0x0], $0xffff;
	v15 =	vadd.f32 v15, v19;
	v19 =	vor.u32 $0x9, v4  }
0x154: {  	v54 =	vor.u32 $0x9, v13;
	v31 =	vmul.f32 v36, v31;
	v14 =	vadd.f32 v23, v14;
	v23 =	vld.idx.msk [tilespmem:v49+s16+$0x0], $0xffff  }
0x155: {  	v55 =	vor.u32 $0xA, v4;
	v33 =	vld.idx.msk [tilespmem:v50+s18+$0x0], $0xffff;
	v15 =	vadd.f32 v53, v15;
	v21 =	vmul.f32 v21, v30  }
0x156: {  	v22 =	vld.idx.msk [tilespmem:v22+s16+$0x0], $0xffff;
	v30 =	vmul.f32 v51, v30;
	v14 =	vadd.f32 v31, v14;
	v31 =	vor.u32 $0xA, v13  }
0x157: {  	v32 =	vld.idx.msk [tilespmem:v52+s18+$0x0], $0xffff;
	v15 =	vadd.f32 v21, v15;
	v21 =	vor.u32 $0xB, v4;
	v20 =	vmul.f32 v20, v29  }
0x158: {  	v19 =	vld.idx.msk [tilespmem:v19+s16+$0x0], $0xffff;
	v29 =	vmul.f32 v35, v29;
	v14 =	vadd.f32 v30, v14;
	v30 =	vor.u32 $0xB, v13  }
0x159: {  	v34 =	vld.idx.msk [tilespmem:v54+s18+$0x0], $0xffff;
	v15 =	vadd.f32 v20, v15;
	v20 =	vor.u32 $0xC, v4;
	v23 =	vmul.f32 v23, v28  }
0x15a: {  	v56 =	vor.u32 $0xC, v13;
	v28 =	vmul.f32 v33, v28;
	v14 =	vadd.f32 v29, v14;
	v29 =	vld.idx.msk [tilespmem:v55+s16+$0x0], $0xffff  }
0x15b: {  	v22 =	vmul.f32 v22, v27;
	v31 =	vld.idx.msk [tilespmem:v31+s18+$0x0], $0xffff;
	v15 =	vadd.f32 v23, v15;
	v23 =	vor.u32 $0xD, v4  }
0x15c: {  	v27 =	vmul.f32 v32, v27;
	v14 =	vadd.f32 v28, v14;
	v21 =	vld.idx.msk [tilespmem:v21+s16+$0x0], $0xffff;
	v28 =	vor.u32 $0xD, v13  }
0x15d: {  	v19 =	vmul.f32 v19, v26;
	v30 =	vld.idx.msk [tilespmem:v30+s18+$0x0], $0xffff;
	v15 =	vadd.f32 v22, v15;
	v22 =	vor.u32 $0xE, v4  }
0x15e: {  	v26 =	vmul.f32 v34, v26;
	v14 =	vadd.f32 v27, v14;
	v20 =	vld.idx.msk [tilespmem:v20+s16+$0x0], $0xffff;
	v27 =	vor.u32 $0xE, v13  }
0x15f: {  	v57 =	vld.idx.msk [tilespmem:v56+s18+$0x0], $0xffff;
	v4 =	vor.u32 $0xF, v4;
	v15 =	vadd.f32 v19, v15;
	v19 =	vmul.f32 v29, v25  }
0x160: {  	v13 =	vor.u32 $0xF, v13;
	v23 =	vld.idx.msk [tilespmem:v23+s16+$0x0], $0xffff;
	v14 =	vadd.f32 v26, v14;
	v25 =	vmul.f32 v31, v25  }
0x161: {  	v16 =	vadd.f32 v16, v17;
	v17 =	vld.idx.msk [tilespmem:v28+s18+$0x0], $0xffff;
	v15 =	vadd.f32 v19, v15;
	v19 =	vmul.f32 v21, v24  }
0x162: {  	v10 =	vmul.f32 v10, v2;
	v21 =	vld.idx.msk [tilespmem:v22+s16+$0x0], $0xffff;
	v14 =	vadd.f32 v25, v14;
	v22 =	vmul.f32 v30, v24  }
0x163: {  	v3 =	vadd.f32 v3, v18;
	v18 =	vld.idx.msk [tilespmem:v27+s18+$0x0], $0xffff;
	v15 =	vadd.f32 v19, v15;
	v19 =	vmul.f32 v20, v12  }
0x164: {  	v2 =	vmul.f32 v9, v2;
	v4 =	vld.idx.msk [tilespmem:v4+s16+$0x0], $0xffff;
	v12 =	vmul.f32 v57, v12;
	v9 =	vadd.f32 v22, v14  }
0x165: {  	v7 =	vmul.f32 v7, v1;
	v13 =	vld.idx.msk [tilespmem:v13+s18+$0x0], $0xffff;
	v14 =	vadd.f32 v19, v15;
	v15 =	vmul.f32 v23, v11  }
0x166: {  	v10 =	vadd.f32 v10, v16;
	v9 =	vadd.f32 v12, v9;
	v11 =	vmul.f32 v17, v11  }
0x167: {  	v2 =	vadd.f32 v2, v3;
	v3 =	vadd.f32 v15, v14;
	v12 =	vmul.f32 v21, v6  }
0x168: {  	v1 =	vmul.f32 v8, v1;
	v8 =	vadd.f32 v11, v9;
	v6 =	vmul.f32 v18, v6  }
0x169: {  	v7 =	vadd.f32 v7, v10;
	v4 =	vmul.f32 v4, v5;
	v3 =	vadd.f32 v12, v3  }
0x16a: {  	s0 =	sadd.s32 $0x10, s30;
	v1 =	vadd.f32 v1, v2;
	v5 =	vmul.f32 v13, v5;
	v2 =	vadd.f32 v6, v8  }
0x16b: {  	s2 =	sadd.s32 $0x10, s29;
	[tilespmem:s0+$0x0] =	vst v7;
	v3 =	vadd.f32 v4, v3  }
0x16c: {  	s0 =	sadd.s32 $0x10, s0;
	[tilespmem:s2+$0x0] =	vst v1;
	v1 =	vadd.f32 v5, v2  }
0x16d: {  	s2 =	sadd.s32 $0x10, s2;
	[tilespmem:s0+$0x0] =	vst v3  }
0x16e: {  	s13 =	simm.s32 $0x100;
	[tilespmem:s2+$0x0] =	vst v1  }
0x16f: {  	[tilespmem:s14], [sflag:$0x1] =	stream.indirect.gather [hbm4b:s3+s13], $0x80, s20, s13, $0xb8;
	[tilespmem:$0x19000] =	vst v63  }
0x170: {  	_ = 	snop  }
0x171: {  	[tilespmem:s16], [sflag:$0x1] =	stream.indirect.gather [hbm4b:s4+s13], $0x80, s21, s13, $0xb8;
	[tilespmem:$0x19000] =	vst v63  }
0x172: {  	_ = 	snop  }
0x173: {  	[tilespmem:s18], [sflag:$0x1] =	stream.indirect.gather [hbm4b:s4+s13], $0x80, s22, s13, $0xb8;
	[tilespmem:$0x19000] =	vst v63  }
0x174: {  	_ =	swait.ge [sflag:s19], $0x8000  }
0x175: {  	[sflag:s19] =	ssyncset.done $0x0  }
0x176: {  	[sflag:s19] =	ssyncadd.s32 $0xFFFF8000  }
0x177: {  	_ =	swait.ge [sflag:s19], $0x8000  }
0x178: {  	[sflag:s19] =	ssyncset.done $0x0  }
0x179: {  	[sflag:s19] =	ssyncadd.s32 $0xFFFF8000  }
0x17a: {  	_ =	swait.ge [sflag:s19], $0x8000  }
0x17b: {  	[sflag:s19] =	ssyncset.done $0x0  }
0x17c: {  	[sflag:s19] =	ssyncadd.s32 $0xFFFF8000  }
0x17d: {  	s15 =	simm.s32 $0x300;
	v1 =	vld [tilespmem:s13+$0x0]  }
0x17e: {  	v2 =	vld [tilespmem:s15+$0x0];
	_ =	sdelay $0x1  }
0x17f: {  	s26 =	simm.s32 $0x0  }
0x180: {  	s17 =	simm.s32 $0x500;
	v4 =	vmov s26  }
0x181: {  	v4 =	vshll.u32 v4, $0x7;
	v3 =	vld [tilespmem:s17+$0x0];
	v1 =	vshll.u32 v1, $0x4  }
0x182: {  	v4 =	vor.u32 v0, v4;
	v2 =	vshll.u32 v2, $0x4;
	v1 =	vand.u32 $0x70, v1  }
0x183: {  	v2 =	vand.u32 $0x70, v2;
	v11 =	vor.u32 v4, v1  }
0x184: {  	v15 =	vor.u32 v4, v2  }
0x185: {  	v2 =	vor.u32 $0x8, v15  }
0x186: {  	v1 =	vshll.u32 v3, $0x4;
	v3 =	vor.u32 $0x1, v11  }
0x187: {  	v6 =	vor.u32 $0x2, v11  }
0x188: {  	v8 =	vor.u32 $0x2, v15;
	v18 =	vld.idx.msk [tilespmem:v11+s14+$0x0], $0xffff  }
0x189: {  	v10 =	vor.u32 $0xB, v15;
	v7 =	vld.idx.msk [tilespmem:v15+s16+$0x0], $0xffff  }
0x18a: {  	v12 =	vor.u32 $0x3, v15;
	v2 =	vld.idx.msk [tilespmem:v2+s16+$0x0], $0xffff  }
0x18b: {  	v17 =	vor.u32 $0x3, v11;
	v3 =	vld.idx.msk [tilespmem:v3+s14+$0x0], $0xffff  }
0x18c: {  	v21 =	vor.u32 $0x5, v15;
	v13 =	vld.idx.msk [tilespmem:v6+s14+$0x0], $0xffff  }
0x18d: {  	v1 =	vand.u32 $0x70, v1;
	v22 =	vor.u32 $0x6, v11;
	v8 =	vld.idx.msk [tilespmem:v8+s16+$0x0], $0xffff  }
0x18e: {  	v4 =	vor.u32 v4, v1;
	v1 =	vor.u32 $0x1, v15;
	v19 =	vld.idx.msk [tilespmem:v10+s16+$0x0], $0xffff  }
0x18f: {  	v9 =	vor.u32 $0x2, v4;
	v10 =	vld.idx.msk [tilespmem:v12+s16+$0x0], $0xffff  }
0x190: {  	v23 =	vor.u32 $0x6, v15;
	v17 =	vld.idx.msk [tilespmem:v17+s14+$0x0], $0xffff  }
0x191: {  	v25 =	vor.u32 $0x7, v11;
	v21 =	vld.idx.msk [tilespmem:v21+s16+$0x0], $0xffff  }
0x192: {  	v6 =	vor.u32 $0x3, v4;
	v22 =	vld.idx.msk [tilespmem:v22+s14+$0x0], $0xffff  }
0x193: {  	v14 =	vor.u32 $0x4, v11;
	v1 =	vld.idx.msk [tilespmem:v1+s16+$0x0], $0xffff  }
0x194: {  	v16 =	vld.idx.msk [tilespmem:v9+s18+$0x0], $0xffff;
	v9 =	vor.u32 $0x4, v15  }
0x195: {  	v26 =	vor.u32 $0x7, v15;
	v23 =	vld.idx.msk [tilespmem:v23+s16+$0x0], $0xffff  }
0x196: {  	v12 =	vor.u32 $0x5, v11;
	v25 =	vld.idx.msk [tilespmem:v25+s14+$0x0], $0xffff;
	v7 =	vmul.f32 v7, v18  }
0x197: {  	v5 =	vor.u32 $0x1, v4;
	v20 =	vld.idx.msk [tilespmem:v6+s18+$0x0], $0xffff  }
0x198: {  	v27 =	vor.u32 $0x8, v11;
	v6 =	vld.idx.msk [tilespmem:v14+s14+$0x0], $0xffff;
	v1 =	vmul.f32 v1, v3;
	v7 =	vadd.f32 $0.0e+00, v7  }
0x199: {  	v24 =	vor.u32 $0x6, v4;
	v9 =	vld.idx.msk [tilespmem:v9+s16+$0x0], $0xffff  }
0x19a: {  	v26 =	vld.idx.msk [tilespmem:v26+s16+$0x0], $0xffff;
	v14 =	vor.u32 $0x5, v4;
	v8 =	vmul.f32 v8, v13;
	v1 =	vadd.f32 v1, v7  }
0x19b: {  	v12 =	vld.idx.msk [tilespmem:v12+s14+$0x0], $0xffff;
	v7 =	vor.u32 $0x7, v4  }
0x19c: {  	v28 =	vor.u32 $0x9, v11;
	v5 =	vld.idx.msk [tilespmem:v5+s18+$0x0], $0xffff;
	v1 =	vadd.f32 v8, v1;
	v8 =	vmul.f32 v10, v17  }
0x19d: {  	v10 =	vld.idx.msk [tilespmem:v27+s14+$0x0], $0xffff;
	v27 =	vor.u32 $0xC, v15  }
0x19e: {  	v29 =	vor.u32 $0x9, v15;
	v24 =	vld.idx.msk [tilespmem:v24+s18+$0x0], $0xffff;
	v9 =	vmul.f32 v9, v6;
	v1 =	vadd.f32 v8, v1  }
0x19f: {  	v14 =	vld.idx.msk [tilespmem:v14+s18+$0x0], $0xffff;
	v8 =	vor.u32 $0xA, v11  }
0x1a0: {  	v31 =	vor.u32 $0xA, v15;
	v21 =	vmul.f32 v21, v12;
	v30 =	vld.idx.msk [tilespmem:v7+s18+$0x0], $0xffff;
	v1 =	vadd.f32 v9, v1  }
0x1a1: {  	v7 =	vld.idx.msk [tilespmem:v28+s14+$0x0], $0xffff  }
0x1a2: {  	v23 =	vmul.f32 v23, v22;
	v9 =	vor.u32 $0xB, v11;
	v61 =	vld.idx.msk [tilespmem:v27+s16+$0x0], $0xffff;
	v1 =	vadd.f32 v21, v1  }
0x1a3: {  	v60 =	vor.u32 $0x4, v4;
	v21 =	vld.idx.msk [tilespmem:v29+s16+$0x0], $0xffff  }
0x1a4: {  	v28 =	vor.u32 $0xC, v11;
	v8 =	vld.idx.msk [tilespmem:v8+s14+$0x0], $0xffff;
	v1 =	vadd.f32 v23, v1;
	v23 =	vmul.f32 v26, v25  }
0x1a5: {  	v29 =	vor.u32 $0xF, v4;
	v26 =	vld.idx.msk [tilespmem:v31+s16+$0x0], $0xffff  }
0x1a6: {  	v2 =	vmul.f32 v2, v10;
	v31 =	vld.idx.msk [tilespmem:v4+s18+$0x0], $0xffff;
	v1 =	vadd.f32 v23, v1  }
0x1a7: {  	v58 =	vor.u32 $0xD, v11;
	v32 =	vor.u32 $0xE, v15;
	v59 =	vmul.f32 v5, v3;
	v9 =	vld.idx.msk [tilespmem:v9+s14+$0x0], $0xffff  }
0x1a8: {  	v27 =	vld.idx.msk [tilespmem:v60+s18+$0x0], $0xffff;
	v23 =	vor.u32 $0xD, v15;
	v21 =	vmul.f32 v21, v7;
	v3 =	vadd.f32 v2, v1  }
0x1a9: {  	v62 =	vor.u32 $0xE, v4;
	v16 =	vmul.f32 v16, v13;
	v13 =	vmul.f32 v24, v22;
	v2 =	vld.idx.msk [tilespmem:v28+s14+$0x0], $0xffff  }
0x1aa: {  	s2 =	simm.s32 $0x110;
	v17 =	vmul.f32 v20, v17;
	v1 =	vld.idx.msk [tilespmem:v29+s18+$0x0], $0xffff;
	v20 =	vadd.f32 v21, v3;
	v21 =	vmul.f32 v26, v8  }
0x1ab: {  	v5 =	vor.u32 $0xE, v11;
	v12 =	vmul.f32 v14, v12;
	v18 =	vmul.f32 v31, v18;
	v31 =	vld [tilespmem:s2+$0x0]  }
0x1ac: {  	v14 =	vmul.f32 v30, v25;
	v3 =	vld.idx.msk [tilespmem:v58+s14+$0x0], $0xffff;
	v22 =	vmul.f32 v19, v9;
	v21 =	vadd.f32 v21, v20  }
0x1ad: {  	s31 =	simm.s32 $0x510;
	v30 =	vor.u32 $0x8, v4;
	v19 =	vor.u32 $0xF, v11;
	v24 =	vld.idx.msk [tilespmem:v23+s16+$0x0], $0xffff;
	v11 =	vadd.f32 $0.0e+00, v18  }
0x1ae: {  	s0 =	simm.s32 $0x310;
	v23 =	vld [tilespmem:s31+$0x0];
	v18 =	vor.u32 $0xF, v15;
	v63 =	vmul.f32 v61, v2;
	v25 =	vadd.f32 v22, v21  }
0x1af: {  	s28 =	simm.s32 $0x18D00;
	s29 =	simm.s32 $0x18D10;
	s30 =	simm.s32 $0x18F00;
	v28 =	vor.u32 $0xA, v4;
	v26 =	vor.u32 $0xB, v4;
	v20 =	vld [tilespmem:s0+$0x0];
	v22 =	vor.u32 $0xD, v4  }
0x1b0: {  	s26 =	simm.s32 $0x18F00;
	s13 =	simm.s32 $0x100;
	s15 =	simm.s32 $0x110;
	v29 =	vadd.f32 v59, v11;
	v11 =	vld.idx.msk [tilespmem:v62+s18+$0x0], $0xffff;
	v21 =	vor.u32 $0xC, v4;
	v25 =	vadd.f32 v63, v25  }
.LBB2_4:
0x1b1: {  	s17 =	sadd.s32 $0xFFFFFF10, s13  }
0x1b2: {  	v15 =	vadd.f32 v16, v29;
	v4 =	vor.u32 $0x9, v4;
	v16 =	vmul.f32 v24, v3;
	v24 =	vld.idx.msk [tilespmem:v19+s14+$0x0], $0xffff;
	s26 =	sadd.s32 $0x10, s26;
	s13 =	smov.u32 s15;
	s15 =	sadd.s32 $0x10, s15  }
0x1b3: {  	v6 =	vmul.f32 v27, v6;
	p0 =	slt.u32 s15, $0x1F0;
	v19 =	vmov s17;
	v23 =	vshll.u32 v23, $0x4;
	v27 =	vld.idx.msk [tilespmem:v18+s16+$0x0], $0xffff  }
0x1b4: {  	v18 =	vshll.u32 v20, $0x4;
	v20 =	vand.u32 $0x70, v23;
	v15 =	vadd.f32 v17, v15;
	v17 =	vld.idx.msk [tilespmem:v22+s18+$0x0], $0xffff  }
0x1b5: {  	v19 =	vshll.u32 v19, $0x7;
	v22 =	vshll.u32 v31, $0x4;
	v23 =	vand.u32 $0x70, v18;
	v29 =	vld.idx.msk [tilespmem:v32+s16+$0x0], $0xffff  }
0x1b6: {  	v19 =	vor.u32 v0, v19;
	v18 =	vand.u32 $0x70, v22;
	v6 =	vadd.f32 v6, v15;
	v22 =	vld.idx.msk [tilespmem:v30+s18+$0x0], $0xffff  }
0x1b7: {  	v16 =	vadd.f32 v16, v25;
	v18 =	vor.u32 v19, v18;
	v25 =	vld.idx.msk [tilespmem:v5+s14+$0x0], $0xffff  }
0x1b8: {  	v15 =	vor.u32 v19, v23;
	v5 =	vor.u32 $0xE, v18;
	v6 =	vadd.f32 v12, v6;
	v12 =	vld.idx.msk [tilespmem:v4+s18+$0x0], $0xffff  }
0x1b9: {  	v4 =	vor.u32 v19, v20;
	v20 =	vor.u32 $0x8, v15;
	v27 =	vmul.f32 v27, v24;
	v23 =	vld.idx.msk [tilespmem:v28+s18+$0x0], $0xffff  }
0x1ba: {  	v28 =	vor.u32 $0x1, v18;
	v6 =	vadd.f32 v13, v6;
	v13 =	vld.idx.msk [tilespmem:v21+s18+$0x0], $0xffff  }
0x1bb: {  	v21 =	vor.u32 $0x1, v15;
	v26 =	vld.idx.msk [tilespmem:v26+s18+$0x0], $0xffff  }
0x1bc: {  	v30 =	vor.u32 $0x1, v4;
	v10 =	vmul.f32 v22, v10;
	v19 =	vld.idx.msk [tilespmem:v18+s14+$0x0], $0xffff;
	v6 =	vadd.f32 v14, v6  }
0x1bd: {  	v22 =	vor.u32 $0x2, v18;
	v29 =	vmul.f32 v29, v25;
	v11 =	vmul.f32 v11, v25;
	v14 =	vld.idx.msk [tilespmem:v15+s16+$0x0], $0xffff  }
0x1be: {  	v25 =	vor.u32 $0x2, v15;
	v7 =	vmul.f32 v12, v7;
	v20 =	vld.idx.msk [tilespmem:v20+s16+$0x0], $0xffff;
	v6 =	vadd.f32 v10, v6  }
0x1bf: {  	v12 =	vor.u32 $0x2, v4;
	v8 =	vmul.f32 v23, v8;
	v16 =	vadd.f32 v29, v16;
	v10 =	vld.idx.msk [tilespmem:v28+s14+$0x0], $0xffff  }
0x1c0: {  	v23 =	vor.u32 $0x3, v18;
	v28 =	vor.u32 $0xB, v15;
	v21 =	vld.idx.msk [tilespmem:v21+s16+$0x0], $0xffff;
	v6 =	vadd.f32 v7, v6  }
0x1c1: {  	v29 =	vor.u32 $0x3, v15;
	v16 =	vadd.f32 v27, v16;
	v7 =	vld.idx.msk [tilespmem:v30+s18+$0x0], $0xffff  }
0x1c2: {  	v27 =	vor.u32 $0x3, v4;
	v22 =	vld.idx.msk [tilespmem:v22+s14+$0x0], $0xffff;
	v6 =	vadd.f32 v8, v6;
	v8 =	vmul.f32 v26, v9  }
0x1c3: {  	v9 =	vmul.f32 v14, v19;
	v14 =	vld.idx.msk [tilespmem:v25+s16+$0x0], $0xffff;
	v25 =	vor.u32 $0x4, v18;
	[tilespmem:s28+$0x0] =	vst v16;
	s28 =	smov.u32 s29  }
0x1c4: {  	v2 =	vmul.f32 v13, v2;
	v16 =	vor.u32 $0x4, v15;
	v12 =	vld.idx.msk [tilespmem:v12+s18+$0x0], $0xffff;
	v6 =	vadd.f32 v8, v6  }
0x1c5: {  	v3 =	vmul.f32 v17, v3;
	v26 =	vor.u32 $0x4, v4;
	v28 =	vld.idx.msk [tilespmem:v28+s16+$0x0], $0xffff  }
0x1c6: {  	v17 =	vor.u32 $0x5, v18;
	v8 =	vmul.f32 v21, v10;
	v13 =	vld.idx.msk [tilespmem:v29+s16+$0x0], $0xffff;
	v2 =	vadd.f32 v2, v6  }
0x1c7: {  	v21 =	vmul.f32 v7, v10;
	v10 =	vor.u32 $0x5, v15;
	v7 =	vld.idx.msk [tilespmem:v27+s18+$0x0], $0xffff  }
0x1c8: {  	v6 =	vld.idx.msk [tilespmem:v25+s14+$0x0], $0xffff;
	v25 =	vor.u32 $0x5, v4;
	v2 =	vadd.f32 v3, v2  }
0x1c9: {  	v27 =	vor.u32 $0x6, v18;
	v3 =	vmul.f32 v14, v22;
	v14 =	vld.idx.msk [tilespmem:v16+s16+$0x0], $0xffff  }
0x1ca: {  	v1 =	vmul.f32 v1, v24;
	v29 =	vor.u32 $0x6, v15;
	v23 =	vld.idx.msk [tilespmem:v23+s14+$0x0], $0xffff;
	v2 =	vadd.f32 v11, v2  }
0x1cb: {  	v16 =	vmul.f32 v12, v22;
	v12 =	vor.u32 $0x6, v4;
	v11 =	vld.idx.msk [tilespmem:v17+s14+$0x0], $0xffff  }
0x1cc: {  	v9 =	vadd.f32 $0.0e+00, v9;
	v22 =	vor.u32 $0x7, v18;
	v10 =	vld.idx.msk [tilespmem:v10+s16+$0x0], $0xffff;
	v1 =	vadd.f32 v1, v2  }
0x1cd: {  	v24 =	vor.u32 $0x7, v15;
	v2 =	vld.idx.msk [tilespmem:v25+s18+$0x0], $0xffff  }
0x1ce: {  	v8 =	vadd.f32 v8, v9;
	v25 =	vor.u32 $0x7, v4;
	v9 =	vld.idx.msk [tilespmem:v27+s14+$0x0], $0xffff;
	[tilespmem:s30+$0x0] =	vst v1;
	s30 =	smov.u32 s26  }
0x1cf: {  	v1 =	vmul.f32 v14, v6;
	v27 =	vor.u32 $0x8, v18;
	v14 =	vld.idx.msk [tilespmem:v29+s16+$0x0], $0xffff;
	v29 =	vor.u32 $0x9, v18  }
0x1d0: {  	v3 =	vadd.f32 v3, v8;
	v8 =	vmul.f32 v13, v23;
	v17 =	vmul.f32 v7, v23;
	v13 =	vld.idx.msk [tilespmem:v12+s18+$0x0], $0xffff  }
0x1d1: {  	v23 =	vor.u32 $0x9, v15;
	v22 =	vld.idx.msk [tilespmem:v22+s14+$0x0], $0xffff  }
0x1d2: {  	v30 =	vor.u32 $0xA, v18;
	v3 =	vadd.f32 v8, v3;
	v8 =	vmul.f32 v10, v11;
	v24 =	vld.idx.msk [tilespmem:v24+s16+$0x0], $0xffff  }
0x1d3: {  	v12 =	vmul.f32 v2, v11;
	v11 =	vor.u32 $0xA, v15;
	v2 =	vld.idx.msk [tilespmem:v25+s18+$0x0], $0xffff  }
0x1d4: {  	v1 =	vadd.f32 v1, v3;
	v10 =	vld.idx.msk [tilespmem:v27+s14+$0x0], $0xffff  }
0x1d5: {  	v25 =	vor.u32 $0xB, v18;
	v3 =	vmul.f32 v14, v9;
	v7 =	vld.idx.msk [tilespmem:v29+s14+$0x0], $0xffff  }
0x1d6: {  	v27 =	vor.u32 $0xC, v15;
	v1 =	vadd.f32 v8, v1;
	v13 =	vmul.f32 v13, v9;
	v23 =	vld.idx.msk [tilespmem:v23+s16+$0x0], $0xffff  }
0x1d7: {  	v29 =	vor.u32 $0xC, v18;
	v8 =	vld.idx.msk [tilespmem:v30+s14+$0x0], $0xffff  }
0x1d8: {  	v1 =	vadd.f32 v3, v1;
	v3 =	vmul.f32 v24, v22;
	v24 =	vor.u32 $0xF, v4;
	v11 =	vld.idx.msk [tilespmem:v11+s16+$0x0], $0xffff  }
0x1d9: {  	v14 =	vmul.f32 v2, v22;
	v22 =	vor.u32 $0xD, v18;
	v30 =	vld.idx.msk [tilespmem:v4+s18+$0x0], $0xffff  }
0x1da: {  	v1 =	vadd.f32 v3, v1;
	v2 =	vmul.f32 v20, v10;
	v20 =	vor.u32 $0xD, v15;
	v9 =	vld.idx.msk [tilespmem:v25+s14+$0x0], $0xffff  }
0x1db: {  	v25 =	vld.idx.msk [tilespmem:v27+s16+$0x0], $0xffff  }
0x1dc: {  	v3 =	vadd.f32 v2, v1;
	v23 =	vmul.f32 v23, v7;
	v2 =	vld.idx.msk [tilespmem:v29+s14+$0x0], $0xffff  }
0x1dd: {  	v1 =	vld.idx.msk [tilespmem:v24+s18+$0x0], $0xffff  }
0x1de: {  	v23 =	vadd.f32 v23, v3;
	v11 =	vmul.f32 v11, v8;
	v3 =	vld.idx.msk [tilespmem:v22+s14+$0x0], $0xffff  }
0x1df: {  	v33 =	vor.u32 $0xE, v4;
	v22 =	vmul.f32 v30, v19;
	v24 =	vld.idx.msk [tilespmem:v20+s16+$0x0], $0xffff  }
.Ltmp1:
0x1e0: {  	s31 =	sadd.s32 $0x10, s31;
	v19 =	vor.u32 $0xF, v18;
	v11 =	vadd.f32 v11, v23;
	v28 =	vmul.f32 v28, v9;
	v27 =	vld.idx.msk [tilespmem:v26+s18+$0x0], $0xffff;
	(pc) =	sbr.rel @p0 .LBB2_4-.Ltmp1, $4  }
0x1e1: {  	s0 =	sadd.s32 $0x10, s0;
	v18 =	vor.u32 $0xF, v15;
	v29 =	vadd.f32 $0.0e+00, v22;
	v26 =	vor.u32 $0xB, v4;
	v23 =	vld [tilespmem:s31+$0x0]  }
0x1e2: {  	s2 =	sadd.s32 $0x10, s2;
	v22 =	vor.u32 $0xD, v4;
	v11 =	vadd.f32 v28, v11;
	v25 =	vmul.f32 v25, v2;
	v20 =	vld [tilespmem:s0+$0x0]  }
0x1e3: {  	v32 =	vor.u32 $0xE, v15;
	v29 =	vadd.f32 v21, v29;
	v21 =	vor.u32 $0xC, v4;
	v31 =	vld [tilespmem:s2+$0x0]  }
0x1e4: {  	s29 =	sadd.s32 $0x10, s29;
	v30 =	vor.u32 $0x8, v4;
	v28 =	vor.u32 $0xA, v4;
	v25 =	vadd.f32 v25, v11;
	v11 =	vld.idx.msk [tilespmem:v33+s18+$0x0], $0xffff  }
0x1e5: {  	_ =	sdelay $0x3  }
0x1e6: {  	v15 =	vld.idx.msk [tilespmem:v19+s14+$0x0], $0xffff  }
0x1e7: {  	s0 =	sadd.s32 $0xFFFFFF10, s13;
	v18 =	vld.idx.msk [tilespmem:v18+s16+$0x0], $0xffff  }
0x1e8: {  	v33 =	vor.u32 $0x9, v4;
	v4 =	vld.idx.msk [tilespmem:v22+s18+$0x0], $0xffff;
	v60 =	vmov s0  }
0x1e9: {  	v19 =	vld.idx.msk [tilespmem:v32+s16+$0x0], $0xffff;
	v61 =	vshll.u32 v60, $0x7;
	v20 =	vshll.u32 v20, $0x4  }
0x1ea: {  	v30 =	vld.idx.msk [tilespmem:v30+s18+$0x0], $0xffff;
	v31 =	vshll.u32 v31, $0x4;
	v62 =	vor.u32 v0, v61;
	v20 =	vand.u32 $0x70, v20  }
0x1eb: {  	v5 =	vld.idx.msk [tilespmem:v5+s14+$0x0], $0xffff;
	v31 =	vand.u32 $0x70, v31;
	v20 =	vor.u32 v62, v20  }
0x1ec: {  	v28 =	vld.idx.msk [tilespmem:v28+s18+$0x0], $0xffff;
	v23 =	vshll.u32 v23, $0x4;
	v22 =	vor.u32 v62, v31  }
0x1ed: {  	v21 =	vld.idx.msk [tilespmem:v21+s18+$0x0], $0xffff;
	v23 =	vand.u32 $0x70, v23;
	v42 =	vor.u32 $0x8, v20  }
0x1ee: {  	v26 =	vld.idx.msk [tilespmem:v26+s18+$0x0], $0xffff;
	v23 =	vor.u32 v62, v23;
	v43 =	vor.u32 $0x1, v20  }
0x1ef: {  	v63 =	vld.idx.msk [tilespmem:v33+s18+$0x0], $0xffff;
	v36 =	vor.u32 $0x1, v23  }
0x1f0: {  	v16 =	vadd.f32 v16, v29;
	v39 =	vor.u32 $0x2, v20;
	v37 =	vld.idx.msk [tilespmem:v20+s16+$0x0], $0xffff  }
0x1f1: {  	v40 =	vor.u32 $0xB, v20;
	v35 =	vld.idx.msk [tilespmem:v22+s14+$0x0], $0xffff  }
0x1f2: {  	v6 =	vmul.f32 v27, v6;
	v16 =	vadd.f32 v17, v16;
	v45 =	vor.u32 $0x3, v20;
	v33 =	vld.idx.msk [tilespmem:v42+s16+$0x0], $0xffff  }
0x1f3: {  	v46 =	vor.u32 $0x3, v23;
	v32 =	vld.idx.msk [tilespmem:v43+s16+$0x0], $0xffff  }
0x1f4: {  	v6 =	vadd.f32 v6, v16;
	v41 =	vor.u32 $0x4, v20;
	v17 =	vld.idx.msk [tilespmem:v36+s18+$0x0], $0xffff  }
0x1f5: {  	v47 =	vld.idx.msk [tilespmem:v39+s16+$0x0], $0xffff  }
0x1f6: {  	v51 =	vor.u32 $0x5, v23;
	v6 =	vadd.f32 v12, v6;
	v40 =	vld.idx.msk [tilespmem:v40+s16+$0x0], $0xffff  }
0x1f7: {  	v54 =	vor.u32 $0x6, v23;
	v27 =	vld.idx.msk [tilespmem:v45+s16+$0x0], $0xffff  }
0x1f8: {  	v58 =	vor.u32 $0x4, v23;
	v6 =	vadd.f32 v13, v6;
	v13 =	vld.idx.msk [tilespmem:v46+s18+$0x0], $0xffff  }
0x1f9: {  	v10 =	vmul.f32 v30, v10;
	v34 =	vor.u32 $0x1, v22;
	v30 =	vld.idx.msk [tilespmem:v41+s16+$0x0], $0xffff  }
0x1fa: {  	v38 =	vor.u32 $0x2, v22;
	v43 =	vld.idx.msk [tilespmem:v23+s18+$0x0], $0xffff  }
0x1fb: {  	v44 =	vor.u32 $0x2, v23;
	v6 =	vadd.f32 v14, v6;
	v14 =	vld.idx.msk [tilespmem:v51+s18+$0x0], $0xffff  }
0x1fc: {  	v48 =	vor.u32 $0x4, v22;
	v62 =	vld.idx.msk [tilespmem:v54+s18+$0x0], $0xffff  }
0x1fd: {  	v57 =	vmul.f32 v26, v9;
	v49 =	vor.u32 $0x3, v22;
	v9 =	vld.idx.msk [tilespmem:v58+s18+$0x0], $0xffff  }
0x1fe: {  	v52 =	vor.u32 $0x6, v22;
	v29 =	vld.idx.msk [tilespmem:v34+s14+$0x0], $0xffff  }
0x1ff: {  	v24 =	vmul.f32 v24, v3;
	v55 =	vor.u32 $0x7, v22;
	v36 =	vld.idx.msk [tilespmem:v38+s14+$0x0], $0xffff  }
0x200: {  	v56 =	vor.u32 $0x7, v20;
	v34 =	vld.idx.msk [tilespmem:v44+s18+$0x0], $0xffff  }
0x201: {  	v24 =	vadd.f32 v24, v25;
	v53 =	vor.u32 $0x6, v20;
	v39 =	vld.idx.msk [tilespmem:v48+s14+$0x0], $0xffff  }
0x202: {  	v50 =	vor.u32 $0x5, v20;
	v8 =	vmul.f32 v28, v8;
	v60 =	vor.u32 $0x7, v23;
	v12 =	vld.idx.msk [tilespmem:v49+s14+$0x0], $0xffff  }
0x203: {  	v61 =	vor.u32 $0x8, v22;
	v42 =	vor.u32 $0x5, v22;
	v7 =	vmul.f32 v63, v7;
	v26 =	vld.idx.msk [tilespmem:v52+s14+$0x0], $0xffff  }
0x204: {  	v63 =	vor.u32 $0x9, v22;
	v45 =	vor.u32 $0x9, v20;
	v46 =	vor.u32 $0xA, v22;
	v28 =	vld.idx.msk [tilespmem:v55+s14+$0x0], $0xffff  }
0x205: {  	v54 =	vor.u32 $0xC, v20;
	v38 =	vld.idx.msk [tilespmem:v56+s16+$0x0], $0xffff;
	v6 =	vadd.f32 v10, v6;
	v59 =	vmul.f32 v37, v35  }
0x206: {  	v58 =	vor.u32 $0xD, v22;
	v48 =	vor.u32 $0xA, v20;
	v10 =	vld.idx.msk [tilespmem:v53+s16+$0x0], $0xffff;
	v35 =	vmul.f32 v43, v35  }
0x207: {  	v6 =	vadd.f32 v7, v6;
	v7 =	vld.idx.msk [tilespmem:v50+s16+$0x0], $0xffff;
	v32 =	vmul.f32 v32, v29;
	v25 =	vadd.f32 $0.0e+00, v59  }
0x208: {  	v52 =	vor.u32 $0x8, v23;
	v31 =	vld.idx.msk [tilespmem:v42+s14+$0x0], $0xffff;
	v17 =	vmul.f32 v17, v29;
	v35 =	vadd.f32 $0.0e+00, v35  }
0x209: {  	v55 =	vor.u32 $0x9, v23;
	v51 =	vld.idx.msk [tilespmem:v63+s14+$0x0], $0xffff;
	v16 =	vmul.f32 v47, v36;
	v25 =	vadd.f32 v32, v25  }
0x20a: {  	v56 =	vor.u32 $0xC, v22;
	v53 =	vld.idx.msk [tilespmem:v45+s16+$0x0], $0xffff;
	v34 =	vmul.f32 v34, v36;
	v17 =	vadd.f32 v17, v35  }
0x20b: {  	v50 =	vor.u32 $0xB, v22;
	v47 =	vld.idx.msk [tilespmem:v60+s18+$0x0], $0xffff;
	v49 =	vmul.f32 v27, v12;
	v16 =	vadd.f32 v16, v25  }
0x20c: {  	v6 =	vadd.f32 v8, v6;
	v8 =	vld.idx.msk [tilespmem:v61+s14+$0x0], $0xffff;
	v12 =	vmul.f32 v13, v12;
	v17 =	vadd.f32 v34, v17  }
0x20d: {  	v43 =	vor.u32 $0xE, v22;
	v30 =	vmul.f32 v30, v39;
	v29 =	vld.idx.msk [tilespmem:v54+s16+$0x0], $0xffff;
	v16 =	vadd.f32 v49, v16  }
0x20e: {  	v22 =	vor.u32 $0xF, v22;
	v9 =	vmul.f32 v9, v39;
	v59 =	vld.idx.msk [tilespmem:v52+s18+$0x0], $0xffff;
	v12 =	vadd.f32 v12, v17  }
0x20f: {  	v6 =	vadd.f32 v57, v6;
	v32 =	vld.idx.msk [tilespmem:v46+s14+$0x0], $0xffff;
	v7 =	vmul.f32 v7, v31;
	v16 =	vadd.f32 v30, v16  }
0x210: {  	v57 =	vor.u32 $0xA, v23;
	v35 =	vld.idx.msk [tilespmem:v48+s16+$0x0], $0xffff;
	v14 =	vmul.f32 v14, v31;
	v9 =	vadd.f32 v9, v12  }
0x211: {  	v37 =	vor.u32 $0xC, v23;
	v10 =	vmul.f32 v10, v26;
	v27 =	vld.idx.msk [tilespmem:v50+s14+$0x0], $0xffff;
	v7 =	vadd.f32 v7, v16  }
0x212: {  	v26 =	vmul.f32 v62, v26;
	v62 =	vor.u32 $0xB, v23;
	v50 =	vld.idx.msk [tilespmem:v43+s14+$0x0], $0xffff;
	v9 =	vadd.f32 v14, v9  }
0x213: {  	v18 =	vmul.f32 v18, v15;
	v61 =	vmul.f32 v38, v28;
	v17 =	vld.idx.msk [tilespmem:v55+s18+$0x0], $0xffff;
	v7 =	vadd.f32 v10, v7  }
0x214: {  	v19 =	vmul.f32 v19, v5;
	v54 =	vld.idx.msk [tilespmem:v22+s14+$0x0], $0xffff;
	v28 =	vmul.f32 v47, v28;
	v9 =	vadd.f32 v26, v9  }
0x215: {  	v60 =	vor.u32 $0xD, v20;
	v36 =	vmul.f32 v33, v8;
	v12 =	vld.idx.msk [tilespmem:v57+s18+$0x0], $0xffff;
	v7 =	vadd.f32 v61, v7  }
0x216: {  	v38 =	vor.u32 $0xD, v23;
	v47 =	vld.idx.msk [tilespmem:v37+s18+$0x0], $0xffff;
	v8 =	vmul.f32 v59, v8;
	v9 =	vadd.f32 v28, v9  }
0x217: {  	v41 =	vor.u32 $0xE, v20;
	v39 =	vmul.f32 v53, v51;
	v44 =	vld.idx.msk [tilespmem:v62+s18+$0x0], $0xffff;
	v7 =	vadd.f32 v36, v7  }
0x218: {  	v63 =	vor.u32 $0xE, v23;
	v30 =	vld.idx.msk [tilespmem:v56+s14+$0x0], $0xffff;
	v42 =	vmul.f32 v17, v51;
	v8 =	vadd.f32 v8, v9  }
0x219: {  	v46 =	vor.u32 $0xF, v20;
	v45 =	vmul.f32 v35, v32;
	v16 =	vld.idx.msk [tilespmem:v58+s14+$0x0], $0xffff;
	v7 =	vadd.f32 v39, v7  }
0x21a: {  	v23 =	vor.u32 $0xF, v23;
	v14 =	vld.idx.msk [tilespmem:v60+s16+$0x0], $0xffff;
	v12 =	vmul.f32 v12, v32;
	v8 =	vadd.f32 v42, v8  }
0x21b: {  	v2 =	vmul.f32 v21, v2;
	v48 =	vmul.f32 v40, v27;
	v28 =	vld.idx.msk [tilespmem:v38+s18+$0x0], $0xffff;
	v7 =	vadd.f32 v45, v7  }
0x21c: {  	v3 =	vmul.f32 v4, v3;
	v49 =	vld.idx.msk [tilespmem:v41+s16+$0x0], $0xffff;
	v51 =	vmul.f32 v44, v27;
	v8 =	vadd.f32 v12, v8  }
0x21d: {  	v2 =	vadd.f32 v2, v6;
	v26 =	vld.idx.msk [tilespmem:v63+s18+$0x0], $0xffff;
	v53 =	vmul.f32 v29, v30;
	v52 =	vadd.f32 v48, v7  }
0x21e: {  	v5 =	vmul.f32 v11, v5;
	v55 =	vmul.f32 v47, v30;
	v9 =	vld.idx.msk [tilespmem:v46+s16+$0x0], $0xffff;
	v8 =	vadd.f32 v51, v8  }
0x21f: {  	v2 =	vadd.f32 v3, v2;
	v3 =	vld.idx.msk [tilespmem:v23+s18+$0x0], $0xffff;
	v56 =	vmul.f32 v14, v16;
	v6 =	vadd.f32 v53, v52  }
0x220: {  	v1 =	vmul.f32 v1, v15;
	v58 =	vmul.f32 v28, v16;
	v8 =	vadd.f32 v55, v8  }
0x221: {  	v57 =	vadd.f32 v19, v24;
	v60 =	vmul.f32 v49, v50;
	v59 =	vadd.f32 v56, v6  }
0x222: {  	v2 =	vadd.f32 v5, v2;
	v4 =	vmul.f32 v26, v50;
	v61 =	vadd.f32 v58, v8  }
0x223: {  	v62 =	vadd.f32 v18, v57;
	v9 =	vmul.f32 v9, v54;
	v5 =	vadd.f32 v60, v59  }
0x224: {  	v1 =	vadd.f32 v1, v2;
	v3 =	vmul.f32 v3, v54;
	v2 =	vadd.f32 v4, v61  }
0x225: {  	[tilespmem:s28+$0x0] =	vst v62;
	v63 =	vadd.f32 v9, v5  }
0x226: {  	[tilespmem:s30+$0x0] =	vst v1;
	v1 =	vadd.f32 v3, v2  }
0x227: {  	s31 =	sadd.s32 $0x10, s26;
	[tilespmem:s29+$0x0] =	vst v63  }
0x228: {  	[tilespmem:s31+$0x0] =	vst v1  }
0x229: {  	[hbm4b:s7+s1] =	stream.linear.scatter [tilespmem:s23], [sflag:$0x2], $0x200, $0x38;
	[tilespmem:$0x19000] =	vst v63  }
0x22a: {  	s25 =	sadd.s32 $0x1, s25;
	_ =	swait.ge [sflag:s11], $0x200  }
0x22b: {  	p0 =	sne.s32 s25, s10;
	[sflag:s11] =	ssyncset.done $0x0  }
.Ltmp2:
0x22c: {  	[sflag:s11] =	ssyncadd.s32 $0xFFFFFE00;
	(pc) =	sbr.rel @p0 .LBB2_1-.Ltmp2, $4  }
0x22d: {  	[hbm4b:s9+s1] =	stream.linear.scatter [tilespmem:s24], [sflag:$0x2], $0x200, $0x38;
	[tilespmem:$0x19000] =	vst v63  }
0x22e: {  	_ =	swait.ge [sflag:s11], $0x200  }
0x22f: {  	[sflag:s11] =	ssyncset.done $0x0  }
0x230: {  	[sflag:s11] =	ssyncadd.s32 $0xFFFFFE00  }
0x231: {  	_ =	sfence.sel $0x180000  }
0x232: {  	[bflag:$0x0] =	sbarrier.arrive $0xFFFF  }
0x233: {  	_ =	strace $0x90000047  }
0x234: {  	s0 =	stileid.u32;
	[bflag:$0x2] =	sbarrier.arrive $0xFFFF  }
0x235: {  	p0 =	sne.s32 s0, $0x0;
	s0 =	rddreg [dreg:$0x5]  }
0x236: {  	s0 =	sadd.s32 @!p0 $0x100000, s0  }
0x237: {  	[sflag:s0] =	ssyncadd.tile.s32 @!p0 $0x1;
	_ =	shalt  }
.Lfunc_end2:
_tile_overlayer_lowered:
.L_overlay_start_2:
0x238: {  	(tag) =	ssettag $0x2  }
0x239: {  	s0 =	rddreg [dreg:$0x0];
	s2 =	stileid.u32  }
0x23a: {  	s1 =	rddreg [dreg:$0x1];
	p0 =	sne.s32 s2, $0x0  }
0x23b: {  	s3 =	rddreg [dreg:$0x2];
	[bflag:$0x3] =	sbarrier.arrive $0xFFFF;
	s2 =	simm.s32 @!p0 $0x1C02  }
0x23c: {  	[timem:s3], [sflag:s2] =	dma.local @!p0 [hbm:s0], s1  }
0x23d: {  	s0 =	simm.s32 @!p0 $0x2  }
0x23e: {  	_ =	swait.ge @!p0 [sflag:s0], s1  }
0x23f: {  	s1 =	ssub.s32 @!p0 $0x0, s1;
	[sflag:s0] =	ssyncset.done @!p0 $0x0  }
0x240: {  	[sflag:s0] =	ssyncadd.s32 @!p0 s1  }
0x241: {  	[bflag:$0x3] =	sbarrier.arrive $0xFFFF  }
0x242: {  	_ =	shalt  }

</sc_bundles>
